<compile_context>
chip_gen: v7x
topology: tpu7x:2x2x1
jax: 0.10.2.dev20260603
libtpu: 0.0.44.dev20260713+nightly
codegen_flags: <defaults>
</compile_context>

<pallas_src>
import functools
import jax
import jax.numpy as jnp
from jax import lax
from jax.experimental import pallas as pl
from jax.experimental.pallas import tpu as pltpu
from jax.experimental.pallas import tpu_sc as plsc

NUM_EMBEDDINGS = 1000000
EMBED_DIM = 32
BATCH = 16384
FIELDS = 26

BF = BATCH * FIELDS
CHUNK = 128
N_CHUNKS = BF // CHUNK
ROWS_PER_BLOCK = 8


def _make_sc_kernel():
    info = plsc.get_sparse_core_info()
    nw = info.num_cores * info.num_subcores
    chunks_per_w = N_CHUNKS // nw

    mesh = plsc.VectorSubcoreMesh(core_axis_name="c", subcore_axis_name="s")

    @functools.partial(
        pl.kernel,
        out_type=jax.ShapeDtypeStruct((BF, EMBED_DIM), jnp.float32),
        mesh=mesh,
        scratch_types=[
            pltpu.VMEM((chunks_per_w, CHUNK), jnp.int32),
            pltpu.VMEM((CHUNK, EMBED_DIM), jnp.float32),
            pltpu.VMEM((CHUNK, EMBED_DIM), jnp.float32),
            pltpu.VMEM((EMBED_DIM, EMBED_DIM), jnp.float32),
            pltpu.VMEM((EMBED_DIM,), jnp.float32),
            pltpu.SemaphoreType.DMA,
        ],
        compiler_params=pltpu.CompilerParams(use_tc_tiling_on_sc=False),
    )
    def emb_linear(x_hbm, table_hbm, wt_hbm, b_hbm, out_hbm,
                   idx_v, rows_v, out_v, wt_v, b_v, sem):
        wid = lax.axis_index("s") * info.num_cores + lax.axis_index("c")
        chunk0 = wid * chunks_per_w

        pltpu.sync_copy(x_hbm.at[pl.ds(chunk0, chunks_per_w)], idx_v)
        pltpu.sync_copy(wt_hbm, wt_v)
        pltpu.sync_copy(b_hbm, b_v)

        b0 = b_v[0:16]
        b1 = b_v[16:32]

        def do_chunk(c, _):
            pltpu.async_copy(table_hbm.at[idx_v.at[c]], rows_v, sem).wait()

            def do_block(rb, _):
                base = rb * ROWS_PER_BLOCK
                rows = [(rows_v[base + r, 0:16], rows_v[base + r, 16:32])
                        for r in range(ROWS_PER_BLOCK)]
                acc0 = [b0] * ROWS_PER_BLOCK
                acc1 = [b1] * ROWS_PER_BLOCK
                for d in range(EMBED_DIM):
                    w0 = wt_v[d, 0:16]
                    w1 = wt_v[d, 16:32]
                    for r in range(ROWS_PER_BLOCK):
                        s = rows[r][d // 16][d % 16]
                        acc0[r] = acc0[r] + s * w0
                        acc1[r] = acc1[r] + s * w1
                for r in range(ROWS_PER_BLOCK):
                    out_v[base + r, 0:16] = acc0[r]
                    out_v[base + r, 16:32] = acc1[r]
                return 0

            lax.fori_loop(0, CHUNK // ROWS_PER_BLOCK, do_block, 0)
            pltpu.sync_copy(out_v, out_hbm.at[pl.ds((chunk0 + c) * CHUNK, CHUNK)])
            return 0

        lax.fori_loop(0, chunks_per_w, do_chunk, 0)

    return emb_linear


_sc_kernel = _make_sc_kernel()


@jax.jit
def kernel(x, table, W, b):
    x2d = x.astype(jnp.int32).reshape(N_CHUNKS, CHUNK)
    wt = W.T
    out = _sc_kernel(x2d, table, wt, b)
    return out.reshape(BATCH, FIELDS, EMBED_DIM)

# --- scband reference (transcript-rebuilt; emitter-appended) ---
"""Pipeline reference for scband-embedding-model-18674517803419 (READ-ONLY COPY).

The authoritative reference and input builder live on the scoring server;
editing this copy changes nothing except your own understanding.
"""

import jax, jax.numpy as jnp
import numpy as np

NUM_EMBEDDINGS = 1000000
EMBED_DIM = 32
BATCH = 16384
FIELDS = 26

def setup_inputs(seed: int = 0) -> dict:
    key = jax.random.key(seed)
    k1, k2, k3, k4 = jax.random.split(key, 4)
    x = jax.random.randint(k1, (BATCH, FIELDS), 0, NUM_EMBEDDINGS, dtype=jnp.int64 if jax.config.jax_enable_x64 else jnp.int32)
    # embedding table, N(0,1) like nn.Embedding default
    table = jax.random.normal(k2, (NUM_EMBEDDINGS, EMBED_DIM), dtype=jnp.float32)
    # linear layer params, kaiming-uniform-ish init
    bound = 1.0 / np.sqrt(EMBED_DIM)
    W = jax.random.uniform(k3, (EMBED_DIM, EMBED_DIM), minval=-bound, maxval=bound, dtype=jnp.float32)
    b = jax.random.uniform(k4, (EMBED_DIM,), minval=-bound, maxval=bound, dtype=jnp.float32)
    return {"x": x, "table": table, "W": W, "b": b}

def reference(x, table, W, b):
    emb = jnp.take(table, x, axis=0)  # [B, F, D] gather
    out = emb @ W.T + b               # linear layer
    return out

if __name__ == "__main__":
    import jax
    _d = setup_inputs()
    print(jax.jit(kernel)(*tuple(_d.values())))

</pallas_src>

<mosaic_0001>
#map = affine_map<(d0, d1) -> (0, 0)>
#map1 = affine_map<(d0, d1) -> (0)>
module attributes {stable_mosaic.version = 14 : i64} {
  func.func @emb_linear(%arg0: i32, %arg1: i32, %arg2: memref<3328x128xi32, #tpu.memory_space<hbm>>, %arg3: memref<1000000x32xf32, #tpu.memory_space<hbm>>, %arg4: memref<32x32xf32, #tpu.memory_space<hbm>>, %arg5: memref<32xf32, #tpu.memory_space<hbm>>, %arg6: memref<425984x32xf32, #tpu.memory_space<hbm>>, %arg7: memref<104x128xi32, #tpu.memory_space<vmem>>, %arg8: memref<128x32xf32, #tpu.memory_space<vmem>>, %arg9: memref<128x32xf32, #tpu.memory_space<vmem>>, %arg10: memref<32x32xf32, #tpu.memory_space<vmem>>, %arg11: memref<32xf32, #tpu.memory_space<vmem>>, %arg12: memref<!tpu.dma_semaphore, #tpu.memory_space<semaphore_mem>>) attributes {dimension_semantics = [#tpu.dimension_semantics<core_parallel>, #tpu.dimension_semantics<subcore_parallel>], iteration_bounds = array<i64: 2, 16>, scalar_prefetch = 0 : i64, scratch_operands = 6 : i64, tpu.core_type = #tpu.core_type<sc_vector_subcore>, window_params = [{transform_indices = #map}, {transform_indices = #map}, {transform_indices = #map}, {transform_indices = #map1}, {transform_indices = #map}]} {
    %mul3A = arith.constant 2 : i32
    %mul3A_0 = arith.muli %arg1, %mul3A : i32
    %add3A = arith.addi %mul3A_0, %arg0 : i32
    %mul3A_1 = arith.constant 104 : i32
    %mul3A_2 = arith.muli %add3A, %mul3A_1 : i32
    "tpu.region"() ({
      %run_scoped3A = tpu.sem_alloc : memref<!tpu.dma_semaphore, #tpu.memory_space<semaphore_mem>>
      %dma_start3A = arith.constant 0 : i32
      %dma_start3A_14 = tpu.memref_slice %arg2[%mul3A_2, %dma_start3A] : memref<3328x128xi32, #tpu.memory_space<hbm>> -> memref<104x128xi32, #tpu.memory_space<hbm>>
      %dma_start3A_15 = arith.constant 0 : i32
      %dma_start3A_16 = tpu.memref_slice %arg2[%mul3A_2, %dma_start3A_15] : memref<3328x128xi32, #tpu.memory_space<hbm>> -> memref<104x128xi32, #tpu.memory_space<hbm>>
      tpu.enqueue_dma source(%dma_start3A_16 : memref<104x128xi32, #tpu.memory_space<hbm>>) target(%arg7 : memref<104x128xi32, #tpu.memory_space<vmem>>) target_semaphore(%run_scoped3A : memref<!tpu.dma_semaphore, #tpu.memory_space<semaphore_mem>>)
      %dma_wait3A = arith.constant 0 : i32
      %dma_wait3A_17 = tpu.memref_slice %arg2[%mul3A_2, %dma_wait3A] : memref<3328x128xi32, #tpu.memory_space<hbm>> -> memref<104x128xi32, #tpu.memory_space<hbm>>
      %dma_wait3A_18 = arith.constant 0 : i32
      %dma_wait3A_19 = tpu.memref_slice %arg2[%mul3A_2, %dma_wait3A_18] : memref<3328x128xi32, #tpu.memory_space<hbm>> -> memref<104x128xi32, #tpu.memory_space<hbm>>
      tpu.wait_dma2 semaphore(%run_scoped3A : memref<!tpu.dma_semaphore, #tpu.memory_space<semaphore_mem>>) src(%dma_wait3A_19 : memref<104x128xi32, #tpu.memory_space<hbm>>) dst(%arg7 : memref<104x128xi32, #tpu.memory_space<vmem>>)
      tpu.yield
    }) : () -> ()
    "tpu.region"() ({
      %run_scoped3A = tpu.sem_alloc : memref<!tpu.dma_semaphore, #tpu.memory_space<semaphore_mem>>
      tpu.enqueue_dma source(%arg4 : memref<32x32xf32, #tpu.memory_space<hbm>>) target(%arg10 : memref<32x32xf32, #tpu.memory_space<vmem>>) target_semaphore(%run_scoped3A : memref<!tpu.dma_semaphore, #tpu.memory_space<semaphore_mem>>)
      tpu.wait_dma2 semaphore(%run_scoped3A : memref<!tpu.dma_semaphore, #tpu.memory_space<semaphore_mem>>) src(%arg4 : memref<32x32xf32, #tpu.memory_space<hbm>>) dst(%arg10 : memref<32x32xf32, #tpu.memory_space<vmem>>)
      tpu.yield
    }) : () -> ()
    "tpu.region"() ({
      %run_scoped3A = tpu.sem_alloc : memref<!tpu.dma_semaphore, #tpu.memory_space<semaphore_mem>>
      tpu.enqueue_dma source(%arg5 : memref<32xf32, #tpu.memory_space<hbm>>) target(%arg11 : memref<32xf32, #tpu.memory_space<vmem>>) target_semaphore(%run_scoped3A : memref<!tpu.dma_semaphore, #tpu.memory_space<semaphore_mem>>)
      tpu.wait_dma2 semaphore(%run_scoped3A : memref<!tpu.dma_semaphore, #tpu.memory_space<semaphore_mem>>) src(%arg5 : memref<32xf32, #tpu.memory_space<hbm>>) dst(%arg11 : memref<32xf32, #tpu.memory_space<vmem>>)
      tpu.yield
    }) : () -> ()
    %get3A = arith.constant 0 : index
    %get3A_3 = tpu.vector_load %arg11[%get3A] {strides = array<i32>} : memref<32xf32, #tpu.memory_space<vmem>>, vector<16xf32>,
    %get3A_4 = vector.shape_cast %get3A_3 : vector<16xf32> to vector<16xf32>
    %get3A_5 = arith.constant 16 : index
    %get3A_6 = tpu.vector_load %arg11[%get3A_5] {strides = array<i32>} : memref<32xf32, #tpu.memory_space<vmem>>, vector<16xf32>,
    %get3A_7 = vector.shape_cast %get3A_6 : vector<16xf32> to vector<16xf32>
    %scan3A = arith.constant 0 : i32
    %scan3A_8 = arith.constant 0 : i32
    %scan3A_9 = arith.constant 104 : i32
    %scan3A_10 = arith.addi %scan3A_8, %scan3A_9 : i32
    %scan3A_11 = arith.constant 1 : i32
    %scan3A_12 = scf.for %scan3A_14 = %scan3A_8 to %scan3A_10 step %scan3A_11 iter_args(%scan3A_15 = %scan3A) -> (i32)  : i32 {
      %dma_start3A = arith.constant 0 : i32
      %dma_start3A_16 = tpu.memref_slice %arg7[%scan3A_14, %dma_start3A] : memref<104x128xi32, #tpu.memory_space<vmem>> -> memref<1x128xi32, #tpu.memory_space<vmem>>
      %dma_start3A_17 = tpu.memref_squeeze %dma_start3A_16 : memref<1x128xi32, #tpu.memory_space<vmem>> -> memref<128xi32, #tpu.memory_space<vmem>>
      %dma_start3A_18 = arith.constant 0 : i32
      %dma_start3A_19 = arith.constant 0 : i32
      %dma_start3A_20 = tpu.memref_slice %arg3[%dma_start3A_18, %dma_start3A_19] : memref<1000000x32xf32, #tpu.memory_space<hbm>> -> memref<1000000x32xf32, #tpu.memory_space<hbm>>
      tpu.enqueue_indirect_dma source(%dma_start3A_20 : memref<1000000x32xf32, #tpu.memory_space<hbm>>) target(%arg8 : memref<128x32xf32, #tpu.memory_space<vmem>>) offsets(%dma_start3A_17 : memref<128xi32, #tpu.memory_space<vmem>>) semaphore(%arg12 : memref<!tpu.dma_semaphore, #tpu.memory_space<semaphore_mem>>)
      %dma_wait3A = arith.constant 0 : i32
      %dma_wait3A_21 = tpu.memref_slice %arg7[%scan3A_14, %dma_wait3A] : memref<104x128xi32, #tpu.memory_space<vmem>> -> memref<1x128xi32, #tpu.memory_space<vmem>>
      %dma_wait3A_22 = tpu.memref_squeeze %dma_wait3A_21 : memref<1x128xi32, #tpu.memory_space<vmem>> -> memref<128xi32, #tpu.memory_space<vmem>>
      %dma_wait3A_23 = arith.constant 0 : i32
      %dma_wait3A_24 = arith.constant 0 : i32
      %dma_wait3A_25 = tpu.memref_slice %arg3[%dma_wait3A_23, %dma_wait3A_24] : memref<1000000x32xf32, #tpu.memory_space<hbm>> -> memref<1000000x32xf32, #tpu.memory_space<hbm>>
      tpu.wait_indirect_dma semaphore(%arg12 : memref<!tpu.dma_semaphore, #tpu.memory_space<semaphore_mem>>) src(%dma_wait3A_25 : memref<1000000x32xf32, #tpu.memory_space<hbm>>) dst(%arg8 : memref<128x32xf32, #tpu.memory_space<vmem>>)
      %scan3A_26 = arith.constant 0 : i32
      %scan3A_27 = arith.constant 0 : i32
      %scan3A_28 = arith.constant 16 : i32
      %scan3A_29 = arith.addi %scan3A_27, %scan3A_28 : i32
      %scan3A_30 = arith.constant 1 : i32
      %scan3A_31 = scf.for %scan3A_37 = %scan3A_27 to %scan3A_29 step %scan3A_30 iter_args(%scan3A_38 = %scan3A_26) -> (i32)  : i32 {
        %mul3A_39 = arith.constant 8 : i32
        %mul3A_40 = arith.muli %scan3A_37, %mul3A_39 : i32
        %add3A_41 = arith.constant 0 : i32
        %add3A_42 = arith.addi %mul3A_40, %add3A_41 : i32
        %get3A_43 = arith.index_cast %add3A_42 : i32 to index
        %get3A_44 = arith.constant 0 : index
        %get3A_45 = tpu.vector_load %arg8[%get3A_43, %get3A_44] {strides = array<i32>} : memref<128x32xf32, #tpu.memory_space<vmem>>, vector<1x16xf32>,
        %get3A_46 = vector.shape_cast %get3A_45 : vector<1x16xf32> to vector<16xf32>
        %add3A_47 = arith.constant 0 : i32
        %add3A_48 = arith.addi %mul3A_40, %add3A_47 : i32
        %get3A_49 = arith.index_cast %add3A_48 : i32 to index
        %get3A_50 = arith.constant 16 : index
        %get3A_51 = tpu.vector_load %arg8[%get3A_49, %get3A_50] {strides = array<i32>} : memref<128x32xf32, #tpu.memory_space<vmem>>, vector<1x16xf32>,
        %get3A_52 = vector.shape_cast %get3A_51 : vector<1x16xf32> to vector<16xf32>
        %add3A_53 = arith.constant 1 : i32
        %add3A_54 = arith.addi %mul3A_40, %add3A_53 : i32
        %get3A_55 = arith.index_cast %add3A_54 : i32 to index
        %get3A_56 = arith.constant 0 : index
        %get3A_57 = tpu.vector_load %arg8[%get3A_55, %get3A_56] {strides = array<i32>} : memref<128x32xf32, #tpu.memory_space<vmem>>, vector<1x16xf32>,
        %get3A_58 = vector.shape_cast %get3A_57 : vector<1x16xf32> to vector<16xf32>
        %add3A_59 = arith.constant 1 : i32
        %add3A_60 = arith.addi %mul3A_40, %add3A_59 : i32
        %get3A_61 = arith.index_cast %add3A_60 : i32 to index
        %get3A_62 = arith.constant 16 : index
        %get3A_63 = tpu.vector_load %arg8[%get3A_61, %get3A_62] {strides = array<i32>} : memref<128x32xf32, #tpu.memory_space<vmem>>, vector<1x16xf32>,
        %get3A_64 = vector.shape_cast %get3A_63 : vector<1x16xf32> to vector<16xf32>
        %add3A_65 = arith.constant 2 : i32
        %add3A_66 = arith.addi %mul3A_40, %add3A_65 : i32
        %get3A_67 = arith.index_cast %add3A_66 : i32 to index
        %get3A_68 = arith.constant 0 : index
        %get3A_69 = tpu.vector_load %arg8[%get3A_67, %get3A_68] {strides = array<i32>} : memref<128x32xf32, #tpu.memory_space<vmem>>, vector<1x16xf32>,
        %get3A_70 = vector.shape_cast %get3A_69 : vector<1x16xf32> to vector<16xf32>
        %add3A_71 = arith.constant 2 : i32
        %add3A_72 = arith.addi %mul3A_40, %add3A_71 : i32
        %get3A_73 = arith.index_cast %add3A_72 : i32 to index
        %get3A_74 = arith.constant 16 : index
        %get3A_75 = tpu.vector_load %arg8[%get3A_73, %get3A_74] {strides = array<i32>} : memref<128x32xf32, #tpu.memory_space<vmem>>, vector<1x16xf32>,
        %get3A_76 = vector.shape_cast %get3A_75 : vector<1x16xf32> to vector<16xf32>
        %add3A_77 = arith.constant 3 : i32
        %add3A_78 = arith.addi %mul3A_40, %add3A_77 : i32
        %get3A_79 = arith.index_cast %add3A_78 : i32 to index
        %get3A_80 = arith.constant 0 : index
        %get3A_81 = tpu.vector_load %arg8[%get3A_79, %get3A_80] {strides = array<i32>} : memref<128x32xf32, #tpu.memory_space<vmem>>, vector<1x16xf32>,
        %get3A_82 = vector.shape_cast %get3A_81 : vector<1x16xf32> to vector<16xf32>
        %add3A_83 = arith.constant 3 : i32
        %add3A_84 = arith.addi %mul3A_40, %add3A_83 : i32
        %get3A_85 = arith.index_cast %add3A_84 : i32 to index
        %get3A_86 = arith.constant 16 : index
        %get3A_87 = tpu.vector_load %arg8[%get3A_85, %get3A_86] {strides = array<i32>} : memref<128x32xf32, #tpu.memory_space<vmem>>, vector<1x16xf32>,
        %get3A_88 = vector.shape_cast %get3A_87 : vector<1x16xf32> to vector<16xf32>
        %add3A_89 = arith.constant 4 : i32
        %add3A_90 = arith.addi %mul3A_40, %add3A_89 : i32
        %get3A_91 = arith.index_cast %add3A_90 : i32 to index
        %get3A_92 = arith.constant 0 : index
        %get3A_93 = tpu.vector_load %arg8[%get3A_91, %get3A_92] {strides = array<i32>} : memref<128x32xf32, #tpu.memory_space<vmem>>, vector<1x16xf32>,
        %get3A_94 = vector.shape_cast %get3A_93 : vector<1x16xf32> to vector<16xf32>
        %add3A_95 = arith.constant 4 : i32
        %add3A_96 = arith.addi %mul3A_40, %add3A_95 : i32
        %get3A_97 = arith.index_cast %add3A_96 : i32 to index
        %get3A_98 = arith.constant 16 : index
        %get3A_99 = tpu.vector_load %arg8[%get3A_97, %get3A_98] {strides = array<i32>} : memref<128x32xf32, #tpu.memory_space<vmem>>, vector<1x16xf32>,
        %get3A_100 = vector.shape_cast %get3A_99 : vector<1x16xf32> to vector<16xf32>
        %add3A_101 = arith.constant 5 : i32
        %add3A_102 = arith.addi %mul3A_40, %add3A_101 : i32
        %get3A_103 = arith.index_cast %add3A_102 : i32 to index
        %get3A_104 = arith.constant 0 : index
        %get3A_105 = tpu.vector_load %arg8[%get3A_103, %get3A_104] {strides = array<i32>} : memref<128x32xf32, #tpu.memory_space<vmem>>, vector<1x16xf32>,
        %get3A_106 = vector.shape_cast %get3A_105 : vector<1x16xf32> to vector<16xf32>
        %add3A_107 = arith.constant 5 : i32
        %add3A_108 = arith.addi %mul3A_40, %add3A_107 : i32
        %get3A_109 = arith.index_cast %add3A_108 : i32 to index
        %get3A_110 = arith.constant 16 : index
        %get3A_111 = tpu.vector_load %arg8[%get3A_109, %get3A_110] {strides = array<i32>} : memref<128x32xf32, #tpu.memory_space<vmem>>, vector<1x16xf32>,
        %get3A_112 = vector.shape_cast %get3A_111 : vector<1x16xf32> to vector<16xf32>
        %add3A_113 = arith.constant 6 : i32
        %add3A_114 = arith.addi %mul3A_40, %add3A_113 : i32
        %get3A_115 = arith.index_cast %add3A_114 : i32 to index
        %get3A_116 = arith.constant 0 : index
        %get3A_117 = tpu.vector_load %arg8[%get3A_115, %get3A_116] {strides = array<i32>} : memref<128x32xf32, #tpu.memory_space<vmem>>, vector<1x16xf32>,
        %get3A_118 = vector.shape_cast %get3A_117 : vector<1x16xf32> to vector<16xf32>
        %add3A_119 = arith.constant 6 : i32
        %add3A_120 = arith.addi %mul3A_40, %add3A_119 : i32
        %get3A_121 = arith.index_cast %add3A_120 : i32 to index
        %get3A_122 = arith.constant 16 : index
        %get3A_123 = tpu.vector_load %arg8[%get3A_121, %get3A_122] {strides = array<i32>} : memref<128x32xf32, #tpu.memory_space<vmem>>, vector<1x16xf32>,
        %get3A_124 = vector.shape_cast %get3A_123 : vector<1x16xf32> to vector<16xf32>
        %add3A_125 = arith.constant 7 : i32
        %add3A_126 = arith.addi %mul3A_40, %add3A_125 : i32
        %get3A_127 = arith.index_cast %add3A_126 : i32 to index
        %get3A_128 = arith.constant 0 : index
        %get3A_129 = tpu.vector_load %arg8[%get3A_127, %get3A_128] {strides = array<i32>} : memref<128x32xf32, #tpu.memory_space<vmem>>, vector<1x16xf32>,
        %get3A_130 = vector.shape_cast %get3A_129 : vector<1x16xf32> to vector<16xf32>
        %add3A_131 = arith.constant 7 : i32
        %add3A_132 = arith.addi %mul3A_40, %add3A_131 : i32
        %get3A_133 = arith.index_cast %add3A_132 : i32 to index
        %get3A_134 = arith.constant 16 : index
        %get3A_135 = tpu.vector_load %arg8[%get3A_133, %get3A_134] {strides = array<i32>} : memref<128x32xf32, #tpu.memory_space<vmem>>, vector<1x16xf32>,
        %get3A_136 = vector.shape_cast %get3A_135 : vector<1x16xf32> to vector<16xf32>
        %get3A_137 = arith.constant 0 : i32
        %get3A_138 = arith.index_cast %get3A_137 : i32 to index
        %get3A_139 = arith.constant 0 : index
        %get3A_140 = tpu.vector_load %arg10[%get3A_138, %get3A_139] {strides = array<i32>} : memref<32x32xf32, #tpu.memory_space<vmem>>, vector<1x16xf32>,
        %get3A_141 = vector.shape_cast %get3A_140 : vector<1x16xf32> to vector<16xf32>
        %get3A_142 = arith.constant 0 : i32
        %get3A_143 = arith.index_cast %get3A_142 : i32 to index
        %get3A_144 = arith.constant 16 : index
        %get3A_145 = tpu.vector_load %arg10[%get3A_143, %get3A_144] {strides = array<i32>} : memref<32x32xf32, #tpu.memory_space<vmem>>, vector<1x16xf32>,
        %get3A_146 = vector.shape_cast %get3A_145 : vector<1x16xf32> to vector<16xf32>
        %slice3A = vector.extract_strided_slice %get3A_46 {offsets = [0], sizes = [1], strides = [1]} : vector<16xf32> to vector<1xf32>
        %squeeze3A = vector.extract %slice3A[0] : f32 from vector<1xf32>
        %mul3A_147 = vector.broadcast %squeeze3A : f32 to vector<16xf32>
        %mul3A_148 = arith.mulf %mul3A_147, %get3A_141 : vector<16xf32>
        %add3A_149 = arith.addf %get3A_4, %mul3A_148 : vector<16xf32>
        %mul3A_150 = vector.broadcast %squeeze3A : f32 to vector<16xf32>
        %mul3A_151 = arith.mulf %mul3A_150, %get3A_146 : vector<16xf32>
        %add3A_152 = arith.addf %get3A_7, %mul3A_151 : vector<16xf32>
        %slice3A_153 = vector.extract_strided_slice %get3A_58 {offsets = [0], sizes = [1], strides = [1]} : vector<16xf32> to vector<1xf32>
        %squeeze3A_154 = vector.extract %slice3A_153[0] : f32 from vector<1xf32>
        %mul3A_155 = vector.broadcast %squeeze3A_154 : f32 to vector<16xf32>
        %mul3A_156 = arith.mulf %mul3A_155, %get3A_141 : vector<16xf32>
        %add3A_157 = arith.addf %get3A_4, %mul3A_156 : vector<16xf32>
        %mul3A_158 = vector.broadcast %squeeze3A_154 : f32 to vector<16xf32>
        %mul3A_159 = arith.mulf %mul3A_158, %get3A_146 : vector<16xf32>
        %add3A_160 = arith.addf %get3A_7, %mul3A_159 : vector<16xf32>
        %slice3A_161 = vector.extract_strided_slice %get3A_70 {offsets = [0], sizes = [1], strides = [1]} : vector<16xf32> to vector<1xf32>
        %squeeze3A_162 = vector.extract %slice3A_161[0] : f32 from vector<1xf32>
        %mul3A_163 = vector.broadcast %squeeze3A_162 : f32 to vector<16xf32>
        %mul3A_164 = arith.mulf %mul3A_163, %get3A_141 : vector<16xf32>
        %add3A_165 = arith.addf %get3A_4, %mul3A_164 : vector<16xf32>
        %mul3A_166 = vector.broadcast %squeeze3A_162 : f32 to vector<16xf32>
        %mul3A_167 = arith.mulf %mul3A_166, %get3A_146 : vector<16xf32>
        %add3A_168 = arith.addf %get3A_7, %mul3A_167 : vector<16xf32>
        %slice3A_169 = vector.extract_strided_slice %get3A_82 {offsets = [0], sizes = [1], strides = [1]} : vector<16xf32> to vector<1xf32>
        %squeeze3A_170 = vector.extract %slice3A_169[0] : f32 from vector<1xf32>
        %mul3A_171 = vector.broadcast %squeeze3A_170 : f32 to vector<16xf32>
        %mul3A_172 = arith.mulf %mul3A_171, %get3A_141 : vector<16xf32>
        %add3A_173 = arith.addf %get3A_4, %mul3A_172 : vector<16xf32>
        %mul3A_174 = vector.broadcast %squeeze3A_170 : f32 to vector<16xf32>
        %mul3A_175 = arith.mulf %mul3A_174, %get3A_146 : vector<16xf32>
        %add3A_176 = arith.addf %get3A_7, %mul3A_175 : vector<16xf32>
        %slice3A_177 = vector.extract_strided_slice %get3A_94 {offsets = [0], sizes = [1], strides = [1]} : vector<16xf32> to vector<1xf32>
        %squeeze3A_178 = vector.extract %slice3A_177[0] : f32 from vector<1xf32>
        %mul3A_179 = vector.broadcast %squeeze3A_178 : f32 to vector<16xf32>
        %mul3A_180 = arith.mulf %mul3A_179, %get3A_141 : vector<16xf32>
        %add3A_181 = arith.addf %get3A_4, %mul3A_180 : vector<16xf32>
        %mul3A_182 = vector.broadcast %squeeze3A_178 : f32 to vector<16xf32>
        %mul3A_183 = arith.mulf %mul3A_182, %get3A_146 : vector<16xf32>
        %add3A_184 = arith.addf %get3A_7, %mul3A_183 : vector<16xf32>
        %slice3A_185 = vector.extract_strided_slice %get3A_106 {offsets = [0], sizes = [1], strides = [1]} : vector<16xf32> to vector<1xf32>
        %squeeze3A_186 = vector.extract %slice3A_185[0] : f32 from vector<1xf32>
        %mul3A_187 = vector.broadcast %squeeze3A_186 : f32 to vector<16xf32>
        %mul3A_188 = arith.mulf %mul3A_187, %get3A_141 : vector<16xf32>
        %add3A_189 = arith.addf %get3A_4, %mul3A_188 : vector<16xf32>
        %mul3A_190 = vector.broadcast %squeeze3A_186 : f32 to vector<16xf32>
        %mul3A_191 = arith.mulf %mul3A_190, %get3A_146 : vector<16xf32>
        %add3A_192 = arith.addf %get3A_7, %mul3A_191 : vector<16xf32>
        %slice3A_193 = vector.extract_strided_slice %get3A_118 {offsets = [0], sizes = [1], strides = [1]} : vector<16xf32> to vector<1xf32>
        %squeeze3A_194 = vector.extract %slice3A_193[0] : f32 from vector<1xf32>
        %mul3A_195 = vector.broadcast %squeeze3A_194 : f32 to vector<16xf32>
        %mul3A_196 = arith.mulf %mul3A_195, %get3A_141 : vector<16xf32>
        %add3A_197 = arith.addf %get3A_4, %mul3A_196 : vector<16xf32>
        %mul3A_198 = vector.broadcast %squeeze3A_194 : f32 to vector<16xf32>
        %mul3A_199 = arith.mulf %mul3A_198, %get3A_146 : vector<16xf32>
        %add3A_200 = arith.addf %get3A_7, %mul3A_199 : vector<16xf32>
        %slice3A_201 = vector.extract_strided_slice %get3A_130 {offsets = [0], sizes = [1], strides = [1]} : vector<16xf32> to vector<1xf32>
        %squeeze3A_202 = vector.extract %slice3A_201[0] : f32 from vector<1xf32>
        %mul3A_203 = vector.broadcast %squeeze3A_202 : f32 to vector<16xf32>
        %mul3A_204 = arith.mulf %mul3A_203, %get3A_141 : vector<16xf32>
        %add3A_205 = arith.addf %get3A_4, %mul3A_204 : vector<16xf32>
        %mul3A_206 = vector.broadcast %squeeze3A_202 : f32 to vector<16xf32>
        %mul3A_207 = arith.mulf %mul3A_206, %get3A_146 : vector<16xf32>
        %add3A_208 = arith.addf %get3A_7, %mul3A_207 : vector<16xf32>
        %get3A_209 = arith.constant 1 : i32
        %get3A_210 = arith.index_cast %get3A_209 : i32 to index
        %get3A_211 = arith.constant 0 : index
        %get3A_212 = tpu.vector_load %arg10[%get3A_210, %get3A_211] {strides = array<i32>} : memref<32x32xf32, #tpu.memory_space<vmem>>, vector<1x16xf32>,
        %get3A_213 = vector.shape_cast %get3A_212 : vector<1x16xf32> to vector<16xf32>
        %get3A_214 = arith.constant 1 : i32
        %get3A_215 = arith.index_cast %get3A_214 : i32 to index
        %get3A_216 = arith.constant 16 : index
        %get3A_217 = tpu.vector_load %arg10[%get3A_215, %get3A_216] {strides = array<i32>} : memref<32x32xf32, #tpu.memory_space<vmem>>, vector<1x16xf32>,
        %get3A_218 = vector.shape_cast %get3A_217 : vector<1x16xf32> to vector<16xf32>
        %slice3A_219 = vector.extract_strided_slice %get3A_46 {offsets = [1], sizes = [1], strides = [1]} : vector<16xf32> to vector<1xf32>
        %squeeze3A_220 = vector.extract %slice3A_219[0] : f32 from vector<1xf32>
        %mul3A_221 = vector.broadcast %squeeze3A_220 : f32 to vector<16xf32>
        %mul3A_222 = arith.mulf %mul3A_221, %get3A_213 : vector<16xf32>
        %add3A_223 = arith.addf %add3A_149, %mul3A_222 : vector<16xf32>
        %mul3A_224 = vector.broadcast %squeeze3A_220 : f32 to vector<16xf32>
        %mul3A_225 = arith.mulf %mul3A_224, %get3A_218 : vector<16xf32>
        %add3A_226 = arith.addf %add3A_152, %mul3A_225 : vector<16xf32>
        %slice3A_227 = vector.extract_strided_slice %get3A_58 {offsets = [1], sizes = [1], strides = [1]} : vector<16xf32> to vector<1xf32>
        %squeeze3A_228 = vector.extract %slice3A_227[0] : f32 from vector<1xf32>
        %mul3A_229 = vector.broadcast %squeeze3A_228 : f32 to vector<16xf32>
        %mul3A_230 = arith.mulf %mul3A_229, %get3A_213 : vector<16xf32>
        %add3A_231 = arith.addf %add3A_157, %mul3A_230 : vector<16xf32>
        %mul3A_232 = vector.broadcast %squeeze3A_228 : f32 to vector<16xf32>
        %mul3A_233 = arith.mulf %mul3A_232, %get3A_218 : vector<16xf32>
        %add3A_234 = arith.addf %add3A_160, %mul3A_233 : vector<16xf32>
        %slice3A_235 = vector.extract_strided_slice %get3A_70 {offsets = [1], sizes = [1], strides = [1]} : vector<16xf32> to vector<1xf32>
        %squeeze3A_236 = vector.extract %slice3A_235[0] : f32 from vector<1xf32>
        %mul3A_237 = vector.broadcast %squeeze3A_236 : f32 to vector<16xf32>
        %mul3A_238 = arith.mulf %mul3A_237, %get3A_213 : vector<16xf32>
        %add3A_239 = arith.addf %add3A_165, %mul3A_238 : vector<16xf32>
        %mul3A_240 = vector.broadcast %squeeze3A_236 : f32 to vector<16xf32>
        %mul3A_241 = arith.mulf %mul3A_240, %get3A_218 : vector<16xf32>
        %add3A_242 = arith.addf %add3A_168, %mul3A_241 : vector<16xf32>
        %slice3A_243 = vector.extract_strided_slice %get3A_82 {offsets = [1], sizes = [1], strides = [1]} : vector<16xf32> to vector<1xf32>
        %squeeze3A_244 = vector.extract %slice3A_243[0] : f32 from vector<1xf32>
        %mul3A_245 = vector.broadcast %squeeze3A_244 : f32 to vector<16xf32>
        %mul3A_246 = arith.mulf %mul3A_245, %get3A_213 : vector<16xf32>
        %add3A_247 = arith.addf %add3A_173, %mul3A_246 : vector<16xf32>
        %mul3A_248 = vector.broadcast %squeeze3A_244 : f32 to vector<16xf32>
        %mul3A_249 = arith.mulf %mul3A_248, %get3A_218 : vector<16xf32>
        %add3A_250 = arith.addf %add3A_176, %mul3A_249 : vector<16xf32>
        %slice3A_251 = vector.extract_strided_slice %get3A_94 {offsets = [1], sizes = [1], strides = [1]} : vector<16xf32> to vector<1xf32>
        %squeeze3A_252 = vector.extract %slice3A_251[0] : f32 from vector<1xf32>
        %mul3A_253 = vector.broadcast %squeeze3A_252 : f32 to vector<16xf32>
        %mul3A_254 = arith.mulf %mul3A_253, %get3A_213 : vector<16xf32>
        %add3A_255 = arith.addf %add3A_181, %mul3A_254 : vector<16xf32>
        %mul3A_256 = vector.broadcast %squeeze3A_252 : f32 to vector<16xf32>
        %mul3A_257 = arith.mulf %mul3A_256, %get3A_218 : vector<16xf32>
        %add3A_258 = arith.addf %add3A_184, %mul3A_257 : vector<16xf32>
        %slice3A_259 = vector.extract_strided_slice %get3A_106 {offsets = [1], sizes = [1], strides = [1]} : vector<16xf32> to vector<1xf32>
        %squeeze3A_260 = vector.extract %slice3A_259[0] : f32 from vector<1xf32>
        %mul3A_261 = vector.broadcast %squeeze3A_260 : f32 to vector<16xf32>
        %mul3A_262 = arith.mulf %mul3A_261, %get3A_213 : vector<16xf32>
        %add3A_263 = arith.addf %add3A_189, %mul3A_262 : vector<16xf32>
        %mul3A_264 = vector.broadcast %squeeze3A_260 : f32 to vector<16xf32>
        %mul3A_265 = arith.mulf %mul3A_264, %get3A_218 : vector<16xf32>
        %add3A_266 = arith.addf %add3A_192, %mul3A_265 : vector<16xf32>
        %slice3A_267 = vector.extract_strided_slice %get3A_118 {offsets = [1], sizes = [1], strides = [1]} : vector<16xf32> to vector<1xf32>
        %squeeze3A_268 = vector.extract %slice3A_267[0] : f32 from vector<1xf32>
        %mul3A_269 = vector.broadcast %squeeze3A_268 : f32 to vector<16xf32>
        %mul3A_270 = arith.mulf %mul3A_269, %get3A_213 : vector<16xf32>
        %add3A_271 = arith.addf %add3A_197, %mul3A_270 : vector<16xf32>
        %mul3A_272 = vector.broadcast %squeeze3A_268 : f32 to vector<16xf32>
        %mul3A_273 = arith.mulf %mul3A_272, %get3A_218 : vector<16xf32>
        %add3A_274 = arith.addf %add3A_200, %mul3A_273 : vector<16xf32>
        %slice3A_275 = vector.extract_strided_slice %get3A_130 {offsets = [1], sizes = [1], strides = [1]} : vector<16xf32> to vector<1xf32>
        %squeeze3A_276 = vector.extract %slice3A_275[0] : f32 from vector<1xf32>
        %mul3A_277 = vector.broadcast %squeeze3A_276 : f32 to vector<16xf32>
        %mul3A_278 = arith.mulf %mul3A_277, %get3A_213 : vector<16xf32>
        %add3A_279 = arith.addf %add3A_205, %mul3A_278 : vector<16xf32>
        %mul3A_280 = vector.broadcast %squeeze3A_276 : f32 to vector<16xf32>
        %mul3A_281 = arith.mulf %mul3A_280, %get3A_218 : vector<16xf32>
        %add3A_282 = arith.addf %add3A_208, %mul3A_281 : vector<16xf32>
        %get3A_283 = arith.constant 2 : i32
        %get3A_284 = arith.index_cast %get3A_283 : i32 to index
        %get3A_285 = arith.constant 0 : index
        %get3A_286 = tpu.vector_load %arg10[%get3A_284, %get3A_285] {strides = array<i32>} : memref<32x32xf32, #tpu.memory_space<vmem>>, vector<1x16xf32>,
        %get3A_287 = vector.shape_cast %get3A_286 : vector<1x16xf32> to vector<16xf32>
        %get3A_288 = arith.constant 2 : i32
        %get3A_289 = arith.index_cast %get3A_288 : i32 to index
        %get3A_290 = arith.constant 16 : index
        %get3A_291 = tpu.vector_load %arg10[%get3A_289, %get3A_290] {strides = array<i32>} : memref<32x32xf32, #tpu.memory_space<vmem>>, vector<1x16xf32>,
        %get3A_292 = vector.shape_cast %get3A_291 : vector<1x16xf32> to vector<16xf32>
        %slice3A_293 = vector.extract_strided_slice %get3A_46 {offsets = [2], sizes = [1], strides = [1]} : vector<16xf32> to vector<1xf32>
        %squeeze3A_294 = vector.extract %slice3A_293[0] : f32 from vector<1xf32>
        %mul3A_295 = vector.broadcast %squeeze3A_294 : f32 to vector<16xf32>
        %mul3A_296 = arith.mulf %mul3A_295, %get3A_287 : vector<16xf32>
        %add3A_297 = arith.addf %add3A_223, %mul3A_296 : vector<16xf32>
        %mul3A_298 = vector.broadcast %squeeze3A_294 : f32 to vector<16xf32>
        %mul3A_299 = arith.mulf %mul3A_298, %get3A_292 : vector<16xf32>
        %add3A_300 = arith.addf %add3A_226, %mul3A_299 : vector<16xf32>
        %slice3A_301 = vector.extract_strided_slice %get3A_58 {offsets = [2], sizes = [1], strides = [1]} : vector<16xf32> to vector<1xf32>
        %squeeze3A_302 = vector.extract %slice3A_301[0] : f32 from vector<1xf32>
        %mul3A_303 = vector.broadcast %squeeze3A_302 : f32 to vector<16xf32>
        %mul3A_304 = arith.mulf %mul3A_303, %get3A_287 : vector<16xf32>
        %add3A_305 = arith.addf %add3A_231, %mul3A_304 : vector<16xf32>
        %mul3A_306 = vector.broadcast %squeeze3A_302 : f32 to vector<16xf32>
        %mul3A_307 = arith.mulf %mul3A_306, %get3A_292 : vector<16xf32>
        %add3A_308 = arith.addf %add3A_234, %mul3A_307 : vector<16xf32>
        %slice3A_309 = vector.extract_strided_slice %get3A_70 {offsets = [2], sizes = [1], strides = [1]} : vector<16xf32> to vector<1xf32>
        %squeeze3A_310 = vector.extract %slice3A_309[0] : f32 from vector<1xf32>
        %mul3A_311 = vector.broadcast %squeeze3A_310 : f32 to vector<16xf32>
        %mul3A_312 = arith.mulf %mul3A_311, %get3A_287 : vector<16xf32>
        %add3A_313 = arith.addf %add3A_239, %mul3A_312 : vector<16xf32>
        %mul3A_314 = vector.broadcast %squeeze3A_310 : f32 to vector<16xf32>
        %mul3A_315 = arith.mulf %mul3A_314, %get3A_292 : vector<16xf32>
        %add3A_316 = arith.addf %add3A_242, %mul3A_315 : vector<16xf32>
        %slice3A_317 = vector.extract_strided_slice %get3A_82 {offsets = [2], sizes = [1], strides = [1]} : vector<16xf32> to vector<1xf32>
        %squeeze3A_318 = vector.extract %slice3A_317[0] : f32 from vector<1xf32>
        %mul3A_319 = vector.broadcast %squeeze3A_318 : f32 to vector<16xf32>
        %mul3A_320 = arith.mulf %mul3A_319, %get3A_287 : vector<16xf32>
        %add3A_321 = arith.addf %add3A_247, %mul3A_320 : vector<16xf32>
        %mul3A_322 = vector.broadcast %squeeze3A_318 : f32 to vector<16xf32>
        %mul3A_323 = arith.mulf %mul3A_322, %get3A_292 : vector<16xf32>
        %add3A_324 = arith.addf %add3A_250, %mul3A_323 : vector<16xf32>
        %slice3A_325 = vector.extract_strided_slice %get3A_94 {offsets = [2], sizes = [1], strides = [1]} : vector<16xf32> to vector<1xf32>
        %squeeze3A_326 = vector.extract %slice3A_325[0] : f32 from vector<1xf32>
        %mul3A_327 = vector.broadcast %squeeze3A_326 : f32 to vector<16xf32>
        %mul3A_328 = arith.mulf %mul3A_327, %get3A_287 : vector<16xf32>
        %add3A_329 = arith.addf %add3A_255, %mul3A_328 : vector<16xf32>
        %mul3A_330 = vector.broadcast %squeeze3A_326 : f32 to vector<16xf32>
        %mul3A_331 = arith.mulf %mul3A_330, %get3A_292 : vector<16xf32>
        %add3A_332 = arith.addf %add3A_258, %mul3A_331 : vector<16xf32>
        %slice3A_333 = vector.extract_strided_slice %get3A_106 {offsets = [2], sizes = [1], strides = [1]} : vector<16xf32> to vector<1xf32>
        %squeeze3A_334 = vector.extract %slice3A_333[0] : f32 from vector<1xf32>
        %mul3A_335 = vector.broadcast %squeeze3A_334 : f32 to vector<16xf32>
        %mul3A_336 = arith.mulf %mul3A_335, %get3A_287 : vector<16xf32>
        %add3A_337 = arith.addf %add3A_263, %mul3A_336 : vector<16xf32>
        %mul3A_338 = vector.broadcast %squeeze3A_334 : f32 to vector<16xf32>
        %mul3A_339 = arith.mulf %mul3A_338, %get3A_292 : vector<16xf32>
        %add3A_340 = arith.addf %add3A_266, %mul3A_339 : vector<16xf32>
        %slice3A_341 = vector.extract_strided_slice %get3A_118 {offsets = [2], sizes = [1], strides = [1]} : vector<16xf32> to vector<1xf32>
        %squeeze3A_342 = vector.extract %slice3A_341[0] : f32 from vector<1xf32>
        %mul3A_343 = vector.broadcast %squeeze3A_342 : f32 to vector<16xf32>
        %mul3A_344 = arith.mulf %mul3A_343, %get3A_287 : vector<16xf32>
        %add3A_345 = arith.addf %add3A_271, %mul3A_344 : vector<16xf32>
        %mul3A_346 = vector.broadcast %squeeze3A_342 : f32 to vector<16xf32>
        %mul3A_347 = arith.mulf %mul3A_346, %get3A_292 : vector<16xf32>
        %add3A_348 = arith.addf %add3A_274, %mul3A_347 : vector<16xf32>
        %slice3A_349 = vector.extract_strided_slice %get3A_130 {offsets = [2], sizes = [1], strides = [1]} : vector<16xf32> to vector<1xf32>
        %squeeze3A_350 = vector.extract %slice3A_349[0] : f32 from vector<1xf32>
        %mul3A_351 = vector.broadcast %squeeze3A_350 : f32 to vector<16xf32>
        %mul3A_352 = arith.mulf %mul3A_351, %get3A_287 : vector<16xf32>
        %add3A_353 = arith.addf %add3A_279, %mul3A_352 : vector<16xf32>
        %mul3A_354 = vector.broadcast %squeeze3A_350 : f32 to vector<16xf32>
        %mul3A_355 = arith.mulf %mul3A_354, %get3A_292 : vector<16xf32>
        %add3A_356 = arith.addf %add3A_282, %mul3A_355 : vector<16xf32>
        %get3A_357 = arith.constant 3 : i32
        %get3A_358 = arith.index_cast %get3A_357 : i32 to index
        %get3A_359 = arith.constant 0 : index
        %get3A_360 = tpu.vector_load %arg10[%get3A_358, %get3A_359] {strides = array<i32>} : memref<32x32xf32, #tpu.memory_space<vmem>>, vector<1x16xf32>,
        %get3A_361 = vector.shape_cast %get3A_360 : vector<1x16xf32> to vector<16xf32>
        %get3A_362 = arith.constant 3 : i32
        %get3A_363 = arith.index_cast %get3A_362 : i32 to index
        %get3A_364 = arith.constant 16 : index
        %get3A_365 = tpu.vector_load %arg10[%get3A_363, %get3A_364] {strides = array<i32>} : memref<32x32xf32, #tpu.memory_space<vmem>>, vector<1x16xf32>,
        %get3A_366 = vector.shape_cast %get3A_365 : vector<1x16xf32> to vector<16xf32>
        %slice3A_367 = vector.extract_strided_slice %get3A_46 {offsets = [3], sizes = [1], strides = [1]} : vector<16xf32> to vector<1xf32>
        %squeeze3A_368 = vector.extract %slice3A_367[0] : f32 from vector<1xf32>
        %mul3A_369 = vector.broadcast %squeeze3A_368 : f32 to vector<16xf32>
        %mul3A_370 = arith.mulf %mul3A_369, %get3A_361 : vector<16xf32>
        %add3A_371 = arith.addf %add3A_297, %mul3A_370 : vector<16xf32>
        %mul3A_372 = vector.broadcast %squeeze3A_368 : f32 to vector<16xf32>
        %mul3A_373 = arith.mulf %mul3A_372, %get3A_366 : vector<16xf32>
        %add3A_374 = arith.addf %add3A_300, %mul3A_373 : vector<16xf32>
        %slice3A_375 = vector.extract_strided_slice %get3A_58 {offsets = [3], sizes = [1], strides = [1]} : vector<16xf32> to vector<1xf32>
        %squeeze3A_376 = vector.extract %slice3A_375[0] : f32 from vector<1xf32>
        %mul3A_377 = vector.broadcast %squeeze3A_376 : f32 to vector<16xf32>
        %mul3A_378 = arith.mulf %mul3A_377, %get3A_361 : vector<16xf32>
        %add3A_379 = arith.addf %add3A_305, %mul3A_378 : vector<16xf32>
        %mul3A_380 = vector.broadcast %squeeze3A_376 : f32 to vector<16xf32>
        %mul3A_381 = arith.mulf %mul3A_380, %get3A_366 : vector<16xf32>
        %add3A_382 = arith.addf %add3A_308, %mul3A_381 : vector<16xf32>
        %slice3A_383 = vector.extract_strided_slice %get3A_70 {offsets = [3], sizes = [1], strides = [1]} : vector<16xf32> to vector<1xf32>
        %squeeze3A_384 = vector.extract %slice3A_383[0] : f32 from vector<1xf32>
        %mul3A_385 = vector.broadcast %squeeze3A_384 : f32 to vector<16xf32>
        %mul3A_386 = arith.mulf %mul3A_385, %get3A_361 : vector<16xf32>
        %add3A_387 = arith.addf %add3A_313, %mul3A_386 : vector<16xf32>
        %mul3A_388 = vector.broadcast %squeeze3A_384 : f32 to vector<16xf32>
        %mul3A_389 = arith.mulf %mul3A_388, %get3A_366 : vector<16xf32>
        %add3A_390 = arith.addf %add3A_316, %mul3A_389 : vector<16xf32>
        %slice3A_391 = vector.extract_strided_slice %get3A_82 {offsets = [3], sizes = [1], strides = [1]} : vector<16xf32> to vector<1xf32>
        %squeeze3A_392 = vector.extract %slice3A_391[0] : f32 from vector<1xf32>
        %mul3A_393 = vector.broadcast %squeeze3A_392 : f32 to vector<16xf32>
        %mul3A_394 = arith.mulf %mul3A_393, %get3A_361 : vector<16xf32>
        %add3A_395 = arith.addf %add3A_321, %mul3A_394 : vector<16xf32>
        %mul3A_396 = vector.broadcast %squeeze3A_392 : f32 to vector<16xf32>
        %mul3A_397 = arith.mulf %mul3A_396, %get3A_366 : vector<16xf32>
        %add3A_398 = arith.addf %add3A_324, %mul3A_397 : vector<16xf32>
        %slice3A_399 = vector.extract_strided_slice %get3A_94 {offsets = [3], sizes = [1], strides = [1]} : vector<16xf32> to vector<1xf32>
        %squeeze3A_400 = vector.extract %slice3A_399[0] : f32 from vector<1xf32>
        %mul3A_401 = vector.broadcast %squeeze3A_400 : f32 to vector<16xf32>
        %mul3A_402 = arith.mulf %mul3A_401, %get3A_361 : vector<16xf32>
        %add3A_403 = arith.addf %add3A_329, %mul3A_402 : vector<16xf32>
        %mul3A_404 = vector.broadcast %squeeze3A_400 : f32 to vector<16xf32>
        %mul3A_405 = arith.mulf %mul3A_404, %get3A_366 : vector<16xf32>
        %add3A_406 = arith.addf %add3A_332, %mul3A_405 : vector<16xf32>
        %slice3A_407 = vector.extract_strided_slice %get3A_106 {offsets = [3], sizes = [1], strides = [1]} : vector<16xf32> to vector<1xf32>
        %squeeze3A_408 = vector.extract %slice3A_407[0] : f32 from vector<1xf32>
        %mul3A_409 = vector.broadcast %squeeze3A_408 : f32 to vector<16xf32>
        %mul3A_410 = arith.mulf %mul3A_409, %get3A_361 : vector<16xf32>
        %add3A_411 = arith.addf %add3A_337, %mul3A_410 : vector<16xf32>
        %mul3A_412 = vector.broadcast %squeeze3A_408 : f32 to vector<16xf32>
        %mul3A_413 = arith.mulf %mul3A_412, %get3A_366 : vector<16xf32>
        %add3A_414 = arith.addf %add3A_340, %mul3A_413 : vector<16xf32>
        %slice3A_415 = vector.extract_strided_slice %get3A_118 {offsets = [3], sizes = [1], strides = [1]} : vector<16xf32> to vector<1xf32>
        %squeeze3A_416 = vector.extract %slice3A_415[0] : f32 from vector<1xf32>
        %mul3A_417 = vector.broadcast %squeeze3A_416 : f32 to vector<16xf32>
        %mul3A_418 = arith.mulf %mul3A_417, %get3A_361 : vector<16xf32>
        %add3A_419 = arith.addf %add3A_345, %mul3A_418 : vector<16xf32>
        %mul3A_420 = vector.broadcast %squeeze3A_416 : f32 to vector<16xf32>
        %mul3A_421 = arith.mulf %mul3A_420, %get3A_366 : vector<16xf32>
        %add3A_422 = arith.addf %add3A_348, %mul3A_421 : vector<16xf32>
        %slice3A_423 = vector.extract_strided_slice %get3A_130 {offsets = [3], sizes = [1], strides = [1]} : vector<16xf32> to vector<1xf32>
        %squeeze3A_424 = vector.extract %slice3A_423[0] : f32 from vector<1xf32>
        %mul3A_425 = vector.broadcast %squeeze3A_424 : f32 to vector<16xf32>
        %mul3A_426 = arith.mulf %mul3A_425, %get3A_361 : vector<16xf32>
        %add3A_427 = arith.addf %add3A_353, %mul3A_426 : vector<16xf32>
        %mul3A_428 = vector.broadcast %squeeze3A_424 : f32 to vector<16xf32>
        %mul3A_429 = arith.mulf %mul3A_428, %get3A_366 : vector<16xf32>
        %add3A_430 = arith.addf %add3A_356, %mul3A_429 : vector<16xf32>
        %get3A_431 = arith.constant 4 : i32
        %get3A_432 = arith.index_cast %get3A_431 : i32 to index
        %get3A_433 = arith.constant 0 : index
        %get3A_434 = tpu.vector_load %arg10[%get3A_432, %get3A_433] {strides = array<i32>} : memref<32x32xf32, #tpu.memory_space<vmem>>, vector<1x16xf32>,
        %get3A_435 = vector.shape_cast %get3A_434 : vector<1x16xf32> to vector<16xf32>
        %get3A_436 = arith.constant 4 : i32
        %get3A_437 = arith.index_cast %get3A_436 : i32 to index
        %get3A_438 = arith.constant 16 : index
        %get3A_439 = tpu.vector_load %arg10[%get3A_437, %get3A_438] {strides = array<i32>} : memref<32x32xf32, #tpu.memory_space<vmem>>, vector<1x16xf32>,
        %get3A_440 = vector.shape_cast %get3A_439 : vector<1x16xf32> to vector<16xf32>
        %slice3A_441 = vector.extract_strided_slice %get3A_46 {offsets = [4], sizes = [1], strides = [1]} : vector<16xf32> to vector<1xf32>
        %squeeze3A_442 = vector.extract %slice3A_441[0] : f32 from vector<1xf32>
        %mul3A_443 = vector.broadcast %squeeze3A_442 : f32 to vector<16xf32>
        %mul3A_444 = arith.mulf %mul3A_443, %get3A_435 : vector<16xf32>
        %add3A_445 = arith.addf %add3A_371, %mul3A_444 : vector<16xf32>
        %mul3A_446 = vector.broadcast %squeeze3A_442 : f32 to vector<16xf32>
        %mul3A_447 = arith.mulf %mul3A_446, %get3A_440 : vector<16xf32>
        %add3A_448 = arith.addf %add3A_374, %mul3A_447 : vector<16xf32>
        %slice3A_449 = vector.extract_strided_slice %get3A_58 {offsets = [4], sizes = [1], strides = [1]} : vector<16xf32> to vector<1xf32>
        %squeeze3A_450 = vector.extract %slice3A_449[0] : f32 from vector<1xf32>
        %mul3A_451 = vector.broadcast %squeeze3A_450 : f32 to vector<16xf32>
        %mul3A_452 = arith.mulf %mul3A_451, %get3A_435 : vector<16xf32>
        %add3A_453 = arith.addf %add3A_379, %mul3A_452 : vector<16xf32>
        %mul3A_454 = vector.broadcast %squeeze3A_450 : f32 to vector<16xf32>
        %mul3A_455 = arith.mulf %mul3A_454, %get3A_440 : vector<16xf32>
        %add3A_456 = arith.addf %add3A_382, %mul3A_455 : vector<16xf32>
        %slice3A_457 = vector.extract_strided_slice %get3A_70 {offsets = [4], sizes = [1], strides = [1]} : vector<16xf32> to vector<1xf32>
        %squeeze3A_458 = vector.extract %slice3A_457[0] : f32 from vector<1xf32>
        %mul3A_459 = vector.broadcast %squeeze3A_458 : f32 to vector<16xf32>
        %mul3A_460 = arith.mulf %mul3A_459, %get3A_435 : vector<16xf32>
        %add3A_461 = arith.addf %add3A_387, %mul3A_460 : vector<16xf32>
        %mul3A_462 = vector.broadcast %squeeze3A_458 : f32 to vector<16xf32>
        %mul3A_463 = arith.mulf %mul3A_462, %get3A_440 : vector<16xf32>
        %add3A_464 = arith.addf %add3A_390, %mul3A_463 : vector<16xf32>
        %slice3A_465 = vector.extract_strided_slice %get3A_82 {offsets = [4], sizes = [1], strides = [1]} : vector<16xf32> to vector<1xf32>
        %squeeze3A_466 = vector.extract %slice3A_465[0] : f32 from vector<1xf32>
        %mul3A_467 = vector.broadcast %squeeze3A_466 : f32 to vector<16xf32>
        %mul3A_468 = arith.mulf %mul3A_467, %get3A_435 : vector<16xf32>
        %add3A_469 = arith.addf %add3A_395, %mul3A_468 : vector<16xf32>
        %mul3A_470 = vector.broadcast %squeeze3A_466 : f32 to vector<16xf32>
        %mul3A_471 = arith.mulf %mul3A_470, %get3A_440 : vector<16xf32>
        %add3A_472 = arith.addf %add3A_398, %mul3A_471 : vector<16xf32>
        %slice3A_473 = vector.extract_strided_slice %get3A_94 {offsets = [4], sizes = [1], strides = [1]} : vector<16xf32> to vector<1xf32>
        %squeeze3A_474 = vector.extract %slice3A_473[0] : f32 from vector<1xf32>
        %mul3A_475 = vector.broadcast %squeeze3A_474 : f32 to vector<16xf32>
        %mul3A_476 = arith.mulf %mul3A_475, %get3A_435 : vector<16xf32>
        %add3A_477 = arith.addf %add3A_403, %mul3A_476 : vector<16xf32>
        %mul3A_478 = vector.broadcast %squeeze3A_474 : f32 to vector<16xf32>
        %mul3A_479 = arith.mulf %mul3A_478, %get3A_440 : vector<16xf32>
        %add3A_480 = arith.addf %add3A_406, %mul3A_479 : vector<16xf32>
        %slice3A_481 = vector.extract_strided_slice %get3A_106 {offsets = [4], sizes = [1], strides = [1]} : vector<16xf32> to vector<1xf32>
        %squeeze3A_482 = vector.extract %slice3A_481[0] : f32 from vector<1xf32>
        %mul3A_483 = vector.broadcast %squeeze3A_482 : f32 to vector<16xf32>
        %mul3A_484 = arith.mulf %mul3A_483, %get3A_435 : vector<16xf32>
        %add3A_485 = arith.addf %add3A_411, %mul3A_484 : vector<16xf32>
        %mul3A_486 = vector.broadcast %squeeze3A_482 : f32 to vector<16xf32>
        %mul3A_487 = arith.mulf %mul3A_486, %get3A_440 : vector<16xf32>
        %add3A_488 = arith.addf %add3A_414, %mul3A_487 : vector<16xf32>
        %slice3A_489 = vector.extract_strided_slice %get3A_118 {offsets = [4], sizes = [1], strides = [1]} : vector<16xf32> to vector<1xf32>
        %squeeze3A_490 = vector.extract %slice3A_489[0] : f32 from vector<1xf32>
        %mul3A_491 = vector.broadcast %squeeze3A_490 : f32 to vector<16xf32>
        %mul3A_492 = arith.mulf %mul3A_491, %get3A_435 : vector<16xf32>
        %add3A_493 = arith.addf %add3A_419, %mul3A_492 : vector<16xf32>
        %mul3A_494 = vector.broadcast %squeeze3A_490 : f32 to vector<16xf32>
        %mul3A_495 = arith.mulf %mul3A_494, %get3A_440 : vector<16xf32>
        %add3A_496 = arith.addf %add3A_422, %mul3A_495 : vector<16xf32>
        %slice3A_497 = vector.extract_strided_slice %get3A_130 {offsets = [4], sizes = [1], strides = [1]} : vector<16xf32> to vector<1xf32>
        %squeeze3A_498 = vector.extract %slice3A_497[0] : f32 from vector<1xf32>
        %mul3A_499 = vector.broadcast %squeeze3A_498 : f32 to vector<16xf32>
        %mul3A_500 = arith.mulf %mul3A_499, %get3A_435 : vector<16xf32>
        %add3A_501 = arith.addf %add3A_427, %mul3A_500 : vector<16xf32>
        %mul3A_502 = vector.broadcast %squeeze3A_498 : f32 to vector<16xf32>
        %mul3A_503 = arith.mulf %mul3A_502, %get3A_440 : vector<16xf32>
        %add3A_504 = arith.addf %add3A_430, %mul3A_503 : vector<16xf32>
        %get3A_505 = arith.constant 5 : i32
        %get3A_506 = arith.index_cast %get3A_505 : i32 to index
        %get3A_507 = arith.constant 0 : index
        %get3A_508 = tpu.vector_load %arg10[%get3A_506, %get3A_507] {strides = array<i32>} : memref<32x32xf32, #tpu.memory_space<vmem>>, vector<1x16xf32>,
        %get3A_509 = vector.shape_cast %get3A_508 : vector<1x16xf32> to vector<16xf32>
        %get3A_510 = arith.constant 5 : i32
        %get3A_511 = arith.index_cast %get3A_510 : i32 to index
        %get3A_512 = arith.constant 16 : index
        %get3A_513 = tpu.vector_load %arg10[%get3A_511, %get3A_512] {strides = array<i32>} : memref<32x32xf32, #tpu.memory_space<vmem>>, vector<1x16xf32>,
        %get3A_514 = vector.shape_cast %get3A_513 : vector<1x16xf32> to vector<16xf32>
        %slice3A_515 = vector.extract_strided_slice %get3A_46 {offsets = [5], sizes = [1], strides = [1]} : vector<16xf32> to vector<1xf32>
        %squeeze3A_516 = vector.extract %slice3A_515[0] : f32 from vector<1xf32>
        %mul3A_517 = vector.broadcast %squeeze3A_516 : f32 to vector<16xf32>
        %mul3A_518 = arith.mulf %mul3A_517, %get3A_509 : vector<16xf32>
        %add3A_519 = arith.addf %add3A_445, %mul3A_518 : vector<16xf32>
        %mul3A_520 = vector.broadcast %squeeze3A_516 : f32 to vector<16xf32>
        %mul3A_521 = arith.mulf %mul3A_520, %get3A_514 : vector<16xf32>
        %add3A_522 = arith.addf %add3A_448, %mul3A_521 : vector<16xf32>
        %slice3A_523 = vector.extract_strided_slice %get3A_58 {offsets = [5], sizes = [1], strides = [1]} : vector<16xf32> to vector<1xf32>
        %squeeze3A_524 = vector.extract %slice3A_523[0] : f32 from vector<1xf32>
        %mul3A_525 = vector.broadcast %squeeze3A_524 : f32 to vector<16xf32>
        %mul3A_526 = arith.mulf %mul3A_525, %get3A_509 : vector<16xf32>
        %add3A_527 = arith.addf %add3A_453, %mul3A_526 : vector<16xf32>
        %mul3A_528 = vector.broadcast %squeeze3A_524 : f32 to vector<16xf32>
        %mul3A_529 = arith.mulf %mul3A_528, %get3A_514 : vector<16xf32>
        %add3A_530 = arith.addf %add3A_456, %mul3A_529 : vector<16xf32>
        %slice3A_531 = vector.extract_strided_slice %get3A_70 {offsets = [5], sizes = [1], strides = [1]} : vector<16xf32> to vector<1xf32>
        %squeeze3A_532 = vector.extract %slice3A_531[0] : f32 from vector<1xf32>
        %mul3A_533 = vector.broadcast %squeeze3A_532 : f32 to vector<16xf32>
        %mul3A_534 = arith.mulf %mul3A_533, %get3A_509 : vector<16xf32>
        %add3A_535 = arith.addf %add3A_461, %mul3A_534 : vector<16xf32>
        %mul3A_536 = vector.broadcast %squeeze3A_532 : f32 to vector<16xf32>
        %mul3A_537 = arith.mulf %mul3A_536, %get3A_514 : vector<16xf32>
        %add3A_538 = arith.addf %add3A_464, %mul3A_537 : vector<16xf32>
        %slice3A_539 = vector.extract_strided_slice %get3A_82 {offsets = [5], sizes = [1], strides = [1]} : vector<16xf32> to vector<1xf32>
        %squeeze3A_540 = vector.extract %slice3A_539[0] : f32 from vector<1xf32>
        %mul3A_541 = vector.broadcast %squeeze3A_540 : f32 to vector<16xf32>
        %mul3A_542 = arith.mulf %mul3A_541, %get3A_509 : vector<16xf32>
        %add3A_543 = arith.addf %add3A_469, %mul3A_542 : vector<16xf32>
        %mul3A_544 = vector.broadcast %squeeze3A_540 : f32 to vector<16xf32>
        %mul3A_545 = arith.mulf %mul3A_544, %get3A_514 : vector<16xf32>
        %add3A_546 = arith.addf %add3A_472, %mul3A_545 : vector<16xf32>
        %slice3A_547 = vector.extract_strided_slice %get3A_94 {offsets = [5], sizes = [1], strides = [1]} : vector<16xf32> to vector<1xf32>
        %squeeze3A_548 = vector.extract %slice3A_547[0] : f32 from vector<1xf32>
        %mul3A_549 = vector.broadcast %squeeze3A_548 : f32 to vector<16xf32>
        %mul3A_550 = arith.mulf %mul3A_549, %get3A_509 : vector<16xf32>
        %add3A_551 = arith.addf %add3A_477, %mul3A_550 : vector<16xf32>
        %mul3A_552 = vector.broadcast %squeeze3A_548 : f32 to vector<16xf32>
        %mul3A_553 = arith.mulf %mul3A_552, %get3A_514 : vector<16xf32>
        %add3A_554 = arith.addf %add3A_480, %mul3A_553 : vector<16xf32>
        %slice3A_555 = vector.extract_strided_slice %get3A_106 {offsets = [5], sizes = [1], strides = [1]} : vector<16xf32> to vector<1xf32>
        %squeeze3A_556 = vector.extract %slice3A_555[0] : f32 from vector<1xf32>
        %mul3A_557 = vector.broadcast %squeeze3A_556 : f32 to vector<16xf32>
        %mul3A_558 = arith.mulf %mul3A_557, %get3A_509 : vector<16xf32>
        %add3A_559 = arith.addf %add3A_485, %mul3A_558 : vector<16xf32>
        %mul3A_560 = vector.broadcast %squeeze3A_556 : f32 to vector<16xf32>
        %mul3A_561 = arith.mulf %mul3A_560, %get3A_514 : vector<16xf32>
        %add3A_562 = arith.addf %add3A_488, %mul3A_561 : vector<16xf32>
        %slice3A_563 = vector.extract_strided_slice %get3A_118 {offsets = [5], sizes = [1], strides = [1]} : vector<16xf32> to vector<1xf32>
        %squeeze3A_564 = vector.extract %slice3A_563[0] : f32 from vector<1xf32>
        %mul3A_565 = vector.broadcast %squeeze3A_564 : f32 to vector<16xf32>
        %mul3A_566 = arith.mulf %mul3A_565, %get3A_509 : vector<16xf32>
        %add3A_567 = arith.addf %add3A_493, %mul3A_566 : vector<16xf32>
        %mul3A_568 = vector.broadcast %squeeze3A_564 : f32 to vector<16xf32>
        %mul3A_569 = arith.mulf %mul3A_568, %get3A_514 : vector<16xf32>
        %add3A_570 = arith.addf %add3A_496, %mul3A_569 : vector<16xf32>
        %slice3A_571 = vector.extract_strided_slice %get3A_130 {offsets = [5], sizes = [1], strides = [1]} : vector<16xf32> to vector<1xf32>
        %squeeze3A_572 = vector.extract %slice3A_571[0] : f32 from vector<1xf32>
        %mul3A_573 = vector.broadcast %squeeze3A_572 : f32 to vector<16xf32>
        %mul3A_574 = arith.mulf %mul3A_573, %get3A_509 : vector<16xf32>
        %add3A_575 = arith.addf %add3A_501, %mul3A_574 : vector<16xf32>
        %mul3A_576 = vector.broadcast %squeeze3A_572 : f32 to vector<16xf32>
        %mul3A_577 = arith.mulf %mul3A_576, %get3A_514 : vector<16xf32>
        %add3A_578 = arith.addf %add3A_504, %mul3A_577 : vector<16xf32>
        %get3A_579 = arith.constant 6 : i32
        %get3A_580 = arith.index_cast %get3A_579 : i32 to index
        %get3A_581 = arith.constant 0 : index
        %get3A_582 = tpu.vector_load %arg10[%get3A_580, %get3A_581] {strides = array<i32>} : memref<32x32xf32, #tpu.memory_space<vmem>>, vector<1x16xf32>,
        %get3A_583 = vector.shape_cast %get3A_582 : vector<1x16xf32> to vector<16xf32>
        %get3A_584 = arith.constant 6 : i32
        %get3A_585 = arith.index_cast %get3A_584 : i32 to index
        %get3A_586 = arith.constant 16 : index
        %get3A_587 = tpu.vector_load %arg10[%get3A_585, %get3A_586] {strides = array<i32>} : memref<32x32xf32, #tpu.memory_space<vmem>>, vector<1x16xf32>,
        %get3A_588 = vector.shape_cast %get3A_587 : vector<1x16xf32> to vector<16xf32>
        %slice3A_589 = vector.extract_strided_slice %get3A_46 {offsets = [6], sizes = [1], strides = [1]} : vector<16xf32> to vector<1xf32>
        %squeeze3A_590 = vector.extract %slice3A_589[0] : f32 from vector<1xf32>
        %mul3A_591 = vector.broadcast %squeeze3A_590 : f32 to vector<16xf32>
        %mul3A_592 = arith.mulf %mul3A_591, %get3A_583 : vector<16xf32>
        %add3A_593 = arith.addf %add3A_519, %mul3A_592 : vector<16xf32>
        %mul3A_594 = vector.broadcast %squeeze3A_590 : f32 to vector<16xf32>
        %mul3A_595 = arith.mulf %mul3A_594, %get3A_588 : vector<16xf32>
        %add3A_596 = arith.addf %add3A_522, %mul3A_595 : vector<16xf32>
        %slice3A_597 = vector.extract_strided_slice %get3A_58 {offsets = [6], sizes = [1], strides = [1]} : vector<16xf32> to vector<1xf32>
        %squeeze3A_598 = vector.extract %slice3A_597[0] : f32 from vector<1xf32>
        %mul3A_599 = vector.broadcast %squeeze3A_598 : f32 to vector<16xf32>
        %mul3A_600 = arith.mulf %mul3A_599, %get3A_583 : vector<16xf32>
        %add3A_601 = arith.addf %add3A_527, %mul3A_600 : vector<16xf32>
        %mul3A_602 = vector.broadcast %squeeze3A_598 : f32 to vector<16xf32>
        %mul3A_603 = arith.mulf %mul3A_602, %get3A_588 : vector<16xf32>
        %add3A_604 = arith.addf %add3A_530, %mul3A_603 : vector<16xf32>
        %slice3A_605 = vector.extract_strided_slice %get3A_70 {offsets = [6], sizes = [1], strides = [1]} : vector<16xf32> to vector<1xf32>
        %squeeze3A_606 = vector.extract %slice3A_605[0] : f32 from vector<1xf32>
        %mul3A_607 = vector.broadcast %squeeze3A_606 : f32 to vector<16xf32>
        %mul3A_608 = arith.mulf %mul3A_607, %get3A_583 : vector<16xf32>
        %add3A_609 = arith.addf %add3A_535, %mul3A_608 : vector<16xf32>
        %mul3A_610 = vector.broadcast %squeeze3A_606 : f32 to vector<16xf32>
        %mul3A_611 = arith.mulf %mul3A_610, %get3A_588 : vector<16xf32>
        %add3A_612 = arith.addf %add3A_538, %mul3A_611 : vector<16xf32>
        %slice3A_613 = vector.extract_strided_slice %get3A_82 {offsets = [6], sizes = [1], strides = [1]} : vector<16xf32> to vector<1xf32>
        %squeeze3A_614 = vector.extract %slice3A_613[0] : f32 from vector<1xf32>
        %mul3A_615 = vector.broadcast %squeeze3A_614 : f32 to vector<16xf32>
        %mul3A_616 = arith.mulf %mul3A_615, %get3A_583 : vector<16xf32>
        %add3A_617 = arith.addf %add3A_543, %mul3A_616 : vector<16xf32>
        %mul3A_618 = vector.broadcast %squeeze3A_614 : f32 to vector<16xf32>
        %mul3A_619 = arith.mulf %mul3A_618, %get3A_588 : vector<16xf32>
        %add3A_620 = arith.addf %add3A_546, %mul3A_619 : vector<16xf32>
        %slice3A_621 = vector.extract_strided_slice %get3A_94 {offsets = [6], sizes = [1], strides = [1]} : vector<16xf32> to vector<1xf32>
        %squeeze3A_622 = vector.extract %slice3A_621[0] : f32 from vector<1xf32>
        %mul3A_623 = vector.broadcast %squeeze3A_622 : f32 to vector<16xf32>
        %mul3A_624 = arith.mulf %mul3A_623, %get3A_583 : vector<16xf32>
        %add3A_625 = arith.addf %add3A_551, %mul3A_624 : vector<16xf32>
        %mul3A_626 = vector.broadcast %squeeze3A_622 : f32 to vector<16xf32>
        %mul3A_627 = arith.mulf %mul3A_626, %get3A_588 : vector<16xf32>
        %add3A_628 = arith.addf %add3A_554, %mul3A_627 : vector<16xf32>
        %slice3A_629 = vector.extract_strided_slice %get3A_106 {offsets = [6], sizes = [1], strides = [1]} : vector<16xf32> to vector<1xf32>
        %squeeze3A_630 = vector.extract %slice3A_629[0] : f32 from vector<1xf32>
        %mul3A_631 = vector.broadcast %squeeze3A_630 : f32 to vector<16xf32>
        %mul3A_632 = arith.mulf %mul3A_631, %get3A_583 : vector<16xf32>
        %add3A_633 = arith.addf %add3A_559, %mul3A_632 : vector<16xf32>
        %mul3A_634 = vector.broadcast %squeeze3A_630 : f32 to vector<16xf32>
        %mul3A_635 = arith.mulf %mul3A_634, %get3A_588 : vector<16xf32>
        %add3A_636 = arith.addf %add3A_562, %mul3A_635 : vector<16xf32>
        %slice3A_637 = vector.extract_strided_slice %get3A_118 {offsets = [6], sizes = [1], strides = [1]} : vector<16xf32> to vector<1xf32>
        %squeeze3A_638 = vector.extract %slice3A_637[0] : f32 from vector<1xf32>
        %mul3A_639 = vector.broadcast %squeeze3A_638 : f32 to vector<16xf32>
        %mul3A_640 = arith.mulf %mul3A_639, %get3A_583 : vector<16xf32>
        %add3A_641 = arith.addf %add3A_567, %mul3A_640 : vector<16xf32>
        %mul3A_642 = vector.broadcast %squeeze3A_638 : f32 to vector<16xf32>
        %mul3A_643 = arith.mulf %mul3A_642, %get3A_588 : vector<16xf32>
        %add3A_644 = arith.addf %add3A_570, %mul3A_643 : vector<16xf32>
        %slice3A_645 = vector.extract_strided_slice %get3A_130 {offsets = [6], sizes = [1], strides = [1]} : vector<16xf32> to vector<1xf32>
        %squeeze3A_646 = vector.extract %slice3A_645[0] : f32 from vector<1xf32>
        %mul3A_647 = vector.broadcast %squeeze3A_646 : f32 to vector<16xf32>
        %mul3A_648 = arith.mulf %mul3A_647, %get3A_583 : vector<16xf32>
        %add3A_649 = arith.addf %add3A_575, %mul3A_648 : vector<16xf32>
        %mul3A_650 = vector.broadcast %squeeze3A_646 : f32 to vector<16xf32>
        %mul3A_651 = arith.mulf %mul3A_650, %get3A_588 : vector<16xf32>
        %add3A_652 = arith.addf %add3A_578, %mul3A_651 : vector<16xf32>
        %get3A_653 = arith.constant 7 : i32
        %get3A_654 = arith.index_cast %get3A_653 : i32 to index
        %get3A_655 = arith.constant 0 : index
        %get3A_656 = tpu.vector_load %arg10[%get3A_654, %get3A_655] {strides = array<i32>} : memref<32x32xf32, #tpu.memory_space<vmem>>, vector<1x16xf32>,
        %get3A_657 = vector.shape_cast %get3A_656 : vector<1x16xf32> to vector<16xf32>
        %get3A_658 = arith.constant 7 : i32
        %get3A_659 = arith.index_cast %get3A_658 : i32 to index
        %get3A_660 = arith.constant 16 : index
        %get3A_661 = tpu.vector_load %arg10[%get3A_659, %get3A_660] {strides = array<i32>} : memref<32x32xf32, #tpu.memory_space<vmem>>, vector<1x16xf32>,
        %get3A_662 = vector.shape_cast %get3A_661 : vector<1x16xf32> to vector<16xf32>
        %slice3A_663 = vector.extract_strided_slice %get3A_46 {offsets = [7], sizes = [1], strides = [1]} : vector<16xf32> to vector<1xf32>
        %squeeze3A_664 = vector.extract %slice3A_663[0] : f32 from vector<1xf32>
        %mul3A_665 = vector.broadcast %squeeze3A_664 : f32 to vector<16xf32>
        %mul3A_666 = arith.mulf %mul3A_665, %get3A_657 : vector<16xf32>
        %add3A_667 = arith.addf %add3A_593, %mul3A_666 : vector<16xf32>
        %mul3A_668 = vector.broadcast %squeeze3A_664 : f32 to vector<16xf32>
        %mul3A_669 = arith.mulf %mul3A_668, %get3A_662 : vector<16xf32>
        %add3A_670 = arith.addf %add3A_596, %mul3A_669 : vector<16xf32>
        %slice3A_671 = vector.extract_strided_slice %get3A_58 {offsets = [7], sizes = [1], strides = [1]} : vector<16xf32> to vector<1xf32>
        %squeeze3A_672 = vector.extract %slice3A_671[0] : f32 from vector<1xf32>
        %mul3A_673 = vector.broadcast %squeeze3A_672 : f32 to vector<16xf32>
        %mul3A_674 = arith.mulf %mul3A_673, %get3A_657 : vector<16xf32>
        %add3A_675 = arith.addf %add3A_601, %mul3A_674 : vector<16xf32>
        %mul3A_676 = vector.broadcast %squeeze3A_672 : f32 to vector<16xf32>
        %mul3A_677 = arith.mulf %mul3A_676, %get3A_662 : vector<16xf32>
        %add3A_678 = arith.addf %add3A_604, %mul3A_677 : vector<16xf32>
        %slice3A_679 = vector.extract_strided_slice %get3A_70 {offsets = [7], sizes = [1], strides = [1]} : vector<16xf32> to vector<1xf32>
        %squeeze3A_680 = vector.extract %slice3A_679[0] : f32 from vector<1xf32>
        %mul3A_681 = vector.broadcast %squeeze3A_680 : f32 to vector<16xf32>
        %mul3A_682 = arith.mulf %mul3A_681, %get3A_657 : vector<16xf32>
        %add3A_683 = arith.addf %add3A_609, %mul3A_682 : vector<16xf32>
        %mul3A_684 = vector.broadcast %squeeze3A_680 : f32 to vector<16xf32>
        %mul3A_685 = arith.mulf %mul3A_684, %get3A_662 : vector<16xf32>
        %add3A_686 = arith.addf %add3A_612, %mul3A_685 : vector<16xf32>
        %slice3A_687 = vector.extract_strided_slice %get3A_82 {offsets = [7], sizes = [1], strides = [1]} : vector<16xf32> to vector<1xf32>
        %squeeze3A_688 = vector.extract %slice3A_687[0] : f32 from vector<1xf32>
        %mul3A_689 = vector.broadcast %squeeze3A_688 : f32 to vector<16xf32>
        %mul3A_690 = arith.mulf %mul3A_689, %get3A_657 : vector<16xf32>
        %add3A_691 = arith.addf %add3A_617, %mul3A_690 : vector<16xf32>
        %mul3A_692 = vector.broadcast %squeeze3A_688 : f32 to vector<16xf32>
        %mul3A_693 = arith.mulf %mul3A_692, %get3A_662 : vector<16xf32>
        %add3A_694 = arith.addf %add3A_620, %mul3A_693 : vector<16xf32>
        %slice3A_695 = vector.extract_strided_slice %get3A_94 {offsets = [7], sizes = [1], strides = [1]} : vector<16xf32> to vector<1xf32>
        %squeeze3A_696 = vector.extract %slice3A_695[0] : f32 from vector<1xf32>
        %mul3A_697 = vector.broadcast %squeeze3A_696 : f32 to vector<16xf32>
        %mul3A_698 = arith.mulf %mul3A_697, %get3A_657 : vector<16xf32>
        %add3A_699 = arith.addf %add3A_625, %mul3A_698 : vector<16xf32>
        %mul3A_700 = vector.broadcast %squeeze3A_696 : f32 to vector<16xf32>
        %mul3A_701 = arith.mulf %mul3A_700, %get3A_662 : vector<16xf32>
        %add3A_702 = arith.addf %add3A_628, %mul3A_701 : vector<16xf32>
        %slice3A_703 = vector.extract_strided_slice %get3A_106 {offsets = [7], sizes = [1], strides = [1]} : vector<16xf32> to vector<1xf32>
        %squeeze3A_704 = vector.extract %slice3A_703[0] : f32 from vector<1xf32>
        %mul3A_705 = vector.broadcast %squeeze3A_704 : f32 to vector<16xf32>
        %mul3A_706 = arith.mulf %mul3A_705, %get3A_657 : vector<16xf32>
        %add3A_707 = arith.addf %add3A_633, %mul3A_706 : vector<16xf32>
        %mul3A_708 = vector.broadcast %squeeze3A_704 : f32 to vector<16xf32>
        %mul3A_709 = arith.mulf %mul3A_708, %get3A_662 : vector<16xf32>
        %add3A_710 = arith.addf %add3A_636, %mul3A_709 : vector<16xf32>
        %slice3A_711 = vector.extract_strided_slice %get3A_118 {offsets = [7], sizes = [1], strides = [1]} : vector<16xf32> to vector<1xf32>
        %squeeze3A_712 = vector.extract %slice3A_711[0] : f32 from vector<1xf32>
        %mul3A_713 = vector.broadcast %squeeze3A_712 : f32 to vector<16xf32>
        %mul3A_714 = arith.mulf %mul3A_713, %get3A_657 : vector<16xf32>
        %add3A_715 = arith.addf %add3A_641, %mul3A_714 : vector<16xf32>
        %mul3A_716 = vector.broadcast %squeeze3A_712 : f32 to vector<16xf32>
        %mul3A_717 = arith.mulf %mul3A_716, %get3A_662 : vector<16xf32>
        %add3A_718 = arith.addf %add3A_644, %mul3A_717 : vector<16xf32>
        %slice3A_719 = vector.extract_strided_slice %get3A_130 {offsets = [7], sizes = [1], strides = [1]} : vector<16xf32> to vector<1xf32>
        %squeeze3A_720 = vector.extract %slice3A_719[0] : f32 from vector<1xf32>
        %mul3A_721 = vector.broadcast %squeeze3A_720 : f32 to vector<16xf32>
        %mul3A_722 = arith.mulf %mul3A_721, %get3A_657 : vector<16xf32>
        %add3A_723 = arith.addf %add3A_649, %mul3A_722 : vector<16xf32>
        %mul3A_724 = vector.broadcast %squeeze3A_720 : f32 to vector<16xf32>
        %mul3A_725 = arith.mulf %mul3A_724, %get3A_662 : vector<16xf32>
        %add3A_726 = arith.addf %add3A_652, %mul3A_725 : vector<16xf32>
        %get3A_727 = arith.constant 8 : i32
        %get3A_728 = arith.index_cast %get3A_727 : i32 to index
        %get3A_729 = arith.constant 0 : index
        %get3A_730 = tpu.vector_load %arg10[%get3A_728, %get3A_729] {strides = array<i32>} : memref<32x32xf32, #tpu.memory_space<vmem>>, vector<1x16xf32>,
        %get3A_731 = vector.shape_cast %get3A_730 : vector<1x16xf32> to vector<16xf32>
        %get3A_732 = arith.constant 8 : i32
        %get3A_733 = arith.index_cast %get3A_732 : i32 to index
        %get3A_734 = arith.constant 16 : index
        %get3A_735 = tpu.vector_load %arg10[%get3A_733, %get3A_734] {strides = array<i32>} : memref<32x32xf32, #tpu.memory_space<vmem>>, vector<1x16xf32>,
        %get3A_736 = vector.shape_cast %get3A_735 : vector<1x16xf32> to vector<16xf32>
        %slice3A_737 = vector.extract_strided_slice %get3A_46 {offsets = [8], sizes = [1], strides = [1]} : vector<16xf32> to vector<1xf32>
        %squeeze3A_738 = vector.extract %slice3A_737[0] : f32 from vector<1xf32>
        %mul3A_739 = vector.broadcast %squeeze3A_738 : f32 to vector<16xf32>
        %mul3A_740 = arith.mulf %mul3A_739, %get3A_731 : vector<16xf32>
        %add3A_741 = arith.addf %add3A_667, %mul3A_740 : vector<16xf32>
        %mul3A_742 = vector.broadcast %squeeze3A_738 : f32 to vector<16xf32>
        %mul3A_743 = arith.mulf %mul3A_742, %get3A_736 : vector<16xf32>
        %add3A_744 = arith.addf %add3A_670, %mul3A_743 : vector<16xf32>
        %slice3A_745 = vector.extract_strided_slice %get3A_58 {offsets = [8], sizes = [1], strides = [1]} : vector<16xf32> to vector<1xf32>
        %squeeze3A_746 = vector.extract %slice3A_745[0] : f32 from vector<1xf32>
        %mul3A_747 = vector.broadcast %squeeze3A_746 : f32 to vector<16xf32>
        %mul3A_748 = arith.mulf %mul3A_747, %get3A_731 : vector<16xf32>
        %add3A_749 = arith.addf %add3A_675, %mul3A_748 : vector<16xf32>
        %mul3A_750 = vector.broadcast %squeeze3A_746 : f32 to vector<16xf32>
        %mul3A_751 = arith.mulf %mul3A_750, %get3A_736 : vector<16xf32>
        %add3A_752 = arith.addf %add3A_678, %mul3A_751 : vector<16xf32>
        %slice3A_753 = vector.extract_strided_slice %get3A_70 {offsets = [8], sizes = [1], strides = [1]} : vector<16xf32> to vector<1xf32>
        %squeeze3A_754 = vector.extract %slice3A_753[0] : f32 from vector<1xf32>
        %mul3A_755 = vector.broadcast %squeeze3A_754 : f32 to vector<16xf32>
        %mul3A_756 = arith.mulf %mul3A_755, %get3A_731 : vector<16xf32>
        %add3A_757 = arith.addf %add3A_683, %mul3A_756 : vector<16xf32>
        %mul3A_758 = vector.broadcast %squeeze3A_754 : f32 to vector<16xf32>
        %mul3A_759 = arith.mulf %mul3A_758, %get3A_736 : vector<16xf32>
        %add3A_760 = arith.addf %add3A_686, %mul3A_759 : vector<16xf32>
        %slice3A_761 = vector.extract_strided_slice %get3A_82 {offsets = [8], sizes = [1], strides = [1]} : vector<16xf32> to vector<1xf32>
        %squeeze3A_762 = vector.extract %slice3A_761[0] : f32 from vector<1xf32>
        %mul3A_763 = vector.broadcast %squeeze3A_762 : f32 to vector<16xf32>
        %mul3A_764 = arith.mulf %mul3A_763, %get3A_731 : vector<16xf32>
        %add3A_765 = arith.addf %add3A_691, %mul3A_764 : vector<16xf32>
        %mul3A_766 = vector.broadcast %squeeze3A_762 : f32 to vector<16xf32>
        %mul3A_767 = arith.mulf %mul3A_766, %get3A_736 : vector<16xf32>
        %add3A_768 = arith.addf %add3A_694, %mul3A_767 : vector<16xf32>
        %slice3A_769 = vector.extract_strided_slice %get3A_94 {offsets = [8], sizes = [1], strides = [1]} : vector<16xf32> to vector<1xf32>
        %squeeze3A_770 = vector.extract %slice3A_769[0] : f32 from vector<1xf32>
        %mul3A_771 = vector.broadcast %squeeze3A_770 : f32 to vector<16xf32>
        %mul3A_772 = arith.mulf %mul3A_771, %get3A_731 : vector<16xf32>
        %add3A_773 = arith.addf %add3A_699, %mul3A_772 : vector<16xf32>
        %mul3A_774 = vector.broadcast %squeeze3A_770 : f32 to vector<16xf32>
        %mul3A_775 = arith.mulf %mul3A_774, %get3A_736 : vector<16xf32>
        %add3A_776 = arith.addf %add3A_702, %mul3A_775 : vector<16xf32>
        %slice3A_777 = vector.extract_strided_slice %get3A_106 {offsets = [8], sizes = [1], strides = [1]} : vector<16xf32> to vector<1xf32>
        %squeeze3A_778 = vector.extract %slice3A_777[0] : f32 from vector<1xf32>
        %mul3A_779 = vector.broadcast %squeeze3A_778 : f32 to vector<16xf32>
        %mul3A_780 = arith.mulf %mul3A_779, %get3A_731 : vector<16xf32>
        %add3A_781 = arith.addf %add3A_707, %mul3A_780 : vector<16xf32>
        %mul3A_782 = vector.broadcast %squeeze3A_778 : f32 to vector<16xf32>
        %mul3A_783 = arith.mulf %mul3A_782, %get3A_736 : vector<16xf32>
        %add3A_784 = arith.addf %add3A_710, %mul3A_783 : vector<16xf32>
        %slice3A_785 = vector.extract_strided_slice %get3A_118 {offsets = [8], sizes = [1], strides = [1]} : vector<16xf32> to vector<1xf32>
        %squeeze3A_786 = vector.extract %slice3A_785[0] : f32 from vector<1xf32>
        %mul3A_787 = vector.broadcast %squeeze3A_786 : f32 to vector<16xf32>
        %mul3A_788 = arith.mulf %mul3A_787, %get3A_731 : vector<16xf32>
        %add3A_789 = arith.addf %add3A_715, %mul3A_788 : vector<16xf32>
        %mul3A_790 = vector.broadcast %squeeze3A_786 : f32 to vector<16xf32>
        %mul3A_791 = arith.mulf %mul3A_790, %get3A_736 : vector<16xf32>
        %add3A_792 = arith.addf %add3A_718, %mul3A_791 : vector<16xf32>
        %slice3A_793 = vector.extract_strided_slice %get3A_130 {offsets = [8], sizes = [1], strides = [1]} : vector<16xf32> to vector<1xf32>
        %squeeze3A_794 = vector.extract %slice3A_793[0] : f32 from vector<1xf32>
        %mul3A_795 = vector.broadcast %squeeze3A_794 : f32 to vector<16xf32>
        %mul3A_796 = arith.mulf %mul3A_795, %get3A_731 : vector<16xf32>
        %add3A_797 = arith.addf %add3A_723, %mul3A_796 : vector<16xf32>
        %mul3A_798 = vector.broadcast %squeeze3A_794 : f32 to vector<16xf32>
        %mul3A_799 = arith.mulf %mul3A_798, %get3A_736 : vector<16xf32>
        %add3A_800 = arith.addf %add3A_726, %mul3A_799 : vector<16xf32>
        %get3A_801 = arith.constant 9 : i32
        %get3A_802 = arith.index_cast %get3A_801 : i32 to index
        %get3A_803 = arith.constant 0 : index
        %get3A_804 = tpu.vector_load %arg10[%get3A_802, %get3A_803] {strides = array<i32>} : memref<32x32xf32, #tpu.memory_space<vmem>>, vector<1x16xf32>,
        %get3A_805 = vector.shape_cast %get3A_804 : vector<1x16xf32> to vector<16xf32>
        %get3A_806 = arith.constant 9 : i32
        %get3A_807 = arith.index_cast %get3A_806 : i32 to index
        %get3A_808 = arith.constant 16 : index
        %get3A_809 = tpu.vector_load %arg10[%get3A_807, %get3A_808] {strides = array<i32>} : memref<32x32xf32, #tpu.memory_space<vmem>>, vector<1x16xf32>,
        %get3A_810 = vector.shape_cast %get3A_809 : vector<1x16xf32> to vector<16xf32>
        %slice3A_811 = vector.extract_strided_slice %get3A_46 {offsets = [9], sizes = [1], strides = [1]} : vector<16xf32> to vector<1xf32>
        %squeeze3A_812 = vector.extract %slice3A_811[0] : f32 from vector<1xf32>
        %mul3A_813 = vector.broadcast %squeeze3A_812 : f32 to vector<16xf32>
        %mul3A_814 = arith.mulf %mul3A_813, %get3A_805 : vector<16xf32>
        %add3A_815 = arith.addf %add3A_741, %mul3A_814 : vector<16xf32>
        %mul3A_816 = vector.broadcast %squeeze3A_812 : f32 to vector<16xf32>
        %mul3A_817 = arith.mulf %mul3A_816, %get3A_810 : vector<16xf32>
        %add3A_818 = arith.addf %add3A_744, %mul3A_817 : vector<16xf32>
        %slice3A_819 = vector.extract_strided_slice %get3A_58 {offsets = [9], sizes = [1], strides = [1]} : vector<16xf32> to vector<1xf32>
        %squeeze3A_820 = vector.extract %slice3A_819[0] : f32 from vector<1xf32>
        %mul3A_821 = vector.broadcast %squeeze3A_820 : f32 to vector<16xf32>
        %mul3A_822 = arith.mulf %mul3A_821, %get3A_805 : vector<16xf32>
        %add3A_823 = arith.addf %add3A_749, %mul3A_822 : vector<16xf32>
        %mul3A_824 = vector.broadcast %squeeze3A_820 : f32 to vector<16xf32>
        %mul3A_825 = arith.mulf %mul3A_824, %get3A_810 : vector<16xf32>
        %add3A_826 = arith.addf %add3A_752, %mul3A_825 : vector<16xf32>
        %slice3A_827 = vector.extract_strided_slice %get3A_70 {offsets = [9], sizes = [1], strides = [1]} : vector<16xf32> to vector<1xf32>
        %squeeze3A_828 = vector.extract %slice3A_827[0] : f32 from vector<1xf32>
        %mul3A_829 = vector.broadcast %squeeze3A_828 : f32 to vector<16xf32>
        %mul3A_830 = arith.mulf %mul3A_829, %get3A_805 : vector<16xf32>
        %add3A_831 = arith.addf %add3A_757, %mul3A_830 : vector<16xf32>
        %mul3A_832 = vector.broadcast %squeeze3A_828 : f32 to vector<16xf32>
        %mul3A_833 = arith.mulf %mul3A_832, %get3A_810 : vector<16xf32>
        %add3A_834 = arith.addf %add3A_760, %mul3A_833 : vector<16xf32>
        %slice3A_835 = vector.extract_strided_slice %get3A_82 {offsets = [9], sizes = [1], strides = [1]} : vector<16xf32> to vector<1xf32>
        %squeeze3A_836 = vector.extract %slice3A_835[0] : f32 from vector<1xf32>
        %mul3A_837 = vector.broadcast %squeeze3A_836 : f32 to vector<16xf32>
        %mul3A_838 = arith.mulf %mul3A_837, %get3A_805 : vector<16xf32>
        %add3A_839 = arith.addf %add3A_765, %mul3A_838 : vector<16xf32>
        %mul3A_840 = vector.broadcast %squeeze3A_836 : f32 to vector<16xf32>
        %mul3A_841 = arith.mulf %mul3A_840, %get3A_810 : vector<16xf32>
        %add3A_842 = arith.addf %add3A_768, %mul3A_841 : vector<16xf32>
        %slice3A_843 = vector.extract_strided_slice %get3A_94 {offsets = [9], sizes = [1], strides = [1]} : vector<16xf32> to vector<1xf32>
        %squeeze3A_844 = vector.extract %slice3A_843[0] : f32 from vector<1xf32>
        %mul3A_845 = vector.broadcast %squeeze3A_844 : f32 to vector<16xf32>
        %mul3A_846 = arith.mulf %mul3A_845, %get3A_805 : vector<16xf32>
        %add3A_847 = arith.addf %add3A_773, %mul3A_846 : vector<16xf32>
        %mul3A_848 = vector.broadcast %squeeze3A_844 : f32 to vector<16xf32>
        %mul3A_849 = arith.mulf %mul3A_848, %get3A_810 : vector<16xf32>
        %add3A_850 = arith.addf %add3A_776, %mul3A_849 : vector<16xf32>
        %slice3A_851 = vector.extract_strided_slice %get3A_106 {offsets = [9], sizes = [1], strides = [1]} : vector<16xf32> to vector<1xf32>
        %squeeze3A_852 = vector.extract %slice3A_851[0] : f32 from vector<1xf32>
        %mul3A_853 = vector.broadcast %squeeze3A_852 : f32 to vector<16xf32>
        %mul3A_854 = arith.mulf %mul3A_853, %get3A_805 : vector<16xf32>
        %add3A_855 = arith.addf %add3A_781, %mul3A_854 : vector<16xf32>
        %mul3A_856 = vector.broadcast %squeeze3A_852 : f32 to vector<16xf32>
        %mul3A_857 = arith.mulf %mul3A_856, %get3A_810 : vector<16xf32>
        %add3A_858 = arith.addf %add3A_784, %mul3A_857 : vector<16xf32>
        %slice3A_859 = vector.extract_strided_slice %get3A_118 {offsets = [9], sizes = [1], strides = [1]} : vector<16xf32> to vector<1xf32>
        %squeeze3A_860 = vector.extract %slice3A_859[0] : f32 from vector<1xf32>
        %mul3A_861 = vector.broadcast %squeeze3A_860 : f32 to vector<16xf32>
        %mul3A_862 = arith.mulf %mul3A_861, %get3A_805 : vector<16xf32>
        %add3A_863 = arith.addf %add3A_789, %mul3A_862 : vector<16xf32>
        %mul3A_864 = vector.broadcast %squeeze3A_860 : f32 to vector<16xf32>
        %mul3A_865 = arith.mulf %mul3A_864, %get3A_810 : vector<16xf32>
        %add3A_866 = arith.addf %add3A_792, %mul3A_865 : vector<16xf32>
        %slice3A_867 = vector.extract_strided_slice %get3A_130 {offsets = [9], sizes = [1], strides = [1]} : vector<16xf32> to vector<1xf32>
        %squeeze3A_868 = vector.extract %slice3A_867[0] : f32 from vector<1xf32>
        %mul3A_869 = vector.broadcast %squeeze3A_868 : f32 to vector<16xf32>
        %mul3A_870 = arith.mulf %mul3A_869, %get3A_805 : vector<16xf32>
        %add3A_871 = arith.addf %add3A_797, %mul3A_870 : vector<16xf32>
        %mul3A_872 = vector.broadcast %squeeze3A_868 : f32 to vector<16xf32>
        %mul3A_873 = arith.mulf %mul3A_872, %get3A_810 : vector<16xf32>
        %add3A_874 = arith.addf %add3A_800, %mul3A_873 : vector<16xf32>
        %get3A_875 = arith.constant 10 : i32
        %get3A_876 = arith.index_cast %get3A_875 : i32 to index
        %get3A_877 = arith.constant 0 : index
        %get3A_878 = tpu.vector_load %arg10[%get3A_876, %get3A_877] {strides = array<i32>} : memref<32x32xf32, #tpu.memory_space<vmem>>, vector<1x16xf32>,
        %get3A_879 = vector.shape_cast %get3A_878 : vector<1x16xf32> to vector<16xf32>
        %get3A_880 = arith.constant 10 : i32
        %get3A_881 = arith.index_cast %get3A_880 : i32 to index
        %get3A_882 = arith.constant 16 : index
        %get3A_883 = tpu.vector_load %arg10[%get3A_881, %get3A_882] {strides = array<i32>} : memref<32x32xf32, #tpu.memory_space<vmem>>, vector<1x16xf32>,
        %get3A_884 = vector.shape_cast %get3A_883 : vector<1x16xf32> to vector<16xf32>
        %slice3A_885 = vector.extract_strided_slice %get3A_46 {offsets = [10], sizes = [1], strides = [1]} : vector<16xf32> to vector<1xf32>
        %squeeze3A_886 = vector.extract %slice3A_885[0] : f32 from vector<1xf32>
        %mul3A_887 = vector.broadcast %squeeze3A_886 : f32 to vector<16xf32>
        %mul3A_888 = arith.mulf %mul3A_887, %get3A_879 : vector<16xf32>
        %add3A_889 = arith.addf %add3A_815, %mul3A_888 : vector<16xf32>
        %mul3A_890 = vector.broadcast %squeeze3A_886 : f32 to vector<16xf32>
        %mul3A_891 = arith.mulf %mul3A_890, %get3A_884 : vector<16xf32>
        %add3A_892 = arith.addf %add3A_818, %mul3A_891 : vector<16xf32>
        %slice3A_893 = vector.extract_strided_slice %get3A_58 {offsets = [10], sizes = [1], strides = [1]} : vector<16xf32> to vector<1xf32>
        %squeeze3A_894 = vector.extract %slice3A_893[0] : f32 from vector<1xf32>
        %mul3A_895 = vector.broadcast %squeeze3A_894 : f32 to vector<16xf32>
        %mul3A_896 = arith.mulf %mul3A_895, %get3A_879 : vector<16xf32>
        %add3A_897 = arith.addf %add3A_823, %mul3A_896 : vector<16xf32>
        %mul3A_898 = vector.broadcast %squeeze3A_894 : f32 to vector<16xf32>
        %mul3A_899 = arith.mulf %mul3A_898, %get3A_884 : vector<16xf32>
        %add3A_900 = arith.addf %add3A_826, %mul3A_899 : vector<16xf32>
        %slice3A_901 = vector.extract_strided_slice %get3A_70 {offsets = [10], sizes = [1], strides = [1]} : vector<16xf32> to vector<1xf32>
        %squeeze3A_902 = vector.extract %slice3A_901[0] : f32 from vector<1xf32>
        %mul3A_903 = vector.broadcast %squeeze3A_902 : f32 to vector<16xf32>
        %mul3A_904 = arith.mulf %mul3A_903, %get3A_879 : vector<16xf32>
        %add3A_905 = arith.addf %add3A_831, %mul3A_904 : vector<16xf32>
        %mul3A_906 = vector.broadcast %squeeze3A_902 : f32 to vector<16xf32>
        %mul3A_907 = arith.mulf %mul3A_906, %get3A_884 : vector<16xf32>
        %add3A_908 = arith.addf %add3A_834, %mul3A_907 : vector<16xf32>
        %slice3A_909 = vector.extract_strided_slice %get3A_82 {offsets = [10], sizes = [1], strides = [1]} : vector<16xf32> to vector<1xf32>
        %squeeze3A_910 = vector.extract %slice3A_909[0] : f32 from vector<1xf32>
        %mul3A_911 = vector.broadcast %squeeze3A_910 : f32 to vector<16xf32>
        %mul3A_912 = arith.mulf %mul3A_911, %get3A_879 : vector<16xf32>
        %add3A_913 = arith.addf %add3A_839, %mul3A_912 : vector<16xf32>
        %mul3A_914 = vector.broadcast %squeeze3A_910 : f32 to vector<16xf32>
        %mul3A_915 = arith.mulf %mul3A_914, %get3A_884 : vector<16xf32>
        %add3A_916 = arith.addf %add3A_842, %mul3A_915 : vector<16xf32>
        %slice3A_917 = vector.extract_strided_slice %get3A_94 {offsets = [10], sizes = [1], strides = [1]} : vector<16xf32> to vector<1xf32>
        %squeeze3A_918 = vector.extract %slice3A_917[0] : f32 from vector<1xf32>
        %mul3A_919 = vector.broadcast %squeeze3A_918 : f32 to vector<16xf32>
        %mul3A_920 = arith.mulf %mul3A_919, %get3A_879 : vector<16xf32>
        %add3A_921 = arith.addf %add3A_847, %mul3A_920 : vector<16xf32>
        %mul3A_922 = vector.broadcast %squeeze3A_918 : f32 to vector<16xf32>
        %mul3A_923 = arith.mulf %mul3A_922, %get3A_884 : vector<16xf32>
        %add3A_924 = arith.addf %add3A_850, %mul3A_923 : vector<16xf32>
        %slice3A_925 = vector.extract_strided_slice %get3A_106 {offsets = [10], sizes = [1], strides = [1]} : vector<16xf32> to vector<1xf32>
        %squeeze3A_926 = vector.extract %slice3A_925[0] : f32 from vector<1xf32>
        %mul3A_927 = vector.broadcast %squeeze3A_926 : f32 to vector<16xf32>
        %mul3A_928 = arith.mulf %mul3A_927, %get3A_879 : vector<16xf32>
        %add3A_929 = arith.addf %add3A_855, %mul3A_928 : vector<16xf32>
        %mul3A_930 = vector.broadcast %squeeze3A_926 : f32 to vector<16xf32>
        %mul3A_931 = arith.mulf %mul3A_930, %get3A_884 : vector<16xf32>
        %add3A_932 = arith.addf %add3A_858, %mul3A_931 : vector<16xf32>
        %slice3A_933 = vector.extract_strided_slice %get3A_118 {offsets = [10], sizes = [1], strides = [1]} : vector<16xf32> to vector<1xf32>
        %squeeze3A_934 = vector.extract %slice3A_933[0] : f32 from vector<1xf32>
        %mul3A_935 = vector.broadcast %squeeze3A_934 : f32 to vector<16xf32>
        %mul3A_936 = arith.mulf %mul3A_935, %get3A_879 : vector<16xf32>
        %add3A_937 = arith.addf %add3A_863, %mul3A_936 : vector<16xf32>
        %mul3A_938 = vector.broadcast %squeeze3A_934 : f32 to vector<16xf32>
        %mul3A_939 = arith.mulf %mul3A_938, %get3A_884 : vector<16xf32>
        %add3A_940 = arith.addf %add3A_866, %mul3A_939 : vector<16xf32>
        %slice3A_941 = vector.extract_strided_slice %get3A_130 {offsets = [10], sizes = [1], strides = [1]} : vector<16xf32> to vector<1xf32>
        %squeeze3A_942 = vector.extract %slice3A_941[0] : f32 from vector<1xf32>
        %mul3A_943 = vector.broadcast %squeeze3A_942 : f32 to vector<16xf32>
        %mul3A_944 = arith.mulf %mul3A_943, %get3A_879 : vector<16xf32>
        %add3A_945 = arith.addf %add3A_871, %mul3A_944 : vector<16xf32>
        %mul3A_946 = vector.broadcast %squeeze3A_942 : f32 to vector<16xf32>
        %mul3A_947 = arith.mulf %mul3A_946, %get3A_884 : vector<16xf32>
        %add3A_948 = arith.addf %add3A_874, %mul3A_947 : vector<16xf32>
        %get3A_949 = arith.constant 11 : i32
        %get3A_950 = arith.index_cast %get3A_949 : i32 to index
        %get3A_951 = arith.constant 0 : index
        %get3A_952 = tpu.vector_load %arg10[%get3A_950, %get3A_951] {strides = array<i32>} : memref<32x32xf32, #tpu.memory_space<vmem>>, vector<1x16xf32>,
        %get3A_953 = vector.shape_cast %get3A_952 : vector<1x16xf32> to vector<16xf32>
        %get3A_954 = arith.constant 11 : i32
        %get3A_955 = arith.index_cast %get3A_954 : i32 to index
        %get3A_956 = arith.constant 16 : index
        %get3A_957 = tpu.vector_load %arg10[%get3A_955, %get3A_956] {strides = array<i32>} : memref<32x32xf32, #tpu.memory_space<vmem>>, vector<1x16xf32>,
        %get3A_958 = vector.shape_cast %get3A_957 : vector<1x16xf32> to vector<16xf32>
        %slice3A_959 = vector.extract_strided_slice %get3A_46 {offsets = [11], sizes = [1], strides = [1]} : vector<16xf32> to vector<1xf32>
        %squeeze3A_960 = vector.extract %slice3A_959[0] : f32 from vector<1xf32>
        %mul3A_961 = vector.broadcast %squeeze3A_960 : f32 to vector<16xf32>
        %mul3A_962 = arith.mulf %mul3A_961, %get3A_953 : vector<16xf32>
        %add3A_963 = arith.addf %add3A_889, %mul3A_962 : vector<16xf32>
        %mul3A_964 = vector.broadcast %squeeze3A_960 : f32 to vector<16xf32>
        %mul3A_965 = arith.mulf %mul3A_964, %get3A_958 : vector<16xf32>
        %add3A_966 = arith.addf %add3A_892, %mul3A_965 : vector<16xf32>
        %slice3A_967 = vector.extract_strided_slice %get3A_58 {offsets = [11], sizes = [1], strides = [1]} : vector<16xf32> to vector<1xf32>
        %squeeze3A_968 = vector.extract %slice3A_967[0] : f32 from vector<1xf32>
        %mul3A_969 = vector.broadcast %squeeze3A_968 : f32 to vector<16xf32>
        %mul3A_970 = arith.mulf %mul3A_969, %get3A_953 : vector<16xf32>
        %add3A_971 = arith.addf %add3A_897, %mul3A_970 : vector<16xf32>
        %mul3A_972 = vector.broadcast %squeeze3A_968 : f32 to vector<16xf32>
        %mul3A_973 = arith.mulf %mul3A_972, %get3A_958 : vector<16xf32>
        %add3A_974 = arith.addf %add3A_900, %mul3A_973 : vector<16xf32>
        %slice3A_975 = vector.extract_strided_slice %get3A_70 {offsets = [11], sizes = [1], strides = [1]} : vector<16xf32> to vector<1xf32>
        %squeeze3A_976 = vector.extract %slice3A_975[0] : f32 from vector<1xf32>
        %mul3A_977 = vector.broadcast %squeeze3A_976 : f32 to vector<16xf32>
        %mul3A_978 = arith.mulf %mul3A_977, %get3A_953 : vector<16xf32>
        %add3A_979 = arith.addf %add3A_905, %mul3A_978 : vector<16xf32>
        %mul3A_980 = vector.broadcast %squeeze3A_976 : f32 to vector<16xf32>
        %mul3A_981 = arith.mulf %mul3A_980, %get3A_958 : vector<16xf32>
        %add3A_982 = arith.addf %add3A_908, %mul3A_981 : vector<16xf32>
        %slice3A_983 = vector.extract_strided_slice %get3A_82 {offsets = [11], sizes = [1], strides = [1]} : vector<16xf32> to vector<1xf32>
        %squeeze3A_984 = vector.extract %slice3A_983[0] : f32 from vector<1xf32>
        %mul3A_985 = vector.broadcast %squeeze3A_984 : f32 to vector<16xf32>
        %mul3A_986 = arith.mulf %mul3A_985, %get3A_953 : vector<16xf32>
        %add3A_987 = arith.addf %add3A_913, %mul3A_986 : vector<16xf32>
        %mul3A_988 = vector.broadcast %squeeze3A_984 : f32 to vector<16xf32>
        %mul3A_989 = arith.mulf %mul3A_988, %get3A_958 : vector<16xf32>
        %add3A_990 = arith.addf %add3A_916, %mul3A_989 : vector<16xf32>
        %slice3A_991 = vector.extract_strided_slice %get3A_94 {offsets = [11], sizes = [1], strides = [1]} : vector<16xf32> to vector<1xf32>
        %squeeze3A_992 = vector.extract %slice3A_991[0] : f32 from vector<1xf32>
        %mul3A_993 = vector.broadcast %squeeze3A_992 : f32 to vector<16xf32>
        %mul3A_994 = arith.mulf %mul3A_993, %get3A_953 : vector<16xf32>
        %add3A_995 = arith.addf %add3A_921, %mul3A_994 : vector<16xf32>
        %mul3A_996 = vector.broadcast %squeeze3A_992 : f32 to vector<16xf32>
        %mul3A_997 = arith.mulf %mul3A_996, %get3A_958 : vector<16xf32>
        %add3A_998 = arith.addf %add3A_924, %mul3A_997 : vector<16xf32>
        %slice3A_999 = vector.extract_strided_slice %get3A_106 {offsets = [11], sizes = [1], strides = [1]} : vector<16xf32> to vector<1xf32>
        %squeeze3A_1000 = vector.extract %slice3A_999[0] : f32 from vector<1xf32>
        %mul3A_1001 = vector.broadcast %squeeze3A_1000 : f32 to vector<16xf32>
        %mul3A_1002 = arith.mulf %mul3A_1001, %get3A_953 : vector<16xf32>
        %add3A_1003 = arith.addf %add3A_929, %mul3A_1002 : vector<16xf32>
        %mul3A_1004 = vector.broadcast %squeeze3A_1000 : f32 to vector<16xf32>
        %mul3A_1005 = arith.mulf %mul3A_1004, %get3A_958 : vector<16xf32>
        %add3A_1006 = arith.addf %add3A_932, %mul3A_1005 : vector<16xf32>
        %slice3A_1007 = vector.extract_strided_slice %get3A_118 {offsets = [11], sizes = [1], strides = [1]} : vector<16xf32> to vector<1xf32>
        %squeeze3A_1008 = vector.extract %slice3A_1007[0] : f32 from vector<1xf32>
        %mul3A_1009 = vector.broadcast %squeeze3A_1008 : f32 to vector<16xf32>
        %mul3A_1010 = arith.mulf %mul3A_1009, %get3A_953 : vector<16xf32>
        %add3A_1011 = arith.addf %add3A_937, %mul3A_1010 : vector<16xf32>
        %mul3A_1012 = vector.broadcast %squeeze3A_1008 : f32 to vector<16xf32>
        %mul3A_1013 = arith.mulf %mul3A_1012, %get3A_958 : vector<16xf32>
        %add3A_1014 = arith.addf %add3A_940, %mul3A_1013 : vector<16xf32>
        %slice3A_1015 = vector.extract_strided_slice %get3A_130 {offsets = [11], sizes = [1], strides = [1]} : vector<16xf32> to vector<1xf32>
        %squeeze3A_1016 = vector.extract %slice3A_1015[0] : f32 from vector<1xf32>
        %mul3A_1017 = vector.broadcast %squeeze3A_1016 : f32 to vector<16xf32>
        %mul3A_1018 = arith.mulf %mul3A_1017, %get3A_953 : vector<16xf32>
        %add3A_1019 = arith.addf %add3A_945, %mul3A_1018 : vector<16xf32>
        %mul3A_1020 = vector.broadcast %squeeze3A_1016 : f32 to vector<16xf32>
        %mul3A_1021 = arith.mulf %mul3A_1020, %get3A_958 : vector<16xf32>
        %add3A_1022 = arith.addf %add3A_948, %mul3A_1021 : vector<16xf32>
        %get3A_1023 = arith.constant 12 : i32
        %get3A_1024 = arith.index_cast %get3A_1023 : i32 to index
        %get3A_1025 = arith.constant 0 : index
        %get3A_1026 = tpu.vector_load %arg10[%get3A_1024, %get3A_1025] {strides = array<i32>} : memref<32x32xf32, #tpu.memory_space<vmem>>, vector<1x16xf32>,
        %get3A_1027 = vector.shape_cast %get3A_1026 : vector<1x16xf32> to vector<16xf32>
        %get3A_1028 = arith.constant 12 : i32
        %get3A_1029 = arith.index_cast %get3A_1028 : i32 to index
        %get3A_1030 = arith.constant 16 : index
        %get3A_1031 = tpu.vector_load %arg10[%get3A_1029, %get3A_1030] {strides = array<i32>} : memref<32x32xf32, #tpu.memory_space<vmem>>, vector<1x16xf32>,
        %get3A_1032 = vector.shape_cast %get3A_1031 : vector<1x16xf32> to vector<16xf32>
        %slice3A_1033 = vector.extract_strided_slice %get3A_46 {offsets = [12], sizes = [1], strides = [1]} : vector<16xf32> to vector<1xf32>
        %squeeze3A_1034 = vector.extract %slice3A_1033[0] : f32 from vector<1xf32>
        %mul3A_1035 = vector.broadcast %squeeze3A_1034 : f32 to vector<16xf32>
        %mul3A_1036 = arith.mulf %mul3A_1035, %get3A_1027 : vector<16xf32>
        %add3A_1037 = arith.addf %add3A_963, %mul3A_1036 : vector<16xf32>
        %mul3A_1038 = vector.broadcast %squeeze3A_1034 : f32 to vector<16xf32>
        %mul3A_1039 = arith.mulf %mul3A_1038, %get3A_1032 : vector<16xf32>
        %add3A_1040 = arith.addf %add3A_966, %mul3A_1039 : vector<16xf32>
        %slice3A_1041 = vector.extract_strided_slice %get3A_58 {offsets = [12], sizes = [1], strides = [1]} : vector<16xf32> to vector<1xf32>
        %squeeze3A_1042 = vector.extract %slice3A_1041[0] : f32 from vector<1xf32>
        %mul3A_1043 = vector.broadcast %squeeze3A_1042 : f32 to vector<16xf32>
        %mul3A_1044 = arith.mulf %mul3A_1043, %get3A_1027 : vector<16xf32>
        %add3A_1045 = arith.addf %add3A_971, %mul3A_1044 : vector<16xf32>
        %mul3A_1046 = vector.broadcast %squeeze3A_1042 : f32 to vector<16xf32>
        %mul3A_1047 = arith.mulf %mul3A_1046, %get3A_1032 : vector<16xf32>
        %add3A_1048 = arith.addf %add3A_974, %mul3A_1047 : vector<16xf32>
        %slice3A_1049 = vector.extract_strided_slice %get3A_70 {offsets = [12], sizes = [1], strides = [1]} : vector<16xf32> to vector<1xf32>
        %squeeze3A_1050 = vector.extract %slice3A_1049[0] : f32 from vector<1xf32>
        %mul3A_1051 = vector.broadcast %squeeze3A_1050 : f32 to vector<16xf32>
        %mul3A_1052 = arith.mulf %mul3A_1051, %get3A_1027 : vector<16xf32>
        %add3A_1053 = arith.addf %add3A_979, %mul3A_1052 : vector<16xf32>
        %mul3A_1054 = vector.broadcast %squeeze3A_1050 : f32 to vector<16xf32>
        %mul3A_1055 = arith.mulf %mul3A_1054, %get3A_1032 : vector<16xf32>
        %add3A_1056 = arith.addf %add3A_982, %mul3A_1055 : vector<16xf32>
        %slice3A_1057 = vector.extract_strided_slice %get3A_82 {offsets = [12], sizes = [1], strides = [1]} : vector<16xf32> to vector<1xf32>
        %squeeze3A_1058 = vector.extract %slice3A_1057[0] : f32 from vector<1xf32>
        %mul3A_1059 = vector.broadcast %squeeze3A_1058 : f32 to vector<16xf32>
        %mul3A_1060 = arith.mulf %mul3A_1059, %get3A_1027 : vector<16xf32>
        %add3A_1061 = arith.addf %add3A_987, %mul3A_1060 : vector<16xf32>
        %mul3A_1062 = vector.broadcast %squeeze3A_1058 : f32 to vector<16xf32>
        %mul3A_1063 = arith.mulf %mul3A_1062, %get3A_1032 : vector<16xf32>
        %add3A_1064 = arith.addf %add3A_990, %mul3A_1063 : vector<16xf32>
        %slice3A_1065 = vector.extract_strided_slice %get3A_94 {offsets = [12], sizes = [1], strides = [1]} : vector<16xf32> to vector<1xf32>
        %squeeze3A_1066 = vector.extract %slice3A_1065[0] : f32 from vector<1xf32>
        %mul3A_1067 = vector.broadcast %squeeze3A_1066 : f32 to vector<16xf32>
        %mul3A_1068 = arith.mulf %mul3A_1067, %get3A_1027 : vector<16xf32>
        %add3A_1069 = arith.addf %add3A_995, %mul3A_1068 : vector<16xf32>
        %mul3A_1070 = vector.broadcast %squeeze3A_1066 : f32 to vector<16xf32>
        %mul3A_1071 = arith.mulf %mul3A_1070, %get3A_1032 : vector<16xf32>
        %add3A_1072 = arith.addf %add3A_998, %mul3A_1071 : vector<16xf32>
        %slice3A_1073 = vector.extract_strided_slice %get3A_106 {offsets = [12], sizes = [1], strides = [1]} : vector<16xf32> to vector<1xf32>
        %squeeze3A_1074 = vector.extract %slice3A_1073[0] : f32 from vector<1xf32>
        %mul3A_1075 = vector.broadcast %squeeze3A_1074 : f32 to vector<16xf32>
        %mul3A_1076 = arith.mulf %mul3A_1075, %get3A_1027 : vector<16xf32>
        %add3A_1077 = arith.addf %add3A_1003, %mul3A_1076 : vector<16xf32>
        %mul3A_1078 = vector.broadcast %squeeze3A_1074 : f32 to vector<16xf32>
        %mul3A_1079 = arith.mulf %mul3A_1078, %get3A_1032 : vector<16xf32>
        %add3A_1080 = arith.addf %add3A_1006, %mul3A_1079 : vector<16xf32>
        %slice3A_1081 = vector.extract_strided_slice %get3A_118 {offsets = [12], sizes = [1], strides = [1]} : vector<16xf32> to vector<1xf32>
        %squeeze3A_1082 = vector.extract %slice3A_1081[0] : f32 from vector<1xf32>
        %mul3A_1083 = vector.broadcast %squeeze3A_1082 : f32 to vector<16xf32>
        %mul3A_1084 = arith.mulf %mul3A_1083, %get3A_1027 : vector<16xf32>
        %add3A_1085 = arith.addf %add3A_1011, %mul3A_1084 : vector<16xf32>
        %mul3A_1086 = vector.broadcast %squeeze3A_1082 : f32 to vector<16xf32>
        %mul3A_1087 = arith.mulf %mul3A_1086, %get3A_1032 : vector<16xf32>
        %add3A_1088 = arith.addf %add3A_1014, %mul3A_1087 : vector<16xf32>
        %slice3A_1089 = vector.extract_strided_slice %get3A_130 {offsets = [12], sizes = [1], strides = [1]} : vector<16xf32> to vector<1xf32>
        %squeeze3A_1090 = vector.extract %slice3A_1089[0] : f32 from vector<1xf32>
        %mul3A_1091 = vector.broadcast %squeeze3A_1090 : f32 to vector<16xf32>
        %mul3A_1092 = arith.mulf %mul3A_1091, %get3A_1027 : vector<16xf32>
        %add3A_1093 = arith.addf %add3A_1019, %mul3A_1092 : vector<16xf32>
        %mul3A_1094 = vector.broadcast %squeeze3A_1090 : f32 to vector<16xf32>
        %mul3A_1095 = arith.mulf %mul3A_1094, %get3A_1032 : vector<16xf32>
        %add3A_1096 = arith.addf %add3A_1022, %mul3A_1095 : vector<16xf32>
        %get3A_1097 = arith.constant 13 : i32
        %get3A_1098 = arith.index_cast %get3A_1097 : i32 to index
        %get3A_1099 = arith.constant 0 : index
        %get3A_1100 = tpu.vector_load %arg10[%get3A_1098, %get3A_1099] {strides = array<i32>} : memref<32x32xf32, #tpu.memory_space<vmem>>, vector<1x16xf32>,
        %get3A_1101 = vector.shape_cast %get3A_1100 : vector<1x16xf32> to vector<16xf32>
        %get3A_1102 = arith.constant 13 : i32
        %get3A_1103 = arith.index_cast %get3A_1102 : i32 to index
        %get3A_1104 = arith.constant 16 : index
        %get3A_1105 = tpu.vector_load %arg10[%get3A_1103, %get3A_1104] {strides = array<i32>} : memref<32x32xf32, #tpu.memory_space<vmem>>, vector<1x16xf32>,
        %get3A_1106 = vector.shape_cast %get3A_1105 : vector<1x16xf32> to vector<16xf32>
        %slice3A_1107 = vector.extract_strided_slice %get3A_46 {offsets = [13], sizes = [1], strides = [1]} : vector<16xf32> to vector<1xf32>
        %squeeze3A_1108 = vector.extract %slice3A_1107[0] : f32 from vector<1xf32>
        %mul3A_1109 = vector.broadcast %squeeze3A_1108 : f32 to vector<16xf32>
        %mul3A_1110 = arith.mulf %mul3A_1109, %get3A_1101 : vector<16xf32>
        %add3A_1111 = arith.addf %add3A_1037, %mul3A_1110 : vector<16xf32>
        %mul3A_1112 = vector.broadcast %squeeze3A_1108 : f32 to vector<16xf32>
        %mul3A_1113 = arith.mulf %mul3A_1112, %get3A_1106 : vector<16xf32>
        %add3A_1114 = arith.addf %add3A_1040, %mul3A_1113 : vector<16xf32>
        %slice3A_1115 = vector.extract_strided_slice %get3A_58 {offsets = [13], sizes = [1], strides = [1]} : vector<16xf32> to vector<1xf32>
        %squeeze3A_1116 = vector.extract %slice3A_1115[0] : f32 from vector<1xf32>
        %mul3A_1117 = vector.broadcast %squeeze3A_1116 : f32 to vector<16xf32>
        %mul3A_1118 = arith.mulf %mul3A_1117, %get3A_1101 : vector<16xf32>
        %add3A_1119 = arith.addf %add3A_1045, %mul3A_1118 : vector<16xf32>
        %mul3A_1120 = vector.broadcast %squeeze3A_1116 : f32 to vector<16xf32>
        %mul3A_1121 = arith.mulf %mul3A_1120, %get3A_1106 : vector<16xf32>
        %add3A_1122 = arith.addf %add3A_1048, %mul3A_1121 : vector<16xf32>
        %slice3A_1123 = vector.extract_strided_slice %get3A_70 {offsets = [13], sizes = [1], strides = [1]} : vector<16xf32> to vector<1xf32>
        %squeeze3A_1124 = vector.extract %slice3A_1123[0] : f32 from vector<1xf32>
        %mul3A_1125 = vector.broadcast %squeeze3A_1124 : f32 to vector<16xf32>
        %mul3A_1126 = arith.mulf %mul3A_1125, %get3A_1101 : vector<16xf32>
        %add3A_1127 = arith.addf %add3A_1053, %mul3A_1126 : vector<16xf32>
        %mul3A_1128 = vector.broadcast %squeeze3A_1124 : f32 to vector<16xf32>
        %mul3A_1129 = arith.mulf %mul3A_1128, %get3A_1106 : vector<16xf32>
        %add3A_1130 = arith.addf %add3A_1056, %mul3A_1129 : vector<16xf32>
        %slice3A_1131 = vector.extract_strided_slice %get3A_82 {offsets = [13], sizes = [1], strides = [1]} : vector<16xf32> to vector<1xf32>
        %squeeze3A_1132 = vector.extract %slice3A_1131[0] : f32 from vector<1xf32>
        %mul3A_1133 = vector.broadcast %squeeze3A_1132 : f32 to vector<16xf32>
        %mul3A_1134 = arith.mulf %mul3A_1133, %get3A_1101 : vector<16xf32>
        %add3A_1135 = arith.addf %add3A_1061, %mul3A_1134 : vector<16xf32>
        %mul3A_1136 = vector.broadcast %squeeze3A_1132 : f32 to vector<16xf32>
        %mul3A_1137 = arith.mulf %mul3A_1136, %get3A_1106 : vector<16xf32>
        %add3A_1138 = arith.addf %add3A_1064, %mul3A_1137 : vector<16xf32>
        %slice3A_1139 = vector.extract_strided_slice %get3A_94 {offsets = [13], sizes = [1], strides = [1]} : vector<16xf32> to vector<1xf32>
        %squeeze3A_1140 = vector.extract %slice3A_1139[0] : f32 from vector<1xf32>
        %mul3A_1141 = vector.broadcast %squeeze3A_1140 : f32 to vector<16xf32>
        %mul3A_1142 = arith.mulf %mul3A_1141, %get3A_1101 : vector<16xf32>
        %add3A_1143 = arith.addf %add3A_1069, %mul3A_1142 : vector<16xf32>
        %mul3A_1144 = vector.broadcast %squeeze3A_1140 : f32 to vector<16xf32>
        %mul3A_1145 = arith.mulf %mul3A_1144, %get3A_1106 : vector<16xf32>
        %add3A_1146 = arith.addf %add3A_1072, %mul3A_1145 : vector<16xf32>
        %slice3A_1147 = vector.extract_strided_slice %get3A_106 {offsets = [13], sizes = [1], strides = [1]} : vector<16xf32> to vector<1xf32>
        %squeeze3A_1148 = vector.extract %slice3A_1147[0] : f32 from vector<1xf32>
        %mul3A_1149 = vector.broadcast %squeeze3A_1148 : f32 to vector<16xf32>
        %mul3A_1150 = arith.mulf %mul3A_1149, %get3A_1101 : vector<16xf32>
        %add3A_1151 = arith.addf %add3A_1077, %mul3A_1150 : vector<16xf32>
        %mul3A_1152 = vector.broadcast %squeeze3A_1148 : f32 to vector<16xf32>
        %mul3A_1153 = arith.mulf %mul3A_1152, %get3A_1106 : vector<16xf32>
        %add3A_1154 = arith.addf %add3A_1080, %mul3A_1153 : vector<16xf32>
        %slice3A_1155 = vector.extract_strided_slice %get3A_118 {offsets = [13], sizes = [1], strides = [1]} : vector<16xf32> to vector<1xf32>
        %squeeze3A_1156 = vector.extract %slice3A_1155[0] : f32 from vector<1xf32>
        %mul3A_1157 = vector.broadcast %squeeze3A_1156 : f32 to vector<16xf32>
        %mul3A_1158 = arith.mulf %mul3A_1157, %get3A_1101 : vector<16xf32>
        %add3A_1159 = arith.addf %add3A_1085, %mul3A_1158 : vector<16xf32>
        %mul3A_1160 = vector.broadcast %squeeze3A_1156 : f32 to vector<16xf32>
        %mul3A_1161 = arith.mulf %mul3A_1160, %get3A_1106 : vector<16xf32>
        %add3A_1162 = arith.addf %add3A_1088, %mul3A_1161 : vector<16xf32>
        %slice3A_1163 = vector.extract_strided_slice %get3A_130 {offsets = [13], sizes = [1], strides = [1]} : vector<16xf32> to vector<1xf32>
        %squeeze3A_1164 = vector.extract %slice3A_1163[0] : f32 from vector<1xf32>
        %mul3A_1165 = vector.broadcast %squeeze3A_1164 : f32 to vector<16xf32>
        %mul3A_1166 = arith.mulf %mul3A_1165, %get3A_1101 : vector<16xf32>
        %add3A_1167 = arith.addf %add3A_1093, %mul3A_1166 : vector<16xf32>
        %mul3A_1168 = vector.broadcast %squeeze3A_1164 : f32 to vector<16xf32>
        %mul3A_1169 = arith.mulf %mul3A_1168, %get3A_1106 : vector<16xf32>
        %add3A_1170 = arith.addf %add3A_1096, %mul3A_1169 : vector<16xf32>
        %get3A_1171 = arith.constant 14 : i32
        %get3A_1172 = arith.index_cast %get3A_1171 : i32 to index
        %get3A_1173 = arith.constant 0 : index
        %get3A_1174 = tpu.vector_load %arg10[%get3A_1172, %get3A_1173] {strides = array<i32>} : memref<32x32xf32, #tpu.memory_space<vmem>>, vector<1x16xf32>,
        %get3A_1175 = vector.shape_cast %get3A_1174 : vector<1x16xf32> to vector<16xf32>
        %get3A_1176 = arith.constant 14 : i32
        %get3A_1177 = arith.index_cast %get3A_1176 : i32 to index
        %get3A_1178 = arith.constant 16 : index
        %get3A_1179 = tpu.vector_load %arg10[%get3A_1177, %get3A_1178] {strides = array<i32>} : memref<32x32xf32, #tpu.memory_space<vmem>>, vector<1x16xf32>,
        %get3A_1180 = vector.shape_cast %get3A_1179 : vector<1x16xf32> to vector<16xf32>
        %slice3A_1181 = vector.extract_strided_slice %get3A_46 {offsets = [14], sizes = [1], strides = [1]} : vector<16xf32> to vector<1xf32>
        %squeeze3A_1182 = vector.extract %slice3A_1181[0] : f32 from vector<1xf32>
        %mul3A_1183 = vector.broadcast %squeeze3A_1182 : f32 to vector<16xf32>
        %mul3A_1184 = arith.mulf %mul3A_1183, %get3A_1175 : vector<16xf32>
        %add3A_1185 = arith.addf %add3A_1111, %mul3A_1184 : vector<16xf32>
        %mul3A_1186 = vector.broadcast %squeeze3A_1182 : f32 to vector<16xf32>
        %mul3A_1187 = arith.mulf %mul3A_1186, %get3A_1180 : vector<16xf32>
        %add3A_1188 = arith.addf %add3A_1114, %mul3A_1187 : vector<16xf32>
        %slice3A_1189 = vector.extract_strided_slice %get3A_58 {offsets = [14], sizes = [1], strides = [1]} : vector<16xf32> to vector<1xf32>
        %squeeze3A_1190 = vector.extract %slice3A_1189[0] : f32 from vector<1xf32>
        %mul3A_1191 = vector.broadcast %squeeze3A_1190 : f32 to vector<16xf32>
        %mul3A_1192 = arith.mulf %mul3A_1191, %get3A_1175 : vector<16xf32>
        %add3A_1193 = arith.addf %add3A_1119, %mul3A_1192 : vector<16xf32>
        %mul3A_1194 = vector.broadcast %squeeze3A_1190 : f32 to vector<16xf32>
        %mul3A_1195 = arith.mulf %mul3A_1194, %get3A_1180 : vector<16xf32>
        %add3A_1196 = arith.addf %add3A_1122, %mul3A_1195 : vector<16xf32>
        %slice3A_1197 = vector.extract_strided_slice %get3A_70 {offsets = [14], sizes = [1], strides = [1]} : vector<16xf32> to vector<1xf32>
        %squeeze3A_1198 = vector.extract %slice3A_1197[0] : f32 from vector<1xf32>
        %mul3A_1199 = vector.broadcast %squeeze3A_1198 : f32 to vector<16xf32>
        %mul3A_1200 = arith.mulf %mul3A_1199, %get3A_1175 : vector<16xf32>
        %add3A_1201 = arith.addf %add3A_1127, %mul3A_1200 : vector<16xf32>
        %mul3A_1202 = vector.broadcast %squeeze3A_1198 : f32 to vector<16xf32>
        %mul3A_1203 = arith.mulf %mul3A_1202, %get3A_1180 : vector<16xf32>
        %add3A_1204 = arith.addf %add3A_1130, %mul3A_1203 : vector<16xf32>
        %slice3A_1205 = vector.extract_strided_slice %get3A_82 {offsets = [14], sizes = [1], strides = [1]} : vector<16xf32> to vector<1xf32>
        %squeeze3A_1206 = vector.extract %slice3A_1205[0] : f32 from vector<1xf32>
        %mul3A_1207 = vector.broadcast %squeeze3A_1206 : f32 to vector<16xf32>
        %mul3A_1208 = arith.mulf %mul3A_1207, %get3A_1175 : vector<16xf32>
        %add3A_1209 = arith.addf %add3A_1135, %mul3A_1208 : vector<16xf32>
        %mul3A_1210 = vector.broadcast %squeeze3A_1206 : f32 to vector<16xf32>
        %mul3A_1211 = arith.mulf %mul3A_1210, %get3A_1180 : vector<16xf32>
        %add3A_1212 = arith.addf %add3A_1138, %mul3A_1211 : vector<16xf32>
        %slice3A_1213 = vector.extract_strided_slice %get3A_94 {offsets = [14], sizes = [1], strides = [1]} : vector<16xf32> to vector<1xf32>
        %squeeze3A_1214 = vector.extract %slice3A_1213[0] : f32 from vector<1xf32>
        %mul3A_1215 = vector.broadcast %squeeze3A_1214 : f32 to vector<16xf32>
        %mul3A_1216 = arith.mulf %mul3A_1215, %get3A_1175 : vector<16xf32>
        %add3A_1217 = arith.addf %add3A_1143, %mul3A_1216 : vector<16xf32>
        %mul3A_1218 = vector.broadcast %squeeze3A_1214 : f32 to vector<16xf32>
        %mul3A_1219 = arith.mulf %mul3A_1218, %get3A_1180 : vector<16xf32>
        %add3A_1220 = arith.addf %add3A_1146, %mul3A_1219 : vector<16xf32>
        %slice3A_1221 = vector.extract_strided_slice %get3A_106 {offsets = [14], sizes = [1], strides = [1]} : vector<16xf32> to vector<1xf32>
        %squeeze3A_1222 = vector.extract %slice3A_1221[0] : f32 from vector<1xf32>
        %mul3A_1223 = vector.broadcast %squeeze3A_1222 : f32 to vector<16xf32>
        %mul3A_1224 = arith.mulf %mul3A_1223, %get3A_1175 : vector<16xf32>
        %add3A_1225 = arith.addf %add3A_1151, %mul3A_1224 : vector<16xf32>
        %mul3A_1226 = vector.broadcast %squeeze3A_1222 : f32 to vector<16xf32>
        %mul3A_1227 = arith.mulf %mul3A_1226, %get3A_1180 : vector<16xf32>
        %add3A_1228 = arith.addf %add3A_1154, %mul3A_1227 : vector<16xf32>
        %slice3A_1229 = vector.extract_strided_slice %get3A_118 {offsets = [14], sizes = [1], strides = [1]} : vector<16xf32> to vector<1xf32>
        %squeeze3A_1230 = vector.extract %slice3A_1229[0] : f32 from vector<1xf32>
        %mul3A_1231 = vector.broadcast %squeeze3A_1230 : f32 to vector<16xf32>
        %mul3A_1232 = arith.mulf %mul3A_1231, %get3A_1175 : vector<16xf32>
        %add3A_1233 = arith.addf %add3A_1159, %mul3A_1232 : vector<16xf32>
        %mul3A_1234 = vector.broadcast %squeeze3A_1230 : f32 to vector<16xf32>
        %mul3A_1235 = arith.mulf %mul3A_1234, %get3A_1180 : vector<16xf32>
        %add3A_1236 = arith.addf %add3A_1162, %mul3A_1235 : vector<16xf32>
        %slice3A_1237 = vector.extract_strided_slice %get3A_130 {offsets = [14], sizes = [1], strides = [1]} : vector<16xf32> to vector<1xf32>
        %squeeze3A_1238 = vector.extract %slice3A_1237[0] : f32 from vector<1xf32>
        %mul3A_1239 = vector.broadcast %squeeze3A_1238 : f32 to vector<16xf32>
        %mul3A_1240 = arith.mulf %mul3A_1239, %get3A_1175 : vector<16xf32>
        %add3A_1241 = arith.addf %add3A_1167, %mul3A_1240 : vector<16xf32>
        %mul3A_1242 = vector.broadcast %squeeze3A_1238 : f32 to vector<16xf32>
        %mul3A_1243 = arith.mulf %mul3A_1242, %get3A_1180 : vector<16xf32>
        %add3A_1244 = arith.addf %add3A_1170, %mul3A_1243 : vector<16xf32>
        %get3A_1245 = arith.constant 15 : i32
        %get3A_1246 = arith.index_cast %get3A_1245 : i32 to index
        %get3A_1247 = arith.constant 0 : index
        %get3A_1248 = tpu.vector_load %arg10[%get3A_1246, %get3A_1247] {strides = array<i32>} : memref<32x32xf32, #tpu.memory_space<vmem>>, vector<1x16xf32>,
        %get3A_1249 = vector.shape_cast %get3A_1248 : vector<1x16xf32> to vector<16xf32>
        %get3A_1250 = arith.constant 15 : i32
        %get3A_1251 = arith.index_cast %get3A_1250 : i32 to index
        %get3A_1252 = arith.constant 16 : index
        %get3A_1253 = tpu.vector_load %arg10[%get3A_1251, %get3A_1252] {strides = array<i32>} : memref<32x32xf32, #tpu.memory_space<vmem>>, vector<1x16xf32>,
        %get3A_1254 = vector.shape_cast %get3A_1253 : vector<1x16xf32> to vector<16xf32>
        %slice3A_1255 = vector.extract_strided_slice %get3A_46 {offsets = [15], sizes = [1], strides = [1]} : vector<16xf32> to vector<1xf32>
        %squeeze3A_1256 = vector.extract %slice3A_1255[0] : f32 from vector<1xf32>
        %mul3A_1257 = vector.broadcast %squeeze3A_1256 : f32 to vector<16xf32>
        %mul3A_1258 = arith.mulf %mul3A_1257, %get3A_1249 : vector<16xf32>
        %add3A_1259 = arith.addf %add3A_1185, %mul3A_1258 : vector<16xf32>
        %mul3A_1260 = vector.broadcast %squeeze3A_1256 : f32 to vector<16xf32>
        %mul3A_1261 = arith.mulf %mul3A_1260, %get3A_1254 : vector<16xf32>
        %add3A_1262 = arith.addf %add3A_1188, %mul3A_1261 : vector<16xf32>
        %slice3A_1263 = vector.extract_strided_slice %get3A_58 {offsets = [15], sizes = [1], strides = [1]} : vector<16xf32> to vector<1xf32>
        %squeeze3A_1264 = vector.extract %slice3A_1263[0] : f32 from vector<1xf32>
        %mul3A_1265 = vector.broadcast %squeeze3A_1264 : f32 to vector<16xf32>
        %mul3A_1266 = arith.mulf %mul3A_1265, %get3A_1249 : vector<16xf32>
        %add3A_1267 = arith.addf %add3A_1193, %mul3A_1266 : vector<16xf32>
        %mul3A_1268 = vector.broadcast %squeeze3A_1264 : f32 to vector<16xf32>
        %mul3A_1269 = arith.mulf %mul3A_1268, %get3A_1254 : vector<16xf32>
        %add3A_1270 = arith.addf %add3A_1196, %mul3A_1269 : vector<16xf32>
        %slice3A_1271 = vector.extract_strided_slice %get3A_70 {offsets = [15], sizes = [1], strides = [1]} : vector<16xf32> to vector<1xf32>
        %squeeze3A_1272 = vector.extract %slice3A_1271[0] : f32 from vector<1xf32>
        %mul3A_1273 = vector.broadcast %squeeze3A_1272 : f32 to vector<16xf32>
        %mul3A_1274 = arith.mulf %mul3A_1273, %get3A_1249 : vector<16xf32>
        %add3A_1275 = arith.addf %add3A_1201, %mul3A_1274 : vector<16xf32>
        %mul3A_1276 = vector.broadcast %squeeze3A_1272 : f32 to vector<16xf32>
        %mul3A_1277 = arith.mulf %mul3A_1276, %get3A_1254 : vector<16xf32>
        %add3A_1278 = arith.addf %add3A_1204, %mul3A_1277 : vector<16xf32>
        %slice3A_1279 = vector.extract_strided_slice %get3A_82 {offsets = [15], sizes = [1], strides = [1]} : vector<16xf32> to vector<1xf32>
        %squeeze3A_1280 = vector.extract %slice3A_1279[0] : f32 from vector<1xf32>
        %mul3A_1281 = vector.broadcast %squeeze3A_1280 : f32 to vector<16xf32>
        %mul3A_1282 = arith.mulf %mul3A_1281, %get3A_1249 : vector<16xf32>
        %add3A_1283 = arith.addf %add3A_1209, %mul3A_1282 : vector<16xf32>
        %mul3A_1284 = vector.broadcast %squeeze3A_1280 : f32 to vector<16xf32>
        %mul3A_1285 = arith.mulf %mul3A_1284, %get3A_1254 : vector<16xf32>
        %add3A_1286 = arith.addf %add3A_1212, %mul3A_1285 : vector<16xf32>
        %slice3A_1287 = vector.extract_strided_slice %get3A_94 {offsets = [15], sizes = [1], strides = [1]} : vector<16xf32> to vector<1xf32>
        %squeeze3A_1288 = vector.extract %slice3A_1287[0] : f32 from vector<1xf32>
        %mul3A_1289 = vector.broadcast %squeeze3A_1288 : f32 to vector<16xf32>
        %mul3A_1290 = arith.mulf %mul3A_1289, %get3A_1249 : vector<16xf32>
        %add3A_1291 = arith.addf %add3A_1217, %mul3A_1290 : vector<16xf32>
        %mul3A_1292 = vector.broadcast %squeeze3A_1288 : f32 to vector<16xf32>
        %mul3A_1293 = arith.mulf %mul3A_1292, %get3A_1254 : vector<16xf32>
        %add3A_1294 = arith.addf %add3A_1220, %mul3A_1293 : vector<16xf32>
        %slice3A_1295 = vector.extract_strided_slice %get3A_106 {offsets = [15], sizes = [1], strides = [1]} : vector<16xf32> to vector<1xf32>
        %squeeze3A_1296 = vector.extract %slice3A_1295[0] : f32 from vector<1xf32>
        %mul3A_1297 = vector.broadcast %squeeze3A_1296 : f32 to vector<16xf32>
        %mul3A_1298 = arith.mulf %mul3A_1297, %get3A_1249 : vector<16xf32>
        %add3A_1299 = arith.addf %add3A_1225, %mul3A_1298 : vector<16xf32>
        %mul3A_1300 = vector.broadcast %squeeze3A_1296 : f32 to vector<16xf32>
        %mul3A_1301 = arith.mulf %mul3A_1300, %get3A_1254 : vector<16xf32>
        %add3A_1302 = arith.addf %add3A_1228, %mul3A_1301 : vector<16xf32>
        %slice3A_1303 = vector.extract_strided_slice %get3A_118 {offsets = [15], sizes = [1], strides = [1]} : vector<16xf32> to vector<1xf32>
        %squeeze3A_1304 = vector.extract %slice3A_1303[0] : f32 from vector<1xf32>
        %mul3A_1305 = vector.broadcast %squeeze3A_1304 : f32 to vector<16xf32>
        %mul3A_1306 = arith.mulf %mul3A_1305, %get3A_1249 : vector<16xf32>
        %add3A_1307 = arith.addf %add3A_1233, %mul3A_1306 : vector<16xf32>
        %mul3A_1308 = vector.broadcast %squeeze3A_1304 : f32 to vector<16xf32>
        %mul3A_1309 = arith.mulf %mul3A_1308, %get3A_1254 : vector<16xf32>
        %add3A_1310 = arith.addf %add3A_1236, %mul3A_1309 : vector<16xf32>
        %slice3A_1311 = vector.extract_strided_slice %get3A_130 {offsets = [15], sizes = [1], strides = [1]} : vector<16xf32> to vector<1xf32>
        %squeeze3A_1312 = vector.extract %slice3A_1311[0] : f32 from vector<1xf32>
        %mul3A_1313 = vector.broadcast %squeeze3A_1312 : f32 to vector<16xf32>
        %mul3A_1314 = arith.mulf %mul3A_1313, %get3A_1249 : vector<16xf32>
        %add3A_1315 = arith.addf %add3A_1241, %mul3A_1314 : vector<16xf32>
        %mul3A_1316 = vector.broadcast %squeeze3A_1312 : f32 to vector<16xf32>
        %mul3A_1317 = arith.mulf %mul3A_1316, %get3A_1254 : vector<16xf32>
        %add3A_1318 = arith.addf %add3A_1244, %mul3A_1317 : vector<16xf32>
        %get3A_1319 = arith.constant 16 : i32
        %get3A_1320 = arith.index_cast %get3A_1319 : i32 to index
        %get3A_1321 = arith.constant 0 : index
        %get3A_1322 = tpu.vector_load %arg10[%get3A_1320, %get3A_1321] {strides = array<i32>} : memref<32x32xf32, #tpu.memory_space<vmem>>, vector<1x16xf32>,
        %get3A_1323 = vector.shape_cast %get3A_1322 : vector<1x16xf32> to vector<16xf32>
        %get3A_1324 = arith.constant 16 : i32
        %get3A_1325 = arith.index_cast %get3A_1324 : i32 to index
        %get3A_1326 = arith.constant 16 : index
        %get3A_1327 = tpu.vector_load %arg10[%get3A_1325, %get3A_1326] {strides = array<i32>} : memref<32x32xf32, #tpu.memory_space<vmem>>, vector<1x16xf32>,
        %get3A_1328 = vector.shape_cast %get3A_1327 : vector<1x16xf32> to vector<16xf32>
        %slice3A_1329 = vector.extract_strided_slice %get3A_52 {offsets = [0], sizes = [1], strides = [1]} : vector<16xf32> to vector<1xf32>
        %squeeze3A_1330 = vector.extract %slice3A_1329[0] : f32 from vector<1xf32>
        %mul3A_1331 = vector.broadcast %squeeze3A_1330 : f32 to vector<16xf32>
        %mul3A_1332 = arith.mulf %mul3A_1331, %get3A_1323 : vector<16xf32>
        %add3A_1333 = arith.addf %add3A_1259, %mul3A_1332 : vector<16xf32>
        %mul3A_1334 = vector.broadcast %squeeze3A_1330 : f32 to vector<16xf32>
        %mul3A_1335 = arith.mulf %mul3A_1334, %get3A_1328 : vector<16xf32>
        %add3A_1336 = arith.addf %add3A_1262, %mul3A_1335 : vector<16xf32>
        %slice3A_1337 = vector.extract_strided_slice %get3A_64 {offsets = [0], sizes = [1], strides = [1]} : vector<16xf32> to vector<1xf32>
        %squeeze3A_1338 = vector.extract %slice3A_1337[0] : f32 from vector<1xf32>
        %mul3A_1339 = vector.broadcast %squeeze3A_1338 : f32 to vector<16xf32>
        %mul3A_1340 = arith.mulf %mul3A_1339, %get3A_1323 : vector<16xf32>
        %add3A_1341 = arith.addf %add3A_1267, %mul3A_1340 : vector<16xf32>
        %mul3A_1342 = vector.broadcast %squeeze3A_1338 : f32 to vector<16xf32>
        %mul3A_1343 = arith.mulf %mul3A_1342, %get3A_1328 : vector<16xf32>
        %add3A_1344 = arith.addf %add3A_1270, %mul3A_1343 : vector<16xf32>
        %slice3A_1345 = vector.extract_strided_slice %get3A_76 {offsets = [0], sizes = [1], strides = [1]} : vector<16xf32> to vector<1xf32>
        %squeeze3A_1346 = vector.extract %slice3A_1345[0] : f32 from vector<1xf32>
        %mul3A_1347 = vector.broadcast %squeeze3A_1346 : f32 to vector<16xf32>
        %mul3A_1348 = arith.mulf %mul3A_1347, %get3A_1323 : vector<16xf32>
        %add3A_1349 = arith.addf %add3A_1275, %mul3A_1348 : vector<16xf32>
        %mul3A_1350 = vector.broadcast %squeeze3A_1346 : f32 to vector<16xf32>
        %mul3A_1351 = arith.mulf %mul3A_1350, %get3A_1328 : vector<16xf32>
        %add3A_1352 = arith.addf %add3A_1278, %mul3A_1351 : vector<16xf32>
        %slice3A_1353 = vector.extract_strided_slice %get3A_88 {offsets = [0], sizes = [1], strides = [1]} : vector<16xf32> to vector<1xf32>
        %squeeze3A_1354 = vector.extract %slice3A_1353[0] : f32 from vector<1xf32>
        %mul3A_1355 = vector.broadcast %squeeze3A_1354 : f32 to vector<16xf32>
        %mul3A_1356 = arith.mulf %mul3A_1355, %get3A_1323 : vector<16xf32>
        %add3A_1357 = arith.addf %add3A_1283, %mul3A_1356 : vector<16xf32>
        %mul3A_1358 = vector.broadcast %squeeze3A_1354 : f32 to vector<16xf32>
        %mul3A_1359 = arith.mulf %mul3A_1358, %get3A_1328 : vector<16xf32>
        %add3A_1360 = arith.addf %add3A_1286, %mul3A_1359 : vector<16xf32>
        %slice3A_1361 = vector.extract_strided_slice %get3A_100 {offsets = [0], sizes = [1], strides = [1]} : vector<16xf32> to vector<1xf32>
        %squeeze3A_1362 = vector.extract %slice3A_1361[0] : f32 from vector<1xf32>
        %mul3A_1363 = vector.broadcast %squeeze3A_1362 : f32 to vector<16xf32>
        %mul3A_1364 = arith.mulf %mul3A_1363, %get3A_1323 : vector<16xf32>
        %add3A_1365 = arith.addf %add3A_1291, %mul3A_1364 : vector<16xf32>
        %mul3A_1366 = vector.broadcast %squeeze3A_1362 : f32 to vector<16xf32>
        %mul3A_1367 = arith.mulf %mul3A_1366, %get3A_1328 : vector<16xf32>
        %add3A_1368 = arith.addf %add3A_1294, %mul3A_1367 : vector<16xf32>
        %slice3A_1369 = vector.extract_strided_slice %get3A_112 {offsets = [0], sizes = [1], strides = [1]} : vector<16xf32> to vector<1xf32>
        %squeeze3A_1370 = vector.extract %slice3A_1369[0] : f32 from vector<1xf32>
        %mul3A_1371 = vector.broadcast %squeeze3A_1370 : f32 to vector<16xf32>
        %mul3A_1372 = arith.mulf %mul3A_1371, %get3A_1323 : vector<16xf32>
        %add3A_1373 = arith.addf %add3A_1299, %mul3A_1372 : vector<16xf32>
        %mul3A_1374 = vector.broadcast %squeeze3A_1370 : f32 to vector<16xf32>
        %mul3A_1375 = arith.mulf %mul3A_1374, %get3A_1328 : vector<16xf32>
        %add3A_1376 = arith.addf %add3A_1302, %mul3A_1375 : vector<16xf32>
        %slice3A_1377 = vector.extract_strided_slice %get3A_124 {offsets = [0], sizes = [1], strides = [1]} : vector<16xf32> to vector<1xf32>
        %squeeze3A_1378 = vector.extract %slice3A_1377[0] : f32 from vector<1xf32>
        %mul3A_1379 = vector.broadcast %squeeze3A_1378 : f32 to vector<16xf32>
        %mul3A_1380 = arith.mulf %mul3A_1379, %get3A_1323 : vector<16xf32>
        %add3A_1381 = arith.addf %add3A_1307, %mul3A_1380 : vector<16xf32>
        %mul3A_1382 = vector.broadcast %squeeze3A_1378 : f32 to vector<16xf32>
        %mul3A_1383 = arith.mulf %mul3A_1382, %get3A_1328 : vector<16xf32>
        %add3A_1384 = arith.addf %add3A_1310, %mul3A_1383 : vector<16xf32>
        %slice3A_1385 = vector.extract_strided_slice %get3A_136 {offsets = [0], sizes = [1], strides = [1]} : vector<16xf32> to vector<1xf32>
        %squeeze3A_1386 = vector.extract %slice3A_1385[0] : f32 from vector<1xf32>
        %mul3A_1387 = vector.broadcast %squeeze3A_1386 : f32 to vector<16xf32>
        %mul3A_1388 = arith.mulf %mul3A_1387, %get3A_1323 : vector<16xf32>
        %add3A_1389 = arith.addf %add3A_1315, %mul3A_1388 : vector<16xf32>
        %mul3A_1390 = vector.broadcast %squeeze3A_1386 : f32 to vector<16xf32>
        %mul3A_1391 = arith.mulf %mul3A_1390, %get3A_1328 : vector<16xf32>
        %add3A_1392 = arith.addf %add3A_1318, %mul3A_1391 : vector<16xf32>
        %get3A_1393 = arith.constant 17 : i32
        %get3A_1394 = arith.index_cast %get3A_1393 : i32 to index
        %get3A_1395 = arith.constant 0 : index
        %get3A_1396 = tpu.vector_load %arg10[%get3A_1394, %get3A_1395] {strides = array<i32>} : memref<32x32xf32, #tpu.memory_space<vmem>>, vector<1x16xf32>,
        %get3A_1397 = vector.shape_cast %get3A_1396 : vector<1x16xf32> to vector<16xf32>
        %get3A_1398 = arith.constant 17 : i32
        %get3A_1399 = arith.index_cast %get3A_1398 : i32 to index
        %get3A_1400 = arith.constant 16 : index
        %get3A_1401 = tpu.vector_load %arg10[%get3A_1399, %get3A_1400] {strides = array<i32>} : memref<32x32xf32, #tpu.memory_space<vmem>>, vector<1x16xf32>,
        %get3A_1402 = vector.shape_cast %get3A_1401 : vector<1x16xf32> to vector<16xf32>
        %slice3A_1403 = vector.extract_strided_slice %get3A_52 {offsets = [1], sizes = [1], strides = [1]} : vector<16xf32> to vector<1xf32>
        %squeeze3A_1404 = vector.extract %slice3A_1403[0] : f32 from vector<1xf32>
        %mul3A_1405 = vector.broadcast %squeeze3A_1404 : f32 to vector<16xf32>
        %mul3A_1406 = arith.mulf %mul3A_1405, %get3A_1397 : vector<16xf32>
        %add3A_1407 = arith.addf %add3A_1333, %mul3A_1406 : vector<16xf32>
        %mul3A_1408 = vector.broadcast %squeeze3A_1404 : f32 to vector<16xf32>
        %mul3A_1409 = arith.mulf %mul3A_1408, %get3A_1402 : vector<16xf32>
        %add3A_1410 = arith.addf %add3A_1336, %mul3A_1409 : vector<16xf32>
        %slice3A_1411 = vector.extract_strided_slice %get3A_64 {offsets = [1], sizes = [1], strides = [1]} : vector<16xf32> to vector<1xf32>
        %squeeze3A_1412 = vector.extract %slice3A_1411[0] : f32 from vector<1xf32>
        %mul3A_1413 = vector.broadcast %squeeze3A_1412 : f32 to vector<16xf32>
        %mul3A_1414 = arith.mulf %mul3A_1413, %get3A_1397 : vector<16xf32>
        %add3A_1415 = arith.addf %add3A_1341, %mul3A_1414 : vector<16xf32>
        %mul3A_1416 = vector.broadcast %squeeze3A_1412 : f32 to vector<16xf32>
        %mul3A_1417 = arith.mulf %mul3A_1416, %get3A_1402 : vector<16xf32>
        %add3A_1418 = arith.addf %add3A_1344, %mul3A_1417 : vector<16xf32>
        %slice3A_1419 = vector.extract_strided_slice %get3A_76 {offsets = [1], sizes = [1], strides = [1]} : vector<16xf32> to vector<1xf32>
        %squeeze3A_1420 = vector.extract %slice3A_1419[0] : f32 from vector<1xf32>
        %mul3A_1421 = vector.broadcast %squeeze3A_1420 : f32 to vector<16xf32>
        %mul3A_1422 = arith.mulf %mul3A_1421, %get3A_1397 : vector<16xf32>
        %add3A_1423 = arith.addf %add3A_1349, %mul3A_1422 : vector<16xf32>
        %mul3A_1424 = vector.broadcast %squeeze3A_1420 : f32 to vector<16xf32>
        %mul3A_1425 = arith.mulf %mul3A_1424, %get3A_1402 : vector<16xf32>
        %add3A_1426 = arith.addf %add3A_1352, %mul3A_1425 : vector<16xf32>
        %slice3A_1427 = vector.extract_strided_slice %get3A_88 {offsets = [1], sizes = [1], strides = [1]} : vector<16xf32> to vector<1xf32>
        %squeeze3A_1428 = vector.extract %slice3A_1427[0] : f32 from vector<1xf32>
        %mul3A_1429 = vector.broadcast %squeeze3A_1428 : f32 to vector<16xf32>
        %mul3A_1430 = arith.mulf %mul3A_1429, %get3A_1397 : vector<16xf32>
        %add3A_1431 = arith.addf %add3A_1357, %mul3A_1430 : vector<16xf32>
        %mul3A_1432 = vector.broadcast %squeeze3A_1428 : f32 to vector<16xf32>
        %mul3A_1433 = arith.mulf %mul3A_1432, %get3A_1402 : vector<16xf32>
        %add3A_1434 = arith.addf %add3A_1360, %mul3A_1433 : vector<16xf32>
        %slice3A_1435 = vector.extract_strided_slice %get3A_100 {offsets = [1], sizes = [1], strides = [1]} : vector<16xf32> to vector<1xf32>
        %squeeze3A_1436 = vector.extract %slice3A_1435[0] : f32 from vector<1xf32>
        %mul3A_1437 = vector.broadcast %squeeze3A_1436 : f32 to vector<16xf32>
        %mul3A_1438 = arith.mulf %mul3A_1437, %get3A_1397 : vector<16xf32>
        %add3A_1439 = arith.addf %add3A_1365, %mul3A_1438 : vector<16xf32>
        %mul3A_1440 = vector.broadcast %squeeze3A_1436 : f32 to vector<16xf32>
        %mul3A_1441 = arith.mulf %mul3A_1440, %get3A_1402 : vector<16xf32>
        %add3A_1442 = arith.addf %add3A_1368, %mul3A_1441 : vector<16xf32>
        %slice3A_1443 = vector.extract_strided_slice %get3A_112 {offsets = [1], sizes = [1], strides = [1]} : vector<16xf32> to vector<1xf32>
        %squeeze3A_1444 = vector.extract %slice3A_1443[0] : f32 from vector<1xf32>
        %mul3A_1445 = vector.broadcast %squeeze3A_1444 : f32 to vector<16xf32>
        %mul3A_1446 = arith.mulf %mul3A_1445, %get3A_1397 : vector<16xf32>
        %add3A_1447 = arith.addf %add3A_1373, %mul3A_1446 : vector<16xf32>
        %mul3A_1448 = vector.broadcast %squeeze3A_1444 : f32 to vector<16xf32>
        %mul3A_1449 = arith.mulf %mul3A_1448, %get3A_1402 : vector<16xf32>
        %add3A_1450 = arith.addf %add3A_1376, %mul3A_1449 : vector<16xf32>
        %slice3A_1451 = vector.extract_strided_slice %get3A_124 {offsets = [1], sizes = [1], strides = [1]} : vector<16xf32> to vector<1xf32>
        %squeeze3A_1452 = vector.extract %slice3A_1451[0] : f32 from vector<1xf32>
        %mul3A_1453 = vector.broadcast %squeeze3A_1452 : f32 to vector<16xf32>
        %mul3A_1454 = arith.mulf %mul3A_1453, %get3A_1397 : vector<16xf32>
        %add3A_1455 = arith.addf %add3A_1381, %mul3A_1454 : vector<16xf32>
        %mul3A_1456 = vector.broadcast %squeeze3A_1452 : f32 to vector<16xf32>
        %mul3A_1457 = arith.mulf %mul3A_1456, %get3A_1402 : vector<16xf32>
        %add3A_1458 = arith.addf %add3A_1384, %mul3A_1457 : vector<16xf32>
        %slice3A_1459 = vector.extract_strided_slice %get3A_136 {offsets = [1], sizes = [1], strides = [1]} : vector<16xf32> to vector<1xf32>
        %squeeze3A_1460 = vector.extract %slice3A_1459[0] : f32 from vector<1xf32>
        %mul3A_1461 = vector.broadcast %squeeze3A_1460 : f32 to vector<16xf32>
        %mul3A_1462 = arith.mulf %mul3A_1461, %get3A_1397 : vector<16xf32>
        %add3A_1463 = arith.addf %add3A_1389, %mul3A_1462 : vector<16xf32>
        %mul3A_1464 = vector.broadcast %squeeze3A_1460 : f32 to vector<16xf32>
        %mul3A_1465 = arith.mulf %mul3A_1464, %get3A_1402 : vector<16xf32>
        %add3A_1466 = arith.addf %add3A_1392, %mul3A_1465 : vector<16xf32>
        %get3A_1467 = arith.constant 18 : i32
        %get3A_1468 = arith.index_cast %get3A_1467 : i32 to index
        %get3A_1469 = arith.constant 0 : index
        %get3A_1470 = tpu.vector_load %arg10[%get3A_1468, %get3A_1469] {strides = array<i32>} : memref<32x32xf32, #tpu.memory_space<vmem>>, vector<1x16xf32>,
        %get3A_1471 = vector.shape_cast %get3A_1470 : vector<1x16xf32> to vector<16xf32>
        %get3A_1472 = arith.constant 18 : i32
        %get3A_1473 = arith.index_cast %get3A_1472 : i32 to index
        %get3A_1474 = arith.constant 16 : index
        %get3A_1475 = tpu.vector_load %arg10[%get3A_1473, %get3A_1474] {strides = array<i32>} : memref<32x32xf32, #tpu.memory_space<vmem>>, vector<1x16xf32>,
        %get3A_1476 = vector.shape_cast %get3A_1475 : vector<1x16xf32> to vector<16xf32>
        %slice3A_1477 = vector.extract_strided_slice %get3A_52 {offsets = [2], sizes = [1], strides = [1]} : vector<16xf32> to vector<1xf32>
        %squeeze3A_1478 = vector.extract %slice3A_1477[0] : f32 from vector<1xf32>
        %mul3A_1479 = vector.broadcast %squeeze3A_1478 : f32 to vector<16xf32>
        %mul3A_1480 = arith.mulf %mul3A_1479, %get3A_1471 : vector<16xf32>
        %add3A_1481 = arith.addf %add3A_1407, %mul3A_1480 : vector<16xf32>
        %mul3A_1482 = vector.broadcast %squeeze3A_1478 : f32 to vector<16xf32>
        %mul3A_1483 = arith.mulf %mul3A_1482, %get3A_1476 : vector<16xf32>
        %add3A_1484 = arith.addf %add3A_1410, %mul3A_1483 : vector<16xf32>
        %slice3A_1485 = vector.extract_strided_slice %get3A_64 {offsets = [2], sizes = [1], strides = [1]} : vector<16xf32> to vector<1xf32>
        %squeeze3A_1486 = vector.extract %slice3A_1485[0] : f32 from vector<1xf32>
        %mul3A_1487 = vector.broadcast %squeeze3A_1486 : f32 to vector<16xf32>
        %mul3A_1488 = arith.mulf %mul3A_1487, %get3A_1471 : vector<16xf32>
        %add3A_1489 = arith.addf %add3A_1415, %mul3A_1488 : vector<16xf32>
        %mul3A_1490 = vector.broadcast %squeeze3A_1486 : f32 to vector<16xf32>
        %mul3A_1491 = arith.mulf %mul3A_1490, %get3A_1476 : vector<16xf32>
        %add3A_1492 = arith.addf %add3A_1418, %mul3A_1491 : vector<16xf32>
        %slice3A_1493 = vector.extract_strided_slice %get3A_76 {offsets = [2], sizes = [1], strides = [1]} : vector<16xf32> to vector<1xf32>
        %squeeze3A_1494 = vector.extract %slice3A_1493[0] : f32 from vector<1xf32>
        %mul3A_1495 = vector.broadcast %squeeze3A_1494 : f32 to vector<16xf32>
        %mul3A_1496 = arith.mulf %mul3A_1495, %get3A_1471 : vector<16xf32>
        %add3A_1497 = arith.addf %add3A_1423, %mul3A_1496 : vector<16xf32>
        %mul3A_1498 = vector.broadcast %squeeze3A_1494 : f32 to vector<16xf32>
        %mul3A_1499 = arith.mulf %mul3A_1498, %get3A_1476 : vector<16xf32>
        %add3A_1500 = arith.addf %add3A_1426, %mul3A_1499 : vector<16xf32>
        %slice3A_1501 = vector.extract_strided_slice %get3A_88 {offsets = [2], sizes = [1], strides = [1]} : vector<16xf32> to vector<1xf32>
        %squeeze3A_1502 = vector.extract %slice3A_1501[0] : f32 from vector<1xf32>
        %mul3A_1503 = vector.broadcast %squeeze3A_1502 : f32 to vector<16xf32>
        %mul3A_1504 = arith.mulf %mul3A_1503, %get3A_1471 : vector<16xf32>
        %add3A_1505 = arith.addf %add3A_1431, %mul3A_1504 : vector<16xf32>
        %mul3A_1506 = vector.broadcast %squeeze3A_1502 : f32 to vector<16xf32>
        %mul3A_1507 = arith.mulf %mul3A_1506, %get3A_1476 : vector<16xf32>
        %add3A_1508 = arith.addf %add3A_1434, %mul3A_1507 : vector<16xf32>
        %slice3A_1509 = vector.extract_strided_slice %get3A_100 {offsets = [2], sizes = [1], strides = [1]} : vector<16xf32> to vector<1xf32>
        %squeeze3A_1510 = vector.extract %slice3A_1509[0] : f32 from vector<1xf32>
        %mul3A_1511 = vector.broadcast %squeeze3A_1510 : f32 to vector<16xf32>
        %mul3A_1512 = arith.mulf %mul3A_1511, %get3A_1471 : vector<16xf32>
        %add3A_1513 = arith.addf %add3A_1439, %mul3A_1512 : vector<16xf32>
        %mul3A_1514 = vector.broadcast %squeeze3A_1510 : f32 to vector<16xf32>
        %mul3A_1515 = arith.mulf %mul3A_1514, %get3A_1476 : vector<16xf32>
        %add3A_1516 = arith.addf %add3A_1442, %mul3A_1515 : vector<16xf32>
        %slice3A_1517 = vector.extract_strided_slice %get3A_112 {offsets = [2], sizes = [1], strides = [1]} : vector<16xf32> to vector<1xf32>
        %squeeze3A_1518 = vector.extract %slice3A_1517[0] : f32 from vector<1xf32>
        %mul3A_1519 = vector.broadcast %squeeze3A_1518 : f32 to vector<16xf32>
        %mul3A_1520 = arith.mulf %mul3A_1519, %get3A_1471 : vector<16xf32>
        %add3A_1521 = arith.addf %add3A_1447, %mul3A_1520 : vector<16xf32>
        %mul3A_1522 = vector.broadcast %squeeze3A_1518 : f32 to vector<16xf32>
        %mul3A_1523 = arith.mulf %mul3A_1522, %get3A_1476 : vector<16xf32>
        %add3A_1524 = arith.addf %add3A_1450, %mul3A_1523 : vector<16xf32>
        %slice3A_1525 = vector.extract_strided_slice %get3A_124 {offsets = [2], sizes = [1], strides = [1]} : vector<16xf32> to vector<1xf32>
        %squeeze3A_1526 = vector.extract %slice3A_1525[0] : f32 from vector<1xf32>
        %mul3A_1527 = vector.broadcast %squeeze3A_1526 : f32 to vector<16xf32>
        %mul3A_1528 = arith.mulf %mul3A_1527, %get3A_1471 : vector<16xf32>
        %add3A_1529 = arith.addf %add3A_1455, %mul3A_1528 : vector<16xf32>
        %mul3A_1530 = vector.broadcast %squeeze3A_1526 : f32 to vector<16xf32>
        %mul3A_1531 = arith.mulf %mul3A_1530, %get3A_1476 : vector<16xf32>
        %add3A_1532 = arith.addf %add3A_1458, %mul3A_1531 : vector<16xf32>
        %slice3A_1533 = vector.extract_strided_slice %get3A_136 {offsets = [2], sizes = [1], strides = [1]} : vector<16xf32> to vector<1xf32>
        %squeeze3A_1534 = vector.extract %slice3A_1533[0] : f32 from vector<1xf32>
        %mul3A_1535 = vector.broadcast %squeeze3A_1534 : f32 to vector<16xf32>
        %mul3A_1536 = arith.mulf %mul3A_1535, %get3A_1471 : vector<16xf32>
        %add3A_1537 = arith.addf %add3A_1463, %mul3A_1536 : vector<16xf32>
        %mul3A_1538 = vector.broadcast %squeeze3A_1534 : f32 to vector<16xf32>
        %mul3A_1539 = arith.mulf %mul3A_1538, %get3A_1476 : vector<16xf32>
        %add3A_1540 = arith.addf %add3A_1466, %mul3A_1539 : vector<16xf32>
        %get3A_1541 = arith.constant 19 : i32
        %get3A_1542 = arith.index_cast %get3A_1541 : i32 to index
        %get3A_1543 = arith.constant 0 : index
        %get3A_1544 = tpu.vector_load %arg10[%get3A_1542, %get3A_1543] {strides = array<i32>} : memref<32x32xf32, #tpu.memory_space<vmem>>, vector<1x16xf32>,
        %get3A_1545 = vector.shape_cast %get3A_1544 : vector<1x16xf32> to vector<16xf32>
        %get3A_1546 = arith.constant 19 : i32
        %get3A_1547 = arith.index_cast %get3A_1546 : i32 to index
        %get3A_1548 = arith.constant 16 : index
        %get3A_1549 = tpu.vector_load %arg10[%get3A_1547, %get3A_1548] {strides = array<i32>} : memref<32x32xf32, #tpu.memory_space<vmem>>, vector<1x16xf32>,
        %get3A_1550 = vector.shape_cast %get3A_1549 : vector<1x16xf32> to vector<16xf32>
        %slice3A_1551 = vector.extract_strided_slice %get3A_52 {offsets = [3], sizes = [1], strides = [1]} : vector<16xf32> to vector<1xf32>
        %squeeze3A_1552 = vector.extract %slice3A_1551[0] : f32 from vector<1xf32>
        %mul3A_1553 = vector.broadcast %squeeze3A_1552 : f32 to vector<16xf32>
        %mul3A_1554 = arith.mulf %mul3A_1553, %get3A_1545 : vector<16xf32>
        %add3A_1555 = arith.addf %add3A_1481, %mul3A_1554 : vector<16xf32>
        %mul3A_1556 = vector.broadcast %squeeze3A_1552 : f32 to vector<16xf32>
        %mul3A_1557 = arith.mulf %mul3A_1556, %get3A_1550 : vector<16xf32>
        %add3A_1558 = arith.addf %add3A_1484, %mul3A_1557 : vector<16xf32>
        %slice3A_1559 = vector.extract_strided_slice %get3A_64 {offsets = [3], sizes = [1], strides = [1]} : vector<16xf32> to vector<1xf32>
        %squeeze3A_1560 = vector.extract %slice3A_1559[0] : f32 from vector<1xf32>
        %mul3A_1561 = vector.broadcast %squeeze3A_1560 : f32 to vector<16xf32>
        %mul3A_1562 = arith.mulf %mul3A_1561, %get3A_1545 : vector<16xf32>
        %add3A_1563 = arith.addf %add3A_1489, %mul3A_1562 : vector<16xf32>
        %mul3A_1564 = vector.broadcast %squeeze3A_1560 : f32 to vector<16xf32>
        %mul3A_1565 = arith.mulf %mul3A_1564, %get3A_1550 : vector<16xf32>
        %add3A_1566 = arith.addf %add3A_1492, %mul3A_1565 : vector<16xf32>
        %slice3A_1567 = vector.extract_strided_slice %get3A_76 {offsets = [3], sizes = [1], strides = [1]} : vector<16xf32> to vector<1xf32>
        %squeeze3A_1568 = vector.extract %slice3A_1567[0] : f32 from vector<1xf32>
        %mul3A_1569 = vector.broadcast %squeeze3A_1568 : f32 to vector<16xf32>
        %mul3A_1570 = arith.mulf %mul3A_1569, %get3A_1545 : vector<16xf32>
        %add3A_1571 = arith.addf %add3A_1497, %mul3A_1570 : vector<16xf32>
        %mul3A_1572 = vector.broadcast %squeeze3A_1568 : f32 to vector<16xf32>
        %mul3A_1573 = arith.mulf %mul3A_1572, %get3A_1550 : vector<16xf32>
        %add3A_1574 = arith.addf %add3A_1500, %mul3A_1573 : vector<16xf32>
        %slice3A_1575 = vector.extract_strided_slice %get3A_88 {offsets = [3], sizes = [1], strides = [1]} : vector<16xf32> to vector<1xf32>
        %squeeze3A_1576 = vector.extract %slice3A_1575[0] : f32 from vector<1xf32>
        %mul3A_1577 = vector.broadcast %squeeze3A_1576 : f32 to vector<16xf32>
        %mul3A_1578 = arith.mulf %mul3A_1577, %get3A_1545 : vector<16xf32>
        %add3A_1579 = arith.addf %add3A_1505, %mul3A_1578 : vector<16xf32>
        %mul3A_1580 = vector.broadcast %squeeze3A_1576 : f32 to vector<16xf32>
        %mul3A_1581 = arith.mulf %mul3A_1580, %get3A_1550 : vector<16xf32>
        %add3A_1582 = arith.addf %add3A_1508, %mul3A_1581 : vector<16xf32>
        %slice3A_1583 = vector.extract_strided_slice %get3A_100 {offsets = [3], sizes = [1], strides = [1]} : vector<16xf32> to vector<1xf32>
        %squeeze3A_1584 = vector.extract %slice3A_1583[0] : f32 from vector<1xf32>
        %mul3A_1585 = vector.broadcast %squeeze3A_1584 : f32 to vector<16xf32>
        %mul3A_1586 = arith.mulf %mul3A_1585, %get3A_1545 : vector<16xf32>
        %add3A_1587 = arith.addf %add3A_1513, %mul3A_1586 : vector<16xf32>
        %mul3A_1588 = vector.broadcast %squeeze3A_1584 : f32 to vector<16xf32>
        %mul3A_1589 = arith.mulf %mul3A_1588, %get3A_1550 : vector<16xf32>
        %add3A_1590 = arith.addf %add3A_1516, %mul3A_1589 : vector<16xf32>
        %slice3A_1591 = vector.extract_strided_slice %get3A_112 {offsets = [3], sizes = [1], strides = [1]} : vector<16xf32> to vector<1xf32>
        %squeeze3A_1592 = vector.extract %slice3A_1591[0] : f32 from vector<1xf32>
        %mul3A_1593 = vector.broadcast %squeeze3A_1592 : f32 to vector<16xf32>
        %mul3A_1594 = arith.mulf %mul3A_1593, %get3A_1545 : vector<16xf32>
        %add3A_1595 = arith.addf %add3A_1521, %mul3A_1594 : vector<16xf32>
        %mul3A_1596 = vector.broadcast %squeeze3A_1592 : f32 to vector<16xf32>
        %mul3A_1597 = arith.mulf %mul3A_1596, %get3A_1550 : vector<16xf32>
        %add3A_1598 = arith.addf %add3A_1524, %mul3A_1597 : vector<16xf32>
        %slice3A_1599 = vector.extract_strided_slice %get3A_124 {offsets = [3], sizes = [1], strides = [1]} : vector<16xf32> to vector<1xf32>
        %squeeze3A_1600 = vector.extract %slice3A_1599[0] : f32 from vector<1xf32>
        %mul3A_1601 = vector.broadcast %squeeze3A_1600 : f32 to vector<16xf32>
        %mul3A_1602 = arith.mulf %mul3A_1601, %get3A_1545 : vector<16xf32>
        %add3A_1603 = arith.addf %add3A_1529, %mul3A_1602 : vector<16xf32>
        %mul3A_1604 = vector.broadcast %squeeze3A_1600 : f32 to vector<16xf32>
        %mul3A_1605 = arith.mulf %mul3A_1604, %get3A_1550 : vector<16xf32>
        %add3A_1606 = arith.addf %add3A_1532, %mul3A_1605 : vector<16xf32>
        %slice3A_1607 = vector.extract_strided_slice %get3A_136 {offsets = [3], sizes = [1], strides = [1]} : vector<16xf32> to vector<1xf32>
        %squeeze3A_1608 = vector.extract %slice3A_1607[0] : f32 from vector<1xf32>
        %mul3A_1609 = vector.broadcast %squeeze3A_1608 : f32 to vector<16xf32>
        %mul3A_1610 = arith.mulf %mul3A_1609, %get3A_1545 : vector<16xf32>
        %add3A_1611 = arith.addf %add3A_1537, %mul3A_1610 : vector<16xf32>
        %mul3A_1612 = vector.broadcast %squeeze3A_1608 : f32 to vector<16xf32>
        %mul3A_1613 = arith.mulf %mul3A_1612, %get3A_1550 : vector<16xf32>
        %add3A_1614 = arith.addf %add3A_1540, %mul3A_1613 : vector<16xf32>
        %get3A_1615 = arith.constant 20 : i32
        %get3A_1616 = arith.index_cast %get3A_1615 : i32 to index
        %get3A_1617 = arith.constant 0 : index
        %get3A_1618 = tpu.vector_load %arg10[%get3A_1616, %get3A_1617] {strides = array<i32>} : memref<32x32xf32, #tpu.memory_space<vmem>>, vector<1x16xf32>,
        %get3A_1619 = vector.shape_cast %get3A_1618 : vector<1x16xf32> to vector<16xf32>
        %get3A_1620 = arith.constant 20 : i32
        %get3A_1621 = arith.index_cast %get3A_1620 : i32 to index
        %get3A_1622 = arith.constant 16 : index
        %get3A_1623 = tpu.vector_load %arg10[%get3A_1621, %get3A_1622] {strides = array<i32>} : memref<32x32xf32, #tpu.memory_space<vmem>>, vector<1x16xf32>,
        %get3A_1624 = vector.shape_cast %get3A_1623 : vector<1x16xf32> to vector<16xf32>
        %slice3A_1625 = vector.extract_strided_slice %get3A_52 {offsets = [4], sizes = [1], strides = [1]} : vector<16xf32> to vector<1xf32>
        %squeeze3A_1626 = vector.extract %slice3A_1625[0] : f32 from vector<1xf32>
        %mul3A_1627 = vector.broadcast %squeeze3A_1626 : f32 to vector<16xf32>
        %mul3A_1628 = arith.mulf %mul3A_1627, %get3A_1619 : vector<16xf32>
        %add3A_1629 = arith.addf %add3A_1555, %mul3A_1628 : vector<16xf32>
        %mul3A_1630 = vector.broadcast %squeeze3A_1626 : f32 to vector<16xf32>
        %mul3A_1631 = arith.mulf %mul3A_1630, %get3A_1624 : vector<16xf32>
        %add3A_1632 = arith.addf %add3A_1558, %mul3A_1631 : vector<16xf32>
        %slice3A_1633 = vector.extract_strided_slice %get3A_64 {offsets = [4], sizes = [1], strides = [1]} : vector<16xf32> to vector<1xf32>
        %squeeze3A_1634 = vector.extract %slice3A_1633[0] : f32 from vector<1xf32>
        %mul3A_1635 = vector.broadcast %squeeze3A_1634 : f32 to vector<16xf32>
        %mul3A_1636 = arith.mulf %mul3A_1635, %get3A_1619 : vector<16xf32>
        %add3A_1637 = arith.addf %add3A_1563, %mul3A_1636 : vector<16xf32>
        %mul3A_1638 = vector.broadcast %squeeze3A_1634 : f32 to vector<16xf32>
        %mul3A_1639 = arith.mulf %mul3A_1638, %get3A_1624 : vector<16xf32>
        %add3A_1640 = arith.addf %add3A_1566, %mul3A_1639 : vector<16xf32>
        %slice3A_1641 = vector.extract_strided_slice %get3A_76 {offsets = [4], sizes = [1], strides = [1]} : vector<16xf32> to vector<1xf32>
        %squeeze3A_1642 = vector.extract %slice3A_1641[0] : f32 from vector<1xf32>
        %mul3A_1643 = vector.broadcast %squeeze3A_1642 : f32 to vector<16xf32>
        %mul3A_1644 = arith.mulf %mul3A_1643, %get3A_1619 : vector<16xf32>
        %add3A_1645 = arith.addf %add3A_1571, %mul3A_1644 : vector<16xf32>
        %mul3A_1646 = vector.broadcast %squeeze3A_1642 : f32 to vector<16xf32>
        %mul3A_1647 = arith.mulf %mul3A_1646, %get3A_1624 : vector<16xf32>
        %add3A_1648 = arith.addf %add3A_1574, %mul3A_1647 : vector<16xf32>
        %slice3A_1649 = vector.extract_strided_slice %get3A_88 {offsets = [4], sizes = [1], strides = [1]} : vector<16xf32> to vector<1xf32>
        %squeeze3A_1650 = vector.extract %slice3A_1649[0] : f32 from vector<1xf32>
        %mul3A_1651 = vector.broadcast %squeeze3A_1650 : f32 to vector<16xf32>
        %mul3A_1652 = arith.mulf %mul3A_1651, %get3A_1619 : vector<16xf32>
        %add3A_1653 = arith.addf %add3A_1579, %mul3A_1652 : vector<16xf32>
        %mul3A_1654 = vector.broadcast %squeeze3A_1650 : f32 to vector<16xf32>
        %mul3A_1655 = arith.mulf %mul3A_1654, %get3A_1624 : vector<16xf32>
        %add3A_1656 = arith.addf %add3A_1582, %mul3A_1655 : vector<16xf32>
        %slice3A_1657 = vector.extract_strided_slice %get3A_100 {offsets = [4], sizes = [1], strides = [1]} : vector<16xf32> to vector<1xf32>
        %squeeze3A_1658 = vector.extract %slice3A_1657[0] : f32 from vector<1xf32>
        %mul3A_1659 = vector.broadcast %squeeze3A_1658 : f32 to vector<16xf32>
        %mul3A_1660 = arith.mulf %mul3A_1659, %get3A_1619 : vector<16xf32>
        %add3A_1661 = arith.addf %add3A_1587, %mul3A_1660 : vector<16xf32>
        %mul3A_1662 = vector.broadcast %squeeze3A_1658 : f32 to vector<16xf32>
        %mul3A_1663 = arith.mulf %mul3A_1662, %get3A_1624 : vector<16xf32>
        %add3A_1664 = arith.addf %add3A_1590, %mul3A_1663 : vector<16xf32>
        %slice3A_1665 = vector.extract_strided_slice %get3A_112 {offsets = [4], sizes = [1], strides = [1]} : vector<16xf32> to vector<1xf32>
        %squeeze3A_1666 = vector.extract %slice3A_1665[0] : f32 from vector<1xf32>
        %mul3A_1667 = vector.broadcast %squeeze3A_1666 : f32 to vector<16xf32>
        %mul3A_1668 = arith.mulf %mul3A_1667, %get3A_1619 : vector<16xf32>
        %add3A_1669 = arith.addf %add3A_1595, %mul3A_1668 : vector<16xf32>
        %mul3A_1670 = vector.broadcast %squeeze3A_1666 : f32 to vector<16xf32>
        %mul3A_1671 = arith.mulf %mul3A_1670, %get3A_1624 : vector<16xf32>
        %add3A_1672 = arith.addf %add3A_1598, %mul3A_1671 : vector<16xf32>
        %slice3A_1673 = vector.extract_strided_slice %get3A_124 {offsets = [4], sizes = [1], strides = [1]} : vector<16xf32> to vector<1xf32>
        %squeeze3A_1674 = vector.extract %slice3A_1673[0] : f32 from vector<1xf32>
        %mul3A_1675 = vector.broadcast %squeeze3A_1674 : f32 to vector<16xf32>
        %mul3A_1676 = arith.mulf %mul3A_1675, %get3A_1619 : vector<16xf32>
        %add3A_1677 = arith.addf %add3A_1603, %mul3A_1676 : vector<16xf32>
        %mul3A_1678 = vector.broadcast %squeeze3A_1674 : f32 to vector<16xf32>
        %mul3A_1679 = arith.mulf %mul3A_1678, %get3A_1624 : vector<16xf32>
        %add3A_1680 = arith.addf %add3A_1606, %mul3A_1679 : vector<16xf32>
        %slice3A_1681 = vector.extract_strided_slice %get3A_136 {offsets = [4], sizes = [1], strides = [1]} : vector<16xf32> to vector<1xf32>
        %squeeze3A_1682 = vector.extract %slice3A_1681[0] : f32 from vector<1xf32>
        %mul3A_1683 = vector.broadcast %squeeze3A_1682 : f32 to vector<16xf32>
        %mul3A_1684 = arith.mulf %mul3A_1683, %get3A_1619 : vector<16xf32>
        %add3A_1685 = arith.addf %add3A_1611, %mul3A_1684 : vector<16xf32>
        %mul3A_1686 = vector.broadcast %squeeze3A_1682 : f32 to vector<16xf32>
        %mul3A_1687 = arith.mulf %mul3A_1686, %get3A_1624 : vector<16xf32>
        %add3A_1688 = arith.addf %add3A_1614, %mul3A_1687 : vector<16xf32>
        %get3A_1689 = arith.constant 21 : i32
        %get3A_1690 = arith.index_cast %get3A_1689 : i32 to index
        %get3A_1691 = arith.constant 0 : index
        %get3A_1692 = tpu.vector_load %arg10[%get3A_1690, %get3A_1691] {strides = array<i32>} : memref<32x32xf32, #tpu.memory_space<vmem>>, vector<1x16xf32>,
        %get3A_1693 = vector.shape_cast %get3A_1692 : vector<1x16xf32> to vector<16xf32>
        %get3A_1694 = arith.constant 21 : i32
        %get3A_1695 = arith.index_cast %get3A_1694 : i32 to index
        %get3A_1696 = arith.constant 16 : index
        %get3A_1697 = tpu.vector_load %arg10[%get3A_1695, %get3A_1696] {strides = array<i32>} : memref<32x32xf32, #tpu.memory_space<vmem>>, vector<1x16xf32>,
        %get3A_1698 = vector.shape_cast %get3A_1697 : vector<1x16xf32> to vector<16xf32>
        %slice3A_1699 = vector.extract_strided_slice %get3A_52 {offsets = [5], sizes = [1], strides = [1]} : vector<16xf32> to vector<1xf32>
        %squeeze3A_1700 = vector.extract %slice3A_1699[0] : f32 from vector<1xf32>
        %mul3A_1701 = vector.broadcast %squeeze3A_1700 : f32 to vector<16xf32>
        %mul3A_1702 = arith.mulf %mul3A_1701, %get3A_1693 : vector<16xf32>
        %add3A_1703 = arith.addf %add3A_1629, %mul3A_1702 : vector<16xf32>
        %mul3A_1704 = vector.broadcast %squeeze3A_1700 : f32 to vector<16xf32>
        %mul3A_1705 = arith.mulf %mul3A_1704, %get3A_1698 : vector<16xf32>
        %add3A_1706 = arith.addf %add3A_1632, %mul3A_1705 : vector<16xf32>
        %slice3A_1707 = vector.extract_strided_slice %get3A_64 {offsets = [5], sizes = [1], strides = [1]} : vector<16xf32> to vector<1xf32>
        %squeeze3A_1708 = vector.extract %slice3A_1707[0] : f32 from vector<1xf32>
        %mul3A_1709 = vector.broadcast %squeeze3A_1708 : f32 to vector<16xf32>
        %mul3A_1710 = arith.mulf %mul3A_1709, %get3A_1693 : vector<16xf32>
        %add3A_1711 = arith.addf %add3A_1637, %mul3A_1710 : vector<16xf32>
        %mul3A_1712 = vector.broadcast %squeeze3A_1708 : f32 to vector<16xf32>
        %mul3A_1713 = arith.mulf %mul3A_1712, %get3A_1698 : vector<16xf32>
        %add3A_1714 = arith.addf %add3A_1640, %mul3A_1713 : vector<16xf32>
        %slice3A_1715 = vector.extract_strided_slice %get3A_76 {offsets = [5], sizes = [1], strides = [1]} : vector<16xf32> to vector<1xf32>
        %squeeze3A_1716 = vector.extract %slice3A_1715[0] : f32 from vector<1xf32>
        %mul3A_1717 = vector.broadcast %squeeze3A_1716 : f32 to vector<16xf32>
        %mul3A_1718 = arith.mulf %mul3A_1717, %get3A_1693 : vector<16xf32>
        %add3A_1719 = arith.addf %add3A_1645, %mul3A_1718 : vector<16xf32>
        %mul3A_1720 = vector.broadcast %squeeze3A_1716 : f32 to vector<16xf32>
        %mul3A_1721 = arith.mulf %mul3A_1720, %get3A_1698 : vector<16xf32>
        %add3A_1722 = arith.addf %add3A_1648, %mul3A_1721 : vector<16xf32>
        %slice3A_1723 = vector.extract_strided_slice %get3A_88 {offsets = [5], sizes = [1], strides = [1]} : vector<16xf32> to vector<1xf32>
        %squeeze3A_1724 = vector.extract %slice3A_1723[0] : f32 from vector<1xf32>
        %mul3A_1725 = vector.broadcast %squeeze3A_1724 : f32 to vector<16xf32>
        %mul3A_1726 = arith.mulf %mul3A_1725, %get3A_1693 : vector<16xf32>
        %add3A_1727 = arith.addf %add3A_1653, %mul3A_1726 : vector<16xf32>
        %mul3A_1728 = vector.broadcast %squeeze3A_1724 : f32 to vector<16xf32>
        %mul3A_1729 = arith.mulf %mul3A_1728, %get3A_1698 : vector<16xf32>
        %add3A_1730 = arith.addf %add3A_1656, %mul3A_1729 : vector<16xf32>
        %slice3A_1731 = vector.extract_strided_slice %get3A_100 {offsets = [5], sizes = [1], strides = [1]} : vector<16xf32> to vector<1xf32>
        %squeeze3A_1732 = vector.extract %slice3A_1731[0] : f32 from vector<1xf32>
        %mul3A_1733 = vector.broadcast %squeeze3A_1732 : f32 to vector<16xf32>
        %mul3A_1734 = arith.mulf %mul3A_1733, %get3A_1693 : vector<16xf32>
        %add3A_1735 = arith.addf %add3A_1661, %mul3A_1734 : vector<16xf32>
        %mul3A_1736 = vector.broadcast %squeeze3A_1732 : f32 to vector<16xf32>
        %mul3A_1737 = arith.mulf %mul3A_1736, %get3A_1698 : vector<16xf32>
        %add3A_1738 = arith.addf %add3A_1664, %mul3A_1737 : vector<16xf32>
        %slice3A_1739 = vector.extract_strided_slice %get3A_112 {offsets = [5], sizes = [1], strides = [1]} : vector<16xf32> to vector<1xf32>
        %squeeze3A_1740 = vector.extract %slice3A_1739[0] : f32 from vector<1xf32>
        %mul3A_1741 = vector.broadcast %squeeze3A_1740 : f32 to vector<16xf32>
        %mul3A_1742 = arith.mulf %mul3A_1741, %get3A_1693 : vector<16xf32>
        %add3A_1743 = arith.addf %add3A_1669, %mul3A_1742 : vector<16xf32>
        %mul3A_1744 = vector.broadcast %squeeze3A_1740 : f32 to vector<16xf32>
        %mul3A_1745 = arith.mulf %mul3A_1744, %get3A_1698 : vector<16xf32>
        %add3A_1746 = arith.addf %add3A_1672, %mul3A_1745 : vector<16xf32>
        %slice3A_1747 = vector.extract_strided_slice %get3A_124 {offsets = [5], sizes = [1], strides = [1]} : vector<16xf32> to vector<1xf32>
        %squeeze3A_1748 = vector.extract %slice3A_1747[0] : f32 from vector<1xf32>
        %mul3A_1749 = vector.broadcast %squeeze3A_1748 : f32 to vector<16xf32>
        %mul3A_1750 = arith.mulf %mul3A_1749, %get3A_1693 : vector<16xf32>
        %add3A_1751 = arith.addf %add3A_1677, %mul3A_1750 : vector<16xf32>
        %mul3A_1752 = vector.broadcast %squeeze3A_1748 : f32 to vector<16xf32>
        %mul3A_1753 = arith.mulf %mul3A_1752, %get3A_1698 : vector<16xf32>
        %add3A_1754 = arith.addf %add3A_1680, %mul3A_1753 : vector<16xf32>
        %slice3A_1755 = vector.extract_strided_slice %get3A_136 {offsets = [5], sizes = [1], strides = [1]} : vector<16xf32> to vector<1xf32>
        %squeeze3A_1756 = vector.extract %slice3A_1755[0] : f32 from vector<1xf32>
        %mul3A_1757 = vector.broadcast %squeeze3A_1756 : f32 to vector<16xf32>
        %mul3A_1758 = arith.mulf %mul3A_1757, %get3A_1693 : vector<16xf32>
        %add3A_1759 = arith.addf %add3A_1685, %mul3A_1758 : vector<16xf32>
        %mul3A_1760 = vector.broadcast %squeeze3A_1756 : f32 to vector<16xf32>
        %mul3A_1761 = arith.mulf %mul3A_1760, %get3A_1698 : vector<16xf32>
        %add3A_1762 = arith.addf %add3A_1688, %mul3A_1761 : vector<16xf32>
        %get3A_1763 = arith.constant 22 : i32
        %get3A_1764 = arith.index_cast %get3A_1763 : i32 to index
        %get3A_1765 = arith.constant 0 : index
        %get3A_1766 = tpu.vector_load %arg10[%get3A_1764, %get3A_1765] {strides = array<i32>} : memref<32x32xf32, #tpu.memory_space<vmem>>, vector<1x16xf32>,
        %get3A_1767 = vector.shape_cast %get3A_1766 : vector<1x16xf32> to vector<16xf32>
        %get3A_1768 = arith.constant 22 : i32
        %get3A_1769 = arith.index_cast %get3A_1768 : i32 to index
        %get3A_1770 = arith.constant 16 : index
        %get3A_1771 = tpu.vector_load %arg10[%get3A_1769, %get3A_1770] {strides = array<i32>} : memref<32x32xf32, #tpu.memory_space<vmem>>, vector<1x16xf32>,
        %get3A_1772 = vector.shape_cast %get3A_1771 : vector<1x16xf32> to vector<16xf32>
        %slice3A_1773 = vector.extract_strided_slice %get3A_52 {offsets = [6], sizes = [1], strides = [1]} : vector<16xf32> to vector<1xf32>
        %squeeze3A_1774 = vector.extract %slice3A_1773[0] : f32 from vector<1xf32>
        %mul3A_1775 = vector.broadcast %squeeze3A_1774 : f32 to vector<16xf32>
        %mul3A_1776 = arith.mulf %mul3A_1775, %get3A_1767 : vector<16xf32>
        %add3A_1777 = arith.addf %add3A_1703, %mul3A_1776 : vector<16xf32>
        %mul3A_1778 = vector.broadcast %squeeze3A_1774 : f32 to vector<16xf32>
        %mul3A_1779 = arith.mulf %mul3A_1778, %get3A_1772 : vector<16xf32>
        %add3A_1780 = arith.addf %add3A_1706, %mul3A_1779 : vector<16xf32>
        %slice3A_1781 = vector.extract_strided_slice %get3A_64 {offsets = [6], sizes = [1], strides = [1]} : vector<16xf32> to vector<1xf32>
        %squeeze3A_1782 = vector.extract %slice3A_1781[0] : f32 from vector<1xf32>
        %mul3A_1783 = vector.broadcast %squeeze3A_1782 : f32 to vector<16xf32>
        %mul3A_1784 = arith.mulf %mul3A_1783, %get3A_1767 : vector<16xf32>
        %add3A_1785 = arith.addf %add3A_1711, %mul3A_1784 : vector<16xf32>
        %mul3A_1786 = vector.broadcast %squeeze3A_1782 : f32 to vector<16xf32>
        %mul3A_1787 = arith.mulf %mul3A_1786, %get3A_1772 : vector<16xf32>
        %add3A_1788 = arith.addf %add3A_1714, %mul3A_1787 : vector<16xf32>
        %slice3A_1789 = vector.extract_strided_slice %get3A_76 {offsets = [6], sizes = [1], strides = [1]} : vector<16xf32> to vector<1xf32>
        %squeeze3A_1790 = vector.extract %slice3A_1789[0] : f32 from vector<1xf32>
        %mul3A_1791 = vector.broadcast %squeeze3A_1790 : f32 to vector<16xf32>
        %mul3A_1792 = arith.mulf %mul3A_1791, %get3A_1767 : vector<16xf32>
        %add3A_1793 = arith.addf %add3A_1719, %mul3A_1792 : vector<16xf32>
        %mul3A_1794 = vector.broadcast %squeeze3A_1790 : f32 to vector<16xf32>
        %mul3A_1795 = arith.mulf %mul3A_1794, %get3A_1772 : vector<16xf32>
        %add3A_1796 = arith.addf %add3A_1722, %mul3A_1795 : vector<16xf32>
        %slice3A_1797 = vector.extract_strided_slice %get3A_88 {offsets = [6], sizes = [1], strides = [1]} : vector<16xf32> to vector<1xf32>
        %squeeze3A_1798 = vector.extract %slice3A_1797[0] : f32 from vector<1xf32>
        %mul3A_1799 = vector.broadcast %squeeze3A_1798 : f32 to vector<16xf32>
        %mul3A_1800 = arith.mulf %mul3A_1799, %get3A_1767 : vector<16xf32>
        %add3A_1801 = arith.addf %add3A_1727, %mul3A_1800 : vector<16xf32>
        %mul3A_1802 = vector.broadcast %squeeze3A_1798 : f32 to vector<16xf32>
        %mul3A_1803 = arith.mulf %mul3A_1802, %get3A_1772 : vector<16xf32>
        %add3A_1804 = arith.addf %add3A_1730, %mul3A_1803 : vector<16xf32>
        %slice3A_1805 = vector.extract_strided_slice %get3A_100 {offsets = [6], sizes = [1], strides = [1]} : vector<16xf32> to vector<1xf32>
        %squeeze3A_1806 = vector.extract %slice3A_1805[0] : f32 from vector<1xf32>
        %mul3A_1807 = vector.broadcast %squeeze3A_1806 : f32 to vector<16xf32>
        %mul3A_1808 = arith.mulf %mul3A_1807, %get3A_1767 : vector<16xf32>
        %add3A_1809 = arith.addf %add3A_1735, %mul3A_1808 : vector<16xf32>
        %mul3A_1810 = vector.broadcast %squeeze3A_1806 : f32 to vector<16xf32>
        %mul3A_1811 = arith.mulf %mul3A_1810, %get3A_1772 : vector<16xf32>
        %add3A_1812 = arith.addf %add3A_1738, %mul3A_1811 : vector<16xf32>
        %slice3A_1813 = vector.extract_strided_slice %get3A_112 {offsets = [6], sizes = [1], strides = [1]} : vector<16xf32> to vector<1xf32>
        %squeeze3A_1814 = vector.extract %slice3A_1813[0] : f32 from vector<1xf32>
        %mul3A_1815 = vector.broadcast %squeeze3A_1814 : f32 to vector<16xf32>
        %mul3A_1816 = arith.mulf %mul3A_1815, %get3A_1767 : vector<16xf32>
        %add3A_1817 = arith.addf %add3A_1743, %mul3A_1816 : vector<16xf32>
        %mul3A_1818 = vector.broadcast %squeeze3A_1814 : f32 to vector<16xf32>
        %mul3A_1819 = arith.mulf %mul3A_1818, %get3A_1772 : vector<16xf32>
        %add3A_1820 = arith.addf %add3A_1746, %mul3A_1819 : vector<16xf32>
        %slice3A_1821 = vector.extract_strided_slice %get3A_124 {offsets = [6], sizes = [1], strides = [1]} : vector<16xf32> to vector<1xf32>
        %squeeze3A_1822 = vector.extract %slice3A_1821[0] : f32 from vector<1xf32>
        %mul3A_1823 = vector.broadcast %squeeze3A_1822 : f32 to vector<16xf32>
        %mul3A_1824 = arith.mulf %mul3A_1823, %get3A_1767 : vector<16xf32>
        %add3A_1825 = arith.addf %add3A_1751, %mul3A_1824 : vector<16xf32>
        %mul3A_1826 = vector.broadcast %squeeze3A_1822 : f32 to vector<16xf32>
        %mul3A_1827 = arith.mulf %mul3A_1826, %get3A_1772 : vector<16xf32>
        %add3A_1828 = arith.addf %add3A_1754, %mul3A_1827 : vector<16xf32>
        %slice3A_1829 = vector.extract_strided_slice %get3A_136 {offsets = [6], sizes = [1], strides = [1]} : vector<16xf32> to vector<1xf32>
        %squeeze3A_1830 = vector.extract %slice3A_1829[0] : f32 from vector<1xf32>
        %mul3A_1831 = vector.broadcast %squeeze3A_1830 : f32 to vector<16xf32>
        %mul3A_1832 = arith.mulf %mul3A_1831, %get3A_1767 : vector<16xf32>
        %add3A_1833 = arith.addf %add3A_1759, %mul3A_1832 : vector<16xf32>
        %mul3A_1834 = vector.broadcast %squeeze3A_1830 : f32 to vector<16xf32>
        %mul3A_1835 = arith.mulf %mul3A_1834, %get3A_1772 : vector<16xf32>
        %add3A_1836 = arith.addf %add3A_1762, %mul3A_1835 : vector<16xf32>
        %get3A_1837 = arith.constant 23 : i32
        %get3A_1838 = arith.index_cast %get3A_1837 : i32 to index
        %get3A_1839 = arith.constant 0 : index
        %get3A_1840 = tpu.vector_load %arg10[%get3A_1838, %get3A_1839] {strides = array<i32>} : memref<32x32xf32, #tpu.memory_space<vmem>>, vector<1x16xf32>,
        %get3A_1841 = vector.shape_cast %get3A_1840 : vector<1x16xf32> to vector<16xf32>
        %get3A_1842 = arith.constant 23 : i32
        %get3A_1843 = arith.index_cast %get3A_1842 : i32 to index
        %get3A_1844 = arith.constant 16 : index
        %get3A_1845 = tpu.vector_load %arg10[%get3A_1843, %get3A_1844] {strides = array<i32>} : memref<32x32xf32, #tpu.memory_space<vmem>>, vector<1x16xf32>,
        %get3A_1846 = vector.shape_cast %get3A_1845 : vector<1x16xf32> to vector<16xf32>
        %slice3A_1847 = vector.extract_strided_slice %get3A_52 {offsets = [7], sizes = [1], strides = [1]} : vector<16xf32> to vector<1xf32>
        %squeeze3A_1848 = vector.extract %slice3A_1847[0] : f32 from vector<1xf32>
        %mul3A_1849 = vector.broadcast %squeeze3A_1848 : f32 to vector<16xf32>
        %mul3A_1850 = arith.mulf %mul3A_1849, %get3A_1841 : vector<16xf32>
        %add3A_1851 = arith.addf %add3A_1777, %mul3A_1850 : vector<16xf32>
        %mul3A_1852 = vector.broadcast %squeeze3A_1848 : f32 to vector<16xf32>
        %mul3A_1853 = arith.mulf %mul3A_1852, %get3A_1846 : vector<16xf32>
        %add3A_1854 = arith.addf %add3A_1780, %mul3A_1853 : vector<16xf32>
        %slice3A_1855 = vector.extract_strided_slice %get3A_64 {offsets = [7], sizes = [1], strides = [1]} : vector<16xf32> to vector<1xf32>
        %squeeze3A_1856 = vector.extract %slice3A_1855[0] : f32 from vector<1xf32>
        %mul3A_1857 = vector.broadcast %squeeze3A_1856 : f32 to vector<16xf32>
        %mul3A_1858 = arith.mulf %mul3A_1857, %get3A_1841 : vector<16xf32>
        %add3A_1859 = arith.addf %add3A_1785, %mul3A_1858 : vector<16xf32>
        %mul3A_1860 = vector.broadcast %squeeze3A_1856 : f32 to vector<16xf32>
        %mul3A_1861 = arith.mulf %mul3A_1860, %get3A_1846 : vector<16xf32>
        %add3A_1862 = arith.addf %add3A_1788, %mul3A_1861 : vector<16xf32>
        %slice3A_1863 = vector.extract_strided_slice %get3A_76 {offsets = [7], sizes = [1], strides = [1]} : vector<16xf32> to vector<1xf32>
        %squeeze3A_1864 = vector.extract %slice3A_1863[0] : f32 from vector<1xf32>
        %mul3A_1865 = vector.broadcast %squeeze3A_1864 : f32 to vector<16xf32>
        %mul3A_1866 = arith.mulf %mul3A_1865, %get3A_1841 : vector<16xf32>
        %add3A_1867 = arith.addf %add3A_1793, %mul3A_1866 : vector<16xf32>
        %mul3A_1868 = vector.broadcast %squeeze3A_1864 : f32 to vector<16xf32>
        %mul3A_1869 = arith.mulf %mul3A_1868, %get3A_1846 : vector<16xf32>
        %add3A_1870 = arith.addf %add3A_1796, %mul3A_1869 : vector<16xf32>
        %slice3A_1871 = vector.extract_strided_slice %get3A_88 {offsets = [7], sizes = [1], strides = [1]} : vector<16xf32> to vector<1xf32>
        %squeeze3A_1872 = vector.extract %slice3A_1871[0] : f32 from vector<1xf32>
        %mul3A_1873 = vector.broadcast %squeeze3A_1872 : f32 to vector<16xf32>
        %mul3A_1874 = arith.mulf %mul3A_1873, %get3A_1841 : vector<16xf32>
        %add3A_1875 = arith.addf %add3A_1801, %mul3A_1874 : vector<16xf32>
        %mul3A_1876 = vector.broadcast %squeeze3A_1872 : f32 to vector<16xf32>
        %mul3A_1877 = arith.mulf %mul3A_1876, %get3A_1846 : vector<16xf32>
        %add3A_1878 = arith.addf %add3A_1804, %mul3A_1877 : vector<16xf32>
        %slice3A_1879 = vector.extract_strided_slice %get3A_100 {offsets = [7], sizes = [1], strides = [1]} : vector<16xf32> to vector<1xf32>
        %squeeze3A_1880 = vector.extract %slice3A_1879[0] : f32 from vector<1xf32>
        %mul3A_1881 = vector.broadcast %squeeze3A_1880 : f32 to vector<16xf32>
        %mul3A_1882 = arith.mulf %mul3A_1881, %get3A_1841 : vector<16xf32>
        %add3A_1883 = arith.addf %add3A_1809, %mul3A_1882 : vector<16xf32>
        %mul3A_1884 = vector.broadcast %squeeze3A_1880 : f32 to vector<16xf32>
        %mul3A_1885 = arith.mulf %mul3A_1884, %get3A_1846 : vector<16xf32>
        %add3A_1886 = arith.addf %add3A_1812, %mul3A_1885 : vector<16xf32>
        %slice3A_1887 = vector.extract_strided_slice %get3A_112 {offsets = [7], sizes = [1], strides = [1]} : vector<16xf32> to vector<1xf32>
        %squeeze3A_1888 = vector.extract %slice3A_1887[0] : f32 from vector<1xf32>
        %mul3A_1889 = vector.broadcast %squeeze3A_1888 : f32 to vector<16xf32>
        %mul3A_1890 = arith.mulf %mul3A_1889, %get3A_1841 : vector<16xf32>
        %add3A_1891 = arith.addf %add3A_1817, %mul3A_1890 : vector<16xf32>
        %mul3A_1892 = vector.broadcast %squeeze3A_1888 : f32 to vector<16xf32>
        %mul3A_1893 = arith.mulf %mul3A_1892, %get3A_1846 : vector<16xf32>
        %add3A_1894 = arith.addf %add3A_1820, %mul3A_1893 : vector<16xf32>
        %slice3A_1895 = vector.extract_strided_slice %get3A_124 {offsets = [7], sizes = [1], strides = [1]} : vector<16xf32> to vector<1xf32>
        %squeeze3A_1896 = vector.extract %slice3A_1895[0] : f32 from vector<1xf32>
        %mul3A_1897 = vector.broadcast %squeeze3A_1896 : f32 to vector<16xf32>
        %mul3A_1898 = arith.mulf %mul3A_1897, %get3A_1841 : vector<16xf32>
        %add3A_1899 = arith.addf %add3A_1825, %mul3A_1898 : vector<16xf32>
        %mul3A_1900 = vector.broadcast %squeeze3A_1896 : f32 to vector<16xf32>
        %mul3A_1901 = arith.mulf %mul3A_1900, %get3A_1846 : vector<16xf32>
        %add3A_1902 = arith.addf %add3A_1828, %mul3A_1901 : vector<16xf32>
        %slice3A_1903 = vector.extract_strided_slice %get3A_136 {offsets = [7], sizes = [1], strides = [1]} : vector<16xf32> to vector<1xf32>
        %squeeze3A_1904 = vector.extract %slice3A_1903[0] : f32 from vector<1xf32>
        %mul3A_1905 = vector.broadcast %squeeze3A_1904 : f32 to vector<16xf32>
        %mul3A_1906 = arith.mulf %mul3A_1905, %get3A_1841 : vector<16xf32>
        %add3A_1907 = arith.addf %add3A_1833, %mul3A_1906 : vector<16xf32>
        %mul3A_1908 = vector.broadcast %squeeze3A_1904 : f32 to vector<16xf32>
        %mul3A_1909 = arith.mulf %mul3A_1908, %get3A_1846 : vector<16xf32>
        %add3A_1910 = arith.addf %add3A_1836, %mul3A_1909 : vector<16xf32>
        %get3A_1911 = arith.constant 24 : i32
        %get3A_1912 = arith.index_cast %get3A_1911 : i32 to index
        %get3A_1913 = arith.constant 0 : index
        %get3A_1914 = tpu.vector_load %arg10[%get3A_1912, %get3A_1913] {strides = array<i32>} : memref<32x32xf32, #tpu.memory_space<vmem>>, vector<1x16xf32>,
        %get3A_1915 = vector.shape_cast %get3A_1914 : vector<1x16xf32> to vector<16xf32>
        %get3A_1916 = arith.constant 24 : i32
        %get3A_1917 = arith.index_cast %get3A_1916 : i32 to index
        %get3A_1918 = arith.constant 16 : index
        %get3A_1919 = tpu.vector_load %arg10[%get3A_1917, %get3A_1918] {strides = array<i32>} : memref<32x32xf32, #tpu.memory_space<vmem>>, vector<1x16xf32>,
        %get3A_1920 = vector.shape_cast %get3A_1919 : vector<1x16xf32> to vector<16xf32>
        %slice3A_1921 = vector.extract_strided_slice %get3A_52 {offsets = [8], sizes = [1], strides = [1]} : vector<16xf32> to vector<1xf32>
        %squeeze3A_1922 = vector.extract %slice3A_1921[0] : f32 from vector<1xf32>
        %mul3A_1923 = vector.broadcast %squeeze3A_1922 : f32 to vector<16xf32>
        %mul3A_1924 = arith.mulf %mul3A_1923, %get3A_1915 : vector<16xf32>
        %add3A_1925 = arith.addf %add3A_1851, %mul3A_1924 : vector<16xf32>
        %mul3A_1926 = vector.broadcast %squeeze3A_1922 : f32 to vector<16xf32>
        %mul3A_1927 = arith.mulf %mul3A_1926, %get3A_1920 : vector<16xf32>
        %add3A_1928 = arith.addf %add3A_1854, %mul3A_1927 : vector<16xf32>
        %slice3A_1929 = vector.extract_strided_slice %get3A_64 {offsets = [8], sizes = [1], strides = [1]} : vector<16xf32> to vector<1xf32>
        %squeeze3A_1930 = vector.extract %slice3A_1929[0] : f32 from vector<1xf32>
        %mul3A_1931 = vector.broadcast %squeeze3A_1930 : f32 to vector<16xf32>
        %mul3A_1932 = arith.mulf %mul3A_1931, %get3A_1915 : vector<16xf32>
        %add3A_1933 = arith.addf %add3A_1859, %mul3A_1932 : vector<16xf32>
        %mul3A_1934 = vector.broadcast %squeeze3A_1930 : f32 to vector<16xf32>
        %mul3A_1935 = arith.mulf %mul3A_1934, %get3A_1920 : vector<16xf32>
        %add3A_1936 = arith.addf %add3A_1862, %mul3A_1935 : vector<16xf32>
        %slice3A_1937 = vector.extract_strided_slice %get3A_76 {offsets = [8], sizes = [1], strides = [1]} : vector<16xf32> to vector<1xf32>
        %squeeze3A_1938 = vector.extract %slice3A_1937[0] : f32 from vector<1xf32>
        %mul3A_1939 = vector.broadcast %squeeze3A_1938 : f32 to vector<16xf32>
        %mul3A_1940 = arith.mulf %mul3A_1939, %get3A_1915 : vector<16xf32>
        %add3A_1941 = arith.addf %add3A_1867, %mul3A_1940 : vector<16xf32>
        %mul3A_1942 = vector.broadcast %squeeze3A_1938 : f32 to vector<16xf32>
        %mul3A_1943 = arith.mulf %mul3A_1942, %get3A_1920 : vector<16xf32>
        %add3A_1944 = arith.addf %add3A_1870, %mul3A_1943 : vector<16xf32>
        %slice3A_1945 = vector.extract_strided_slice %get3A_88 {offsets = [8], sizes = [1], strides = [1]} : vector<16xf32> to vector<1xf32>
        %squeeze3A_1946 = vector.extract %slice3A_1945[0] : f32 from vector<1xf32>
        %mul3A_1947 = vector.broadcast %squeeze3A_1946 : f32 to vector<16xf32>
        %mul3A_1948 = arith.mulf %mul3A_1947, %get3A_1915 : vector<16xf32>
        %add3A_1949 = arith.addf %add3A_1875, %mul3A_1948 : vector<16xf32>
        %mul3A_1950 = vector.broadcast %squeeze3A_1946 : f32 to vector<16xf32>
        %mul3A_1951 = arith.mulf %mul3A_1950, %get3A_1920 : vector<16xf32>
        %add3A_1952 = arith.addf %add3A_1878, %mul3A_1951 : vector<16xf32>
        %slice3A_1953 = vector.extract_strided_slice %get3A_100 {offsets = [8], sizes = [1], strides = [1]} : vector<16xf32> to vector<1xf32>
        %squeeze3A_1954 = vector.extract %slice3A_1953[0] : f32 from vector<1xf32>
        %mul3A_1955 = vector.broadcast %squeeze3A_1954 : f32 to vector<16xf32>
        %mul3A_1956 = arith.mulf %mul3A_1955, %get3A_1915 : vector<16xf32>
        %add3A_1957 = arith.addf %add3A_1883, %mul3A_1956 : vector<16xf32>
        %mul3A_1958 = vector.broadcast %squeeze3A_1954 : f32 to vector<16xf32>
        %mul3A_1959 = arith.mulf %mul3A_1958, %get3A_1920 : vector<16xf32>
        %add3A_1960 = arith.addf %add3A_1886, %mul3A_1959 : vector<16xf32>
        %slice3A_1961 = vector.extract_strided_slice %get3A_112 {offsets = [8], sizes = [1], strides = [1]} : vector<16xf32> to vector<1xf32>
        %squeeze3A_1962 = vector.extract %slice3A_1961[0] : f32 from vector<1xf32>
        %mul3A_1963 = vector.broadcast %squeeze3A_1962 : f32 to vector<16xf32>
        %mul3A_1964 = arith.mulf %mul3A_1963, %get3A_1915 : vector<16xf32>
        %add3A_1965 = arith.addf %add3A_1891, %mul3A_1964 : vector<16xf32>
        %mul3A_1966 = vector.broadcast %squeeze3A_1962 : f32 to vector<16xf32>
        %mul3A_1967 = arith.mulf %mul3A_1966, %get3A_1920 : vector<16xf32>
        %add3A_1968 = arith.addf %add3A_1894, %mul3A_1967 : vector<16xf32>
        %slice3A_1969 = vector.extract_strided_slice %get3A_124 {offsets = [8], sizes = [1], strides = [1]} : vector<16xf32> to vector<1xf32>
        %squeeze3A_1970 = vector.extract %slice3A_1969[0] : f32 from vector<1xf32>
        %mul3A_1971 = vector.broadcast %squeeze3A_1970 : f32 to vector<16xf32>
        %mul3A_1972 = arith.mulf %mul3A_1971, %get3A_1915 : vector<16xf32>
        %add3A_1973 = arith.addf %add3A_1899, %mul3A_1972 : vector<16xf32>
        %mul3A_1974 = vector.broadcast %squeeze3A_1970 : f32 to vector<16xf32>
        %mul3A_1975 = arith.mulf %mul3A_1974, %get3A_1920 : vector<16xf32>
        %add3A_1976 = arith.addf %add3A_1902, %mul3A_1975 : vector<16xf32>
        %slice3A_1977 = vector.extract_strided_slice %get3A_136 {offsets = [8], sizes = [1], strides = [1]} : vector<16xf32> to vector<1xf32>
        %squeeze3A_1978 = vector.extract %slice3A_1977[0] : f32 from vector<1xf32>
        %mul3A_1979 = vector.broadcast %squeeze3A_1978 : f32 to vector<16xf32>
        %mul3A_1980 = arith.mulf %mul3A_1979, %get3A_1915 : vector<16xf32>
        %add3A_1981 = arith.addf %add3A_1907, %mul3A_1980 : vector<16xf32>
        %mul3A_1982 = vector.broadcast %squeeze3A_1978 : f32 to vector<16xf32>
        %mul3A_1983 = arith.mulf %mul3A_1982, %get3A_1920 : vector<16xf32>
        %add3A_1984 = arith.addf %add3A_1910, %mul3A_1983 : vector<16xf32>
        %get3A_1985 = arith.constant 25 : i32
        %get3A_1986 = arith.index_cast %get3A_1985 : i32 to index
        %get3A_1987 = arith.constant 0 : index
        %get3A_1988 = tpu.vector_load %arg10[%get3A_1986, %get3A_1987] {strides = array<i32>} : memref<32x32xf32, #tpu.memory_space<vmem>>, vector<1x16xf32>,
        %get3A_1989 = vector.shape_cast %get3A_1988 : vector<1x16xf32> to vector<16xf32>
        %get3A_1990 = arith.constant 25 : i32
        %get3A_1991 = arith.index_cast %get3A_1990 : i32 to index
        %get3A_1992 = arith.constant 16 : index
        %get3A_1993 = tpu.vector_load %arg10[%get3A_1991, %get3A_1992] {strides = array<i32>} : memref<32x32xf32, #tpu.memory_space<vmem>>, vector<1x16xf32>,
        %get3A_1994 = vector.shape_cast %get3A_1993 : vector<1x16xf32> to vector<16xf32>
        %slice3A_1995 = vector.extract_strided_slice %get3A_52 {offsets = [9], sizes = [1], strides = [1]} : vector<16xf32> to vector<1xf32>
        %squeeze3A_1996 = vector.extract %slice3A_1995[0] : f32 from vector<1xf32>
        %mul3A_1997 = vector.broadcast %squeeze3A_1996 : f32 to vector<16xf32>
        %mul3A_1998 = arith.mulf %mul3A_1997, %get3A_1989 : vector<16xf32>
        %add3A_1999 = arith.addf %add3A_1925, %mul3A_1998 : vector<16xf32>
        %mul3A_2000 = vector.broadcast %squeeze3A_1996 : f32 to vector<16xf32>
        %mul3A_2001 = arith.mulf %mul3A_2000, %get3A_1994 : vector<16xf32>
        %add3A_2002 = arith.addf %add3A_1928, %mul3A_2001 : vector<16xf32>
        %slice3A_2003 = vector.extract_strided_slice %get3A_64 {offsets = [9], sizes = [1], strides = [1]} : vector<16xf32> to vector<1xf32>
        %squeeze3A_2004 = vector.extract %slice3A_2003[0] : f32 from vector<1xf32>
        %mul3A_2005 = vector.broadcast %squeeze3A_2004 : f32 to vector<16xf32>
        %mul3A_2006 = arith.mulf %mul3A_2005, %get3A_1989 : vector<16xf32>
        %add3A_2007 = arith.addf %add3A_1933, %mul3A_2006 : vector<16xf32>
        %mul3A_2008 = vector.broadcast %squeeze3A_2004 : f32 to vector<16xf32>
        %mul3A_2009 = arith.mulf %mul3A_2008, %get3A_1994 : vector<16xf32>
        %add3A_2010 = arith.addf %add3A_1936, %mul3A_2009 : vector<16xf32>
        %slice3A_2011 = vector.extract_strided_slice %get3A_76 {offsets = [9], sizes = [1], strides = [1]} : vector<16xf32> to vector<1xf32>
        %squeeze3A_2012 = vector.extract %slice3A_2011[0] : f32 from vector<1xf32>
        %mul3A_2013 = vector.broadcast %squeeze3A_2012 : f32 to vector<16xf32>
        %mul3A_2014 = arith.mulf %mul3A_2013, %get3A_1989 : vector<16xf32>
        %add3A_2015 = arith.addf %add3A_1941, %mul3A_2014 : vector<16xf32>
        %mul3A_2016 = vector.broadcast %squeeze3A_2012 : f32 to vector<16xf32>
        %mul3A_2017 = arith.mulf %mul3A_2016, %get3A_1994 : vector<16xf32>
        %add3A_2018 = arith.addf %add3A_1944, %mul3A_2017 : vector<16xf32>
        %slice3A_2019 = vector.extract_strided_slice %get3A_88 {offsets = [9], sizes = [1], strides = [1]} : vector<16xf32> to vector<1xf32>
        %squeeze3A_2020 = vector.extract %slice3A_2019[0] : f32 from vector<1xf32>
        %mul3A_2021 = vector.broadcast %squeeze3A_2020 : f32 to vector<16xf32>
        %mul3A_2022 = arith.mulf %mul3A_2021, %get3A_1989 : vector<16xf32>
        %add3A_2023 = arith.addf %add3A_1949, %mul3A_2022 : vector<16xf32>
        %mul3A_2024 = vector.broadcast %squeeze3A_2020 : f32 to vector<16xf32>
        %mul3A_2025 = arith.mulf %mul3A_2024, %get3A_1994 : vector<16xf32>
        %add3A_2026 = arith.addf %add3A_1952, %mul3A_2025 : vector<16xf32>
        %slice3A_2027 = vector.extract_strided_slice %get3A_100 {offsets = [9], sizes = [1], strides = [1]} : vector<16xf32> to vector<1xf32>
        %squeeze3A_2028 = vector.extract %slice3A_2027[0] : f32 from vector<1xf32>
        %mul3A_2029 = vector.broadcast %squeeze3A_2028 : f32 to vector<16xf32>
        %mul3A_2030 = arith.mulf %mul3A_2029, %get3A_1989 : vector<16xf32>
        %add3A_2031 = arith.addf %add3A_1957, %mul3A_2030 : vector<16xf32>
        %mul3A_2032 = vector.broadcast %squeeze3A_2028 : f32 to vector<16xf32>
        %mul3A_2033 = arith.mulf %mul3A_2032, %get3A_1994 : vector<16xf32>
        %add3A_2034 = arith.addf %add3A_1960, %mul3A_2033 : vector<16xf32>
        %slice3A_2035 = vector.extract_strided_slice %get3A_112 {offsets = [9], sizes = [1], strides = [1]} : vector<16xf32> to vector<1xf32>
        %squeeze3A_2036 = vector.extract %slice3A_2035[0] : f32 from vector<1xf32>
        %mul3A_2037 = vector.broadcast %squeeze3A_2036 : f32 to vector<16xf32>
        %mul3A_2038 = arith.mulf %mul3A_2037, %get3A_1989 : vector<16xf32>
        %add3A_2039 = arith.addf %add3A_1965, %mul3A_2038 : vector<16xf32>
        %mul3A_2040 = vector.broadcast %squeeze3A_2036 : f32 to vector<16xf32>
        %mul3A_2041 = arith.mulf %mul3A_2040, %get3A_1994 : vector<16xf32>
        %add3A_2042 = arith.addf %add3A_1968, %mul3A_2041 : vector<16xf32>
        %slice3A_2043 = vector.extract_strided_slice %get3A_124 {offsets = [9], sizes = [1], strides = [1]} : vector<16xf32> to vector<1xf32>
        %squeeze3A_2044 = vector.extract %slice3A_2043[0] : f32 from vector<1xf32>
        %mul3A_2045 = vector.broadcast %squeeze3A_2044 : f32 to vector<16xf32>
        %mul3A_2046 = arith.mulf %mul3A_2045, %get3A_1989 : vector<16xf32>
        %add3A_2047 = arith.addf %add3A_1973, %mul3A_2046 : vector<16xf32>
        %mul3A_2048 = vector.broadcast %squeeze3A_2044 : f32 to vector<16xf32>
        %mul3A_2049 = arith.mulf %mul3A_2048, %get3A_1994 : vector<16xf32>
        %add3A_2050 = arith.addf %add3A_1976, %mul3A_2049 : vector<16xf32>
        %slice3A_2051 = vector.extract_strided_slice %get3A_136 {offsets = [9], sizes = [1], strides = [1]} : vector<16xf32> to vector<1xf32>
        %squeeze3A_2052 = vector.extract %slice3A_2051[0] : f32 from vector<1xf32>
        %mul3A_2053 = vector.broadcast %squeeze3A_2052 : f32 to vector<16xf32>
        %mul3A_2054 = arith.mulf %mul3A_2053, %get3A_1989 : vector<16xf32>
        %add3A_2055 = arith.addf %add3A_1981, %mul3A_2054 : vector<16xf32>
        %mul3A_2056 = vector.broadcast %squeeze3A_2052 : f32 to vector<16xf32>
        %mul3A_2057 = arith.mulf %mul3A_2056, %get3A_1994 : vector<16xf32>
        %add3A_2058 = arith.addf %add3A_1984, %mul3A_2057 : vector<16xf32>
        %get3A_2059 = arith.constant 26 : i32
        %get3A_2060 = arith.index_cast %get3A_2059 : i32 to index
        %get3A_2061 = arith.constant 0 : index
        %get3A_2062 = tpu.vector_load %arg10[%get3A_2060, %get3A_2061] {strides = array<i32>} : memref<32x32xf32, #tpu.memory_space<vmem>>, vector<1x16xf32>,
        %get3A_2063 = vector.shape_cast %get3A_2062 : vector<1x16xf32> to vector<16xf32>
        %get3A_2064 = arith.constant 26 : i32
        %get3A_2065 = arith.index_cast %get3A_2064 : i32 to index
        %get3A_2066 = arith.constant 16 : index
        %get3A_2067 = tpu.vector_load %arg10[%get3A_2065, %get3A_2066] {strides = array<i32>} : memref<32x32xf32, #tpu.memory_space<vmem>>, vector<1x16xf32>,
        %get3A_2068 = vector.shape_cast %get3A_2067 : vector<1x16xf32> to vector<16xf32>
        %slice3A_2069 = vector.extract_strided_slice %get3A_52 {offsets = [10], sizes = [1], strides = [1]} : vector<16xf32> to vector<1xf32>
        %squeeze3A_2070 = vector.extract %slice3A_2069[0] : f32 from vector<1xf32>
        %mul3A_2071 = vector.broadcast %squeeze3A_2070 : f32 to vector<16xf32>
        %mul3A_2072 = arith.mulf %mul3A_2071, %get3A_2063 : vector<16xf32>
        %add3A_2073 = arith.addf %add3A_1999, %mul3A_2072 : vector<16xf32>
        %mul3A_2074 = vector.broadcast %squeeze3A_2070 : f32 to vector<16xf32>
        %mul3A_2075 = arith.mulf %mul3A_2074, %get3A_2068 : vector<16xf32>
        %add3A_2076 = arith.addf %add3A_2002, %mul3A_2075 : vector<16xf32>
        %slice3A_2077 = vector.extract_strided_slice %get3A_64 {offsets = [10], sizes = [1], strides = [1]} : vector<16xf32> to vector<1xf32>
        %squeeze3A_2078 = vector.extract %slice3A_2077[0] : f32 from vector<1xf32>
        %mul3A_2079 = vector.broadcast %squeeze3A_2078 : f32 to vector<16xf32>
        %mul3A_2080 = arith.mulf %mul3A_2079, %get3A_2063 : vector<16xf32>
        %add3A_2081 = arith.addf %add3A_2007, %mul3A_2080 : vector<16xf32>
        %mul3A_2082 = vector.broadcast %squeeze3A_2078 : f32 to vector<16xf32>
        %mul3A_2083 = arith.mulf %mul3A_2082, %get3A_2068 : vector<16xf32>
        %add3A_2084 = arith.addf %add3A_2010, %mul3A_2083 : vector<16xf32>
        %slice3A_2085 = vector.extract_strided_slice %get3A_76 {offsets = [10], sizes = [1], strides = [1]} : vector<16xf32> to vector<1xf32>
        %squeeze3A_2086 = vector.extract %slice3A_2085[0] : f32 from vector<1xf32>
        %mul3A_2087 = vector.broadcast %squeeze3A_2086 : f32 to vector<16xf32>
        %mul3A_2088 = arith.mulf %mul3A_2087, %get3A_2063 : vector<16xf32>
        %add3A_2089 = arith.addf %add3A_2015, %mul3A_2088 : vector<16xf32>
        %mul3A_2090 = vector.broadcast %squeeze3A_2086 : f32 to vector<16xf32>
        %mul3A_2091 = arith.mulf %mul3A_2090, %get3A_2068 : vector<16xf32>
        %add3A_2092 = arith.addf %add3A_2018, %mul3A_2091 : vector<16xf32>
        %slice3A_2093 = vector.extract_strided_slice %get3A_88 {offsets = [10], sizes = [1], strides = [1]} : vector<16xf32> to vector<1xf32>
        %squeeze3A_2094 = vector.extract %slice3A_2093[0] : f32 from vector<1xf32>
        %mul3A_2095 = vector.broadcast %squeeze3A_2094 : f32 to vector<16xf32>
        %mul3A_2096 = arith.mulf %mul3A_2095, %get3A_2063 : vector<16xf32>
        %add3A_2097 = arith.addf %add3A_2023, %mul3A_2096 : vector<16xf32>
        %mul3A_2098 = vector.broadcast %squeeze3A_2094 : f32 to vector<16xf32>
        %mul3A_2099 = arith.mulf %mul3A_2098, %get3A_2068 : vector<16xf32>
        %add3A_2100 = arith.addf %add3A_2026, %mul3A_2099 : vector<16xf32>
        %slice3A_2101 = vector.extract_strided_slice %get3A_100 {offsets = [10], sizes = [1], strides = [1]} : vector<16xf32> to vector<1xf32>
        %squeeze3A_2102 = vector.extract %slice3A_2101[0] : f32 from vector<1xf32>
        %mul3A_2103 = vector.broadcast %squeeze3A_2102 : f32 to vector<16xf32>
        %mul3A_2104 = arith.mulf %mul3A_2103, %get3A_2063 : vector<16xf32>
        %add3A_2105 = arith.addf %add3A_2031, %mul3A_2104 : vector<16xf32>
        %mul3A_2106 = vector.broadcast %squeeze3A_2102 : f32 to vector<16xf32>
        %mul3A_2107 = arith.mulf %mul3A_2106, %get3A_2068 : vector<16xf32>
        %add3A_2108 = arith.addf %add3A_2034, %mul3A_2107 : vector<16xf32>
        %slice3A_2109 = vector.extract_strided_slice %get3A_112 {offsets = [10], sizes = [1], strides = [1]} : vector<16xf32> to vector<1xf32>
        %squeeze3A_2110 = vector.extract %slice3A_2109[0] : f32 from vector<1xf32>
        %mul3A_2111 = vector.broadcast %squeeze3A_2110 : f32 to vector<16xf32>
        %mul3A_2112 = arith.mulf %mul3A_2111, %get3A_2063 : vector<16xf32>
        %add3A_2113 = arith.addf %add3A_2039, %mul3A_2112 : vector<16xf32>
        %mul3A_2114 = vector.broadcast %squeeze3A_2110 : f32 to vector<16xf32>
        %mul3A_2115 = arith.mulf %mul3A_2114, %get3A_2068 : vector<16xf32>
        %add3A_2116 = arith.addf %add3A_2042, %mul3A_2115 : vector<16xf32>
        %slice3A_2117 = vector.extract_strided_slice %get3A_124 {offsets = [10], sizes = [1], strides = [1]} : vector<16xf32> to vector<1xf32>
        %squeeze3A_2118 = vector.extract %slice3A_2117[0] : f32 from vector<1xf32>
        %mul3A_2119 = vector.broadcast %squeeze3A_2118 : f32 to vector<16xf32>
        %mul3A_2120 = arith.mulf %mul3A_2119, %get3A_2063 : vector<16xf32>
        %add3A_2121 = arith.addf %add3A_2047, %mul3A_2120 : vector<16xf32>
        %mul3A_2122 = vector.broadcast %squeeze3A_2118 : f32 to vector<16xf32>
        %mul3A_2123 = arith.mulf %mul3A_2122, %get3A_2068 : vector<16xf32>
        %add3A_2124 = arith.addf %add3A_2050, %mul3A_2123 : vector<16xf32>
        %slice3A_2125 = vector.extract_strided_slice %get3A_136 {offsets = [10], sizes = [1], strides = [1]} : vector<16xf32> to vector<1xf32>
        %squeeze3A_2126 = vector.extract %slice3A_2125[0] : f32 from vector<1xf32>
        %mul3A_2127 = vector.broadcast %squeeze3A_2126 : f32 to vector<16xf32>
        %mul3A_2128 = arith.mulf %mul3A_2127, %get3A_2063 : vector<16xf32>
        %add3A_2129 = arith.addf %add3A_2055, %mul3A_2128 : vector<16xf32>
        %mul3A_2130 = vector.broadcast %squeeze3A_2126 : f32 to vector<16xf32>
        %mul3A_2131 = arith.mulf %mul3A_2130, %get3A_2068 : vector<16xf32>
        %add3A_2132 = arith.addf %add3A_2058, %mul3A_2131 : vector<16xf32>
        %get3A_2133 = arith.constant 27 : i32
        %get3A_2134 = arith.index_cast %get3A_2133 : i32 to index
        %get3A_2135 = arith.constant 0 : index
        %get3A_2136 = tpu.vector_load %arg10[%get3A_2134, %get3A_2135] {strides = array<i32>} : memref<32x32xf32, #tpu.memory_space<vmem>>, vector<1x16xf32>,
        %get3A_2137 = vector.shape_cast %get3A_2136 : vector<1x16xf32> to vector<16xf32>
        %get3A_2138 = arith.constant 27 : i32
        %get3A_2139 = arith.index_cast %get3A_2138 : i32 to index
        %get3A_2140 = arith.constant 16 : index
        %get3A_2141 = tpu.vector_load %arg10[%get3A_2139, %get3A_2140] {strides = array<i32>} : memref<32x32xf32, #tpu.memory_space<vmem>>, vector<1x16xf32>,
        %get3A_2142 = vector.shape_cast %get3A_2141 : vector<1x16xf32> to vector<16xf32>
        %slice3A_2143 = vector.extract_strided_slice %get3A_52 {offsets = [11], sizes = [1], strides = [1]} : vector<16xf32> to vector<1xf32>
        %squeeze3A_2144 = vector.extract %slice3A_2143[0] : f32 from vector<1xf32>
        %mul3A_2145 = vector.broadcast %squeeze3A_2144 : f32 to vector<16xf32>
        %mul3A_2146 = arith.mulf %mul3A_2145, %get3A_2137 : vector<16xf32>
        %add3A_2147 = arith.addf %add3A_2073, %mul3A_2146 : vector<16xf32>
        %mul3A_2148 = vector.broadcast %squeeze3A_2144 : f32 to vector<16xf32>
        %mul3A_2149 = arith.mulf %mul3A_2148, %get3A_2142 : vector<16xf32>
        %add3A_2150 = arith.addf %add3A_2076, %mul3A_2149 : vector<16xf32>
        %slice3A_2151 = vector.extract_strided_slice %get3A_64 {offsets = [11], sizes = [1], strides = [1]} : vector<16xf32> to vector<1xf32>
        %squeeze3A_2152 = vector.extract %slice3A_2151[0] : f32 from vector<1xf32>
        %mul3A_2153 = vector.broadcast %squeeze3A_2152 : f32 to vector<16xf32>
        %mul3A_2154 = arith.mulf %mul3A_2153, %get3A_2137 : vector<16xf32>
        %add3A_2155 = arith.addf %add3A_2081, %mul3A_2154 : vector<16xf32>
        %mul3A_2156 = vector.broadcast %squeeze3A_2152 : f32 to vector<16xf32>
        %mul3A_2157 = arith.mulf %mul3A_2156, %get3A_2142 : vector<16xf32>
        %add3A_2158 = arith.addf %add3A_2084, %mul3A_2157 : vector<16xf32>
        %slice3A_2159 = vector.extract_strided_slice %get3A_76 {offsets = [11], sizes = [1], strides = [1]} : vector<16xf32> to vector<1xf32>
        %squeeze3A_2160 = vector.extract %slice3A_2159[0] : f32 from vector<1xf32>
        %mul3A_2161 = vector.broadcast %squeeze3A_2160 : f32 to vector<16xf32>
        %mul3A_2162 = arith.mulf %mul3A_2161, %get3A_2137 : vector<16xf32>
        %add3A_2163 = arith.addf %add3A_2089, %mul3A_2162 : vector<16xf32>
        %mul3A_2164 = vector.broadcast %squeeze3A_2160 : f32 to vector<16xf32>
        %mul3A_2165 = arith.mulf %mul3A_2164, %get3A_2142 : vector<16xf32>
        %add3A_2166 = arith.addf %add3A_2092, %mul3A_2165 : vector<16xf32>
        %slice3A_2167 = vector.extract_strided_slice %get3A_88 {offsets = [11], sizes = [1], strides = [1]} : vector<16xf32> to vector<1xf32>
        %squeeze3A_2168 = vector.extract %slice3A_2167[0] : f32 from vector<1xf32>
        %mul3A_2169 = vector.broadcast %squeeze3A_2168 : f32 to vector<16xf32>
        %mul3A_2170 = arith.mulf %mul3A_2169, %get3A_2137 : vector<16xf32>
        %add3A_2171 = arith.addf %add3A_2097, %mul3A_2170 : vector<16xf32>
        %mul3A_2172 = vector.broadcast %squeeze3A_2168 : f32 to vector<16xf32>
        %mul3A_2173 = arith.mulf %mul3A_2172, %get3A_2142 : vector<16xf32>
        %add3A_2174 = arith.addf %add3A_2100, %mul3A_2173 : vector<16xf32>
        %slice3A_2175 = vector.extract_strided_slice %get3A_100 {offsets = [11], sizes = [1], strides = [1]} : vector<16xf32> to vector<1xf32>
        %squeeze3A_2176 = vector.extract %slice3A_2175[0] : f32 from vector<1xf32>
        %mul3A_2177 = vector.broadcast %squeeze3A_2176 : f32 to vector<16xf32>
        %mul3A_2178 = arith.mulf %mul3A_2177, %get3A_2137 : vector<16xf32>
        %add3A_2179 = arith.addf %add3A_2105, %mul3A_2178 : vector<16xf32>
        %mul3A_2180 = vector.broadcast %squeeze3A_2176 : f32 to vector<16xf32>
        %mul3A_2181 = arith.mulf %mul3A_2180, %get3A_2142 : vector<16xf32>
        %add3A_2182 = arith.addf %add3A_2108, %mul3A_2181 : vector<16xf32>
        %slice3A_2183 = vector.extract_strided_slice %get3A_112 {offsets = [11], sizes = [1], strides = [1]} : vector<16xf32> to vector<1xf32>
        %squeeze3A_2184 = vector.extract %slice3A_2183[0] : f32 from vector<1xf32>
        %mul3A_2185 = vector.broadcast %squeeze3A_2184 : f32 to vector<16xf32>
        %mul3A_2186 = arith.mulf %mul3A_2185, %get3A_2137 : vector<16xf32>
        %add3A_2187 = arith.addf %add3A_2113, %mul3A_2186 : vector<16xf32>
        %mul3A_2188 = vector.broadcast %squeeze3A_2184 : f32 to vector<16xf32>
        %mul3A_2189 = arith.mulf %mul3A_2188, %get3A_2142 : vector<16xf32>
        %add3A_2190 = arith.addf %add3A_2116, %mul3A_2189 : vector<16xf32>
        %slice3A_2191 = vector.extract_strided_slice %get3A_124 {offsets = [11], sizes = [1], strides = [1]} : vector<16xf32> to vector<1xf32>
        %squeeze3A_2192 = vector.extract %slice3A_2191[0] : f32 from vector<1xf32>
        %mul3A_2193 = vector.broadcast %squeeze3A_2192 : f32 to vector<16xf32>
        %mul3A_2194 = arith.mulf %mul3A_2193, %get3A_2137 : vector<16xf32>
        %add3A_2195 = arith.addf %add3A_2121, %mul3A_2194 : vector<16xf32>
        %mul3A_2196 = vector.broadcast %squeeze3A_2192 : f32 to vector<16xf32>
        %mul3A_2197 = arith.mulf %mul3A_2196, %get3A_2142 : vector<16xf32>
        %add3A_2198 = arith.addf %add3A_2124, %mul3A_2197 : vector<16xf32>
        %slice3A_2199 = vector.extract_strided_slice %get3A_136 {offsets = [11], sizes = [1], strides = [1]} : vector<16xf32> to vector<1xf32>
        %squeeze3A_2200 = vector.extract %slice3A_2199[0] : f32 from vector<1xf32>
        %mul3A_2201 = vector.broadcast %squeeze3A_2200 : f32 to vector<16xf32>
        %mul3A_2202 = arith.mulf %mul3A_2201, %get3A_2137 : vector<16xf32>
        %add3A_2203 = arith.addf %add3A_2129, %mul3A_2202 : vector<16xf32>
        %mul3A_2204 = vector.broadcast %squeeze3A_2200 : f32 to vector<16xf32>
        %mul3A_2205 = arith.mulf %mul3A_2204, %get3A_2142 : vector<16xf32>
        %add3A_2206 = arith.addf %add3A_2132, %mul3A_2205 : vector<16xf32>
        %get3A_2207 = arith.constant 28 : i32
        %get3A_2208 = arith.index_cast %get3A_2207 : i32 to index
        %get3A_2209 = arith.constant 0 : index
        %get3A_2210 = tpu.vector_load %arg10[%get3A_2208, %get3A_2209] {strides = array<i32>} : memref<32x32xf32, #tpu.memory_space<vmem>>, vector<1x16xf32>,
        %get3A_2211 = vector.shape_cast %get3A_2210 : vector<1x16xf32> to vector<16xf32>
        %get3A_2212 = arith.constant 28 : i32
        %get3A_2213 = arith.index_cast %get3A_2212 : i32 to index
        %get3A_2214 = arith.constant 16 : index
        %get3A_2215 = tpu.vector_load %arg10[%get3A_2213, %get3A_2214] {strides = array<i32>} : memref<32x32xf32, #tpu.memory_space<vmem>>, vector<1x16xf32>,
        %get3A_2216 = vector.shape_cast %get3A_2215 : vector<1x16xf32> to vector<16xf32>
        %slice3A_2217 = vector.extract_strided_slice %get3A_52 {offsets = [12], sizes = [1], strides = [1]} : vector<16xf32> to vector<1xf32>
        %squeeze3A_2218 = vector.extract %slice3A_2217[0] : f32 from vector<1xf32>
        %mul3A_2219 = vector.broadcast %squeeze3A_2218 : f32 to vector<16xf32>
        %mul3A_2220 = arith.mulf %mul3A_2219, %get3A_2211 : vector<16xf32>
        %add3A_2221 = arith.addf %add3A_2147, %mul3A_2220 : vector<16xf32>
        %mul3A_2222 = vector.broadcast %squeeze3A_2218 : f32 to vector<16xf32>
        %mul3A_2223 = arith.mulf %mul3A_2222, %get3A_2216 : vector<16xf32>
        %add3A_2224 = arith.addf %add3A_2150, %mul3A_2223 : vector<16xf32>
        %slice3A_2225 = vector.extract_strided_slice %get3A_64 {offsets = [12], sizes = [1], strides = [1]} : vector<16xf32> to vector<1xf32>
        %squeeze3A_2226 = vector.extract %slice3A_2225[0] : f32 from vector<1xf32>
        %mul3A_2227 = vector.broadcast %squeeze3A_2226 : f32 to vector<16xf32>
        %mul3A_2228 = arith.mulf %mul3A_2227, %get3A_2211 : vector<16xf32>
        %add3A_2229 = arith.addf %add3A_2155, %mul3A_2228 : vector<16xf32>
        %mul3A_2230 = vector.broadcast %squeeze3A_2226 : f32 to vector<16xf32>
        %mul3A_2231 = arith.mulf %mul3A_2230, %get3A_2216 : vector<16xf32>
        %add3A_2232 = arith.addf %add3A_2158, %mul3A_2231 : vector<16xf32>
        %slice3A_2233 = vector.extract_strided_slice %get3A_76 {offsets = [12], sizes = [1], strides = [1]} : vector<16xf32> to vector<1xf32>
        %squeeze3A_2234 = vector.extract %slice3A_2233[0] : f32 from vector<1xf32>
        %mul3A_2235 = vector.broadcast %squeeze3A_2234 : f32 to vector<16xf32>
        %mul3A_2236 = arith.mulf %mul3A_2235, %get3A_2211 : vector<16xf32>
        %add3A_2237 = arith.addf %add3A_2163, %mul3A_2236 : vector<16xf32>
        %mul3A_2238 = vector.broadcast %squeeze3A_2234 : f32 to vector<16xf32>
        %mul3A_2239 = arith.mulf %mul3A_2238, %get3A_2216 : vector<16xf32>
        %add3A_2240 = arith.addf %add3A_2166, %mul3A_2239 : vector<16xf32>
        %slice3A_2241 = vector.extract_strided_slice %get3A_88 {offsets = [12], sizes = [1], strides = [1]} : vector<16xf32> to vector<1xf32>
        %squeeze3A_2242 = vector.extract %slice3A_2241[0] : f32 from vector<1xf32>
        %mul3A_2243 = vector.broadcast %squeeze3A_2242 : f32 to vector<16xf32>
        %mul3A_2244 = arith.mulf %mul3A_2243, %get3A_2211 : vector<16xf32>
        %add3A_2245 = arith.addf %add3A_2171, %mul3A_2244 : vector<16xf32>
        %mul3A_2246 = vector.broadcast %squeeze3A_2242 : f32 to vector<16xf32>
        %mul3A_2247 = arith.mulf %mul3A_2246, %get3A_2216 : vector<16xf32>
        %add3A_2248 = arith.addf %add3A_2174, %mul3A_2247 : vector<16xf32>
        %slice3A_2249 = vector.extract_strided_slice %get3A_100 {offsets = [12], sizes = [1], strides = [1]} : vector<16xf32> to vector<1xf32>
        %squeeze3A_2250 = vector.extract %slice3A_2249[0] : f32 from vector<1xf32>
        %mul3A_2251 = vector.broadcast %squeeze3A_2250 : f32 to vector<16xf32>
        %mul3A_2252 = arith.mulf %mul3A_2251, %get3A_2211 : vector<16xf32>
        %add3A_2253 = arith.addf %add3A_2179, %mul3A_2252 : vector<16xf32>
        %mul3A_2254 = vector.broadcast %squeeze3A_2250 : f32 to vector<16xf32>
        %mul3A_2255 = arith.mulf %mul3A_2254, %get3A_2216 : vector<16xf32>
        %add3A_2256 = arith.addf %add3A_2182, %mul3A_2255 : vector<16xf32>
        %slice3A_2257 = vector.extract_strided_slice %get3A_112 {offsets = [12], sizes = [1], strides = [1]} : vector<16xf32> to vector<1xf32>
        %squeeze3A_2258 = vector.extract %slice3A_2257[0] : f32 from vector<1xf32>
        %mul3A_2259 = vector.broadcast %squeeze3A_2258 : f32 to vector<16xf32>
        %mul3A_2260 = arith.mulf %mul3A_2259, %get3A_2211 : vector<16xf32>
        %add3A_2261 = arith.addf %add3A_2187, %mul3A_2260 : vector<16xf32>
        %mul3A_2262 = vector.broadcast %squeeze3A_2258 : f32 to vector<16xf32>
        %mul3A_2263 = arith.mulf %mul3A_2262, %get3A_2216 : vector<16xf32>
        %add3A_2264 = arith.addf %add3A_2190, %mul3A_2263 : vector<16xf32>
        %slice3A_2265 = vector.extract_strided_slice %get3A_124 {offsets = [12], sizes = [1], strides = [1]} : vector<16xf32> to vector<1xf32>
        %squeeze3A_2266 = vector.extract %slice3A_2265[0] : f32 from vector<1xf32>
        %mul3A_2267 = vector.broadcast %squeeze3A_2266 : f32 to vector<16xf32>
        %mul3A_2268 = arith.mulf %mul3A_2267, %get3A_2211 : vector<16xf32>
        %add3A_2269 = arith.addf %add3A_2195, %mul3A_2268 : vector<16xf32>
        %mul3A_2270 = vector.broadcast %squeeze3A_2266 : f32 to vector<16xf32>
        %mul3A_2271 = arith.mulf %mul3A_2270, %get3A_2216 : vector<16xf32>
        %add3A_2272 = arith.addf %add3A_2198, %mul3A_2271 : vector<16xf32>
        %slice3A_2273 = vector.extract_strided_slice %get3A_136 {offsets = [12], sizes = [1], strides = [1]} : vector<16xf32> to vector<1xf32>
        %squeeze3A_2274 = vector.extract %slice3A_2273[0] : f32 from vector<1xf32>
        %mul3A_2275 = vector.broadcast %squeeze3A_2274 : f32 to vector<16xf32>
        %mul3A_2276 = arith.mulf %mul3A_2275, %get3A_2211 : vector<16xf32>
        %add3A_2277 = arith.addf %add3A_2203, %mul3A_2276 : vector<16xf32>
        %mul3A_2278 = vector.broadcast %squeeze3A_2274 : f32 to vector<16xf32>
        %mul3A_2279 = arith.mulf %mul3A_2278, %get3A_2216 : vector<16xf32>
        %add3A_2280 = arith.addf %add3A_2206, %mul3A_2279 : vector<16xf32>
        %get3A_2281 = arith.constant 29 : i32
        %get3A_2282 = arith.index_cast %get3A_2281 : i32 to index
        %get3A_2283 = arith.constant 0 : index
        %get3A_2284 = tpu.vector_load %arg10[%get3A_2282, %get3A_2283] {strides = array<i32>} : memref<32x32xf32, #tpu.memory_space<vmem>>, vector<1x16xf32>,
        %get3A_2285 = vector.shape_cast %get3A_2284 : vector<1x16xf32> to vector<16xf32>
        %get3A_2286 = arith.constant 29 : i32
        %get3A_2287 = arith.index_cast %get3A_2286 : i32 to index
        %get3A_2288 = arith.constant 16 : index
        %get3A_2289 = tpu.vector_load %arg10[%get3A_2287, %get3A_2288] {strides = array<i32>} : memref<32x32xf32, #tpu.memory_space<vmem>>, vector<1x16xf32>,
        %get3A_2290 = vector.shape_cast %get3A_2289 : vector<1x16xf32> to vector<16xf32>
        %slice3A_2291 = vector.extract_strided_slice %get3A_52 {offsets = [13], sizes = [1], strides = [1]} : vector<16xf32> to vector<1xf32>
        %squeeze3A_2292 = vector.extract %slice3A_2291[0] : f32 from vector<1xf32>
        %mul3A_2293 = vector.broadcast %squeeze3A_2292 : f32 to vector<16xf32>
        %mul3A_2294 = arith.mulf %mul3A_2293, %get3A_2285 : vector<16xf32>
        %add3A_2295 = arith.addf %add3A_2221, %mul3A_2294 : vector<16xf32>
        %mul3A_2296 = vector.broadcast %squeeze3A_2292 : f32 to vector<16xf32>
        %mul3A_2297 = arith.mulf %mul3A_2296, %get3A_2290 : vector<16xf32>
        %add3A_2298 = arith.addf %add3A_2224, %mul3A_2297 : vector<16xf32>
        %slice3A_2299 = vector.extract_strided_slice %get3A_64 {offsets = [13], sizes = [1], strides = [1]} : vector<16xf32> to vector<1xf32>
        %squeeze3A_2300 = vector.extract %slice3A_2299[0] : f32 from vector<1xf32>
        %mul3A_2301 = vector.broadcast %squeeze3A_2300 : f32 to vector<16xf32>
        %mul3A_2302 = arith.mulf %mul3A_2301, %get3A_2285 : vector<16xf32>
        %add3A_2303 = arith.addf %add3A_2229, %mul3A_2302 : vector<16xf32>
        %mul3A_2304 = vector.broadcast %squeeze3A_2300 : f32 to vector<16xf32>
        %mul3A_2305 = arith.mulf %mul3A_2304, %get3A_2290 : vector<16xf32>
        %add3A_2306 = arith.addf %add3A_2232, %mul3A_2305 : vector<16xf32>
        %slice3A_2307 = vector.extract_strided_slice %get3A_76 {offsets = [13], sizes = [1], strides = [1]} : vector<16xf32> to vector<1xf32>
        %squeeze3A_2308 = vector.extract %slice3A_2307[0] : f32 from vector<1xf32>
        %mul3A_2309 = vector.broadcast %squeeze3A_2308 : f32 to vector<16xf32>
        %mul3A_2310 = arith.mulf %mul3A_2309, %get3A_2285 : vector<16xf32>
        %add3A_2311 = arith.addf %add3A_2237, %mul3A_2310 : vector<16xf32>
        %mul3A_2312 = vector.broadcast %squeeze3A_2308 : f32 to vector<16xf32>
        %mul3A_2313 = arith.mulf %mul3A_2312, %get3A_2290 : vector<16xf32>
        %add3A_2314 = arith.addf %add3A_2240, %mul3A_2313 : vector<16xf32>
        %slice3A_2315 = vector.extract_strided_slice %get3A_88 {offsets = [13], sizes = [1], strides = [1]} : vector<16xf32> to vector<1xf32>
        %squeeze3A_2316 = vector.extract %slice3A_2315[0] : f32 from vector<1xf32>
        %mul3A_2317 = vector.broadcast %squeeze3A_2316 : f32 to vector<16xf32>
        %mul3A_2318 = arith.mulf %mul3A_2317, %get3A_2285 : vector<16xf32>
        %add3A_2319 = arith.addf %add3A_2245, %mul3A_2318 : vector<16xf32>
        %mul3A_2320 = vector.broadcast %squeeze3A_2316 : f32 to vector<16xf32>
        %mul3A_2321 = arith.mulf %mul3A_2320, %get3A_2290 : vector<16xf32>
        %add3A_2322 = arith.addf %add3A_2248, %mul3A_2321 : vector<16xf32>
        %slice3A_2323 = vector.extract_strided_slice %get3A_100 {offsets = [13], sizes = [1], strides = [1]} : vector<16xf32> to vector<1xf32>
        %squeeze3A_2324 = vector.extract %slice3A_2323[0] : f32 from vector<1xf32>
        %mul3A_2325 = vector.broadcast %squeeze3A_2324 : f32 to vector<16xf32>
        %mul3A_2326 = arith.mulf %mul3A_2325, %get3A_2285 : vector<16xf32>
        %add3A_2327 = arith.addf %add3A_2253, %mul3A_2326 : vector<16xf32>
        %mul3A_2328 = vector.broadcast %squeeze3A_2324 : f32 to vector<16xf32>
        %mul3A_2329 = arith.mulf %mul3A_2328, %get3A_2290 : vector<16xf32>
        %add3A_2330 = arith.addf %add3A_2256, %mul3A_2329 : vector<16xf32>
        %slice3A_2331 = vector.extract_strided_slice %get3A_112 {offsets = [13], sizes = [1], strides = [1]} : vector<16xf32> to vector<1xf32>
        %squeeze3A_2332 = vector.extract %slice3A_2331[0] : f32 from vector<1xf32>
        %mul3A_2333 = vector.broadcast %squeeze3A_2332 : f32 to vector<16xf32>
        %mul3A_2334 = arith.mulf %mul3A_2333, %get3A_2285 : vector<16xf32>
        %add3A_2335 = arith.addf %add3A_2261, %mul3A_2334 : vector<16xf32>
        %mul3A_2336 = vector.broadcast %squeeze3A_2332 : f32 to vector<16xf32>
        %mul3A_2337 = arith.mulf %mul3A_2336, %get3A_2290 : vector<16xf32>
        %add3A_2338 = arith.addf %add3A_2264, %mul3A_2337 : vector<16xf32>
        %slice3A_2339 = vector.extract_strided_slice %get3A_124 {offsets = [13], sizes = [1], strides = [1]} : vector<16xf32> to vector<1xf32>
        %squeeze3A_2340 = vector.extract %slice3A_2339[0] : f32 from vector<1xf32>
        %mul3A_2341 = vector.broadcast %squeeze3A_2340 : f32 to vector<16xf32>
        %mul3A_2342 = arith.mulf %mul3A_2341, %get3A_2285 : vector<16xf32>
        %add3A_2343 = arith.addf %add3A_2269, %mul3A_2342 : vector<16xf32>
        %mul3A_2344 = vector.broadcast %squeeze3A_2340 : f32 to vector<16xf32>
        %mul3A_2345 = arith.mulf %mul3A_2344, %get3A_2290 : vector<16xf32>
        %add3A_2346 = arith.addf %add3A_2272, %mul3A_2345 : vector<16xf32>
        %slice3A_2347 = vector.extract_strided_slice %get3A_136 {offsets = [13], sizes = [1], strides = [1]} : vector<16xf32> to vector<1xf32>
        %squeeze3A_2348 = vector.extract %slice3A_2347[0] : f32 from vector<1xf32>
        %mul3A_2349 = vector.broadcast %squeeze3A_2348 : f32 to vector<16xf32>
        %mul3A_2350 = arith.mulf %mul3A_2349, %get3A_2285 : vector<16xf32>
        %add3A_2351 = arith.addf %add3A_2277, %mul3A_2350 : vector<16xf32>
        %mul3A_2352 = vector.broadcast %squeeze3A_2348 : f32 to vector<16xf32>
        %mul3A_2353 = arith.mulf %mul3A_2352, %get3A_2290 : vector<16xf32>
        %add3A_2354 = arith.addf %add3A_2280, %mul3A_2353 : vector<16xf32>
        %get3A_2355 = arith.constant 30 : i32
        %get3A_2356 = arith.index_cast %get3A_2355 : i32 to index
        %get3A_2357 = arith.constant 0 : index
        %get3A_2358 = tpu.vector_load %arg10[%get3A_2356, %get3A_2357] {strides = array<i32>} : memref<32x32xf32, #tpu.memory_space<vmem>>, vector<1x16xf32>,
        %get3A_2359 = vector.shape_cast %get3A_2358 : vector<1x16xf32> to vector<16xf32>
        %get3A_2360 = arith.constant 30 : i32
        %get3A_2361 = arith.index_cast %get3A_2360 : i32 to index
        %get3A_2362 = arith.constant 16 : index
        %get3A_2363 = tpu.vector_load %arg10[%get3A_2361, %get3A_2362] {strides = array<i32>} : memref<32x32xf32, #tpu.memory_space<vmem>>, vector<1x16xf32>,
        %get3A_2364 = vector.shape_cast %get3A_2363 : vector<1x16xf32> to vector<16xf32>
        %slice3A_2365 = vector.extract_strided_slice %get3A_52 {offsets = [14], sizes = [1], strides = [1]} : vector<16xf32> to vector<1xf32>
        %squeeze3A_2366 = vector.extract %slice3A_2365[0] : f32 from vector<1xf32>
        %mul3A_2367 = vector.broadcast %squeeze3A_2366 : f32 to vector<16xf32>
        %mul3A_2368 = arith.mulf %mul3A_2367, %get3A_2359 : vector<16xf32>
        %add3A_2369 = arith.addf %add3A_2295, %mul3A_2368 : vector<16xf32>
        %mul3A_2370 = vector.broadcast %squeeze3A_2366 : f32 to vector<16xf32>
        %mul3A_2371 = arith.mulf %mul3A_2370, %get3A_2364 : vector<16xf32>
        %add3A_2372 = arith.addf %add3A_2298, %mul3A_2371 : vector<16xf32>
        %slice3A_2373 = vector.extract_strided_slice %get3A_64 {offsets = [14], sizes = [1], strides = [1]} : vector<16xf32> to vector<1xf32>
        %squeeze3A_2374 = vector.extract %slice3A_2373[0] : f32 from vector<1xf32>
        %mul3A_2375 = vector.broadcast %squeeze3A_2374 : f32 to vector<16xf32>
        %mul3A_2376 = arith.mulf %mul3A_2375, %get3A_2359 : vector<16xf32>
        %add3A_2377 = arith.addf %add3A_2303, %mul3A_2376 : vector<16xf32>
        %mul3A_2378 = vector.broadcast %squeeze3A_2374 : f32 to vector<16xf32>
        %mul3A_2379 = arith.mulf %mul3A_2378, %get3A_2364 : vector<16xf32>
        %add3A_2380 = arith.addf %add3A_2306, %mul3A_2379 : vector<16xf32>
        %slice3A_2381 = vector.extract_strided_slice %get3A_76 {offsets = [14], sizes = [1], strides = [1]} : vector<16xf32> to vector<1xf32>
        %squeeze3A_2382 = vector.extract %slice3A_2381[0] : f32 from vector<1xf32>
        %mul3A_2383 = vector.broadcast %squeeze3A_2382 : f32 to vector<16xf32>
        %mul3A_2384 = arith.mulf %mul3A_2383, %get3A_2359 : vector<16xf32>
        %add3A_2385 = arith.addf %add3A_2311, %mul3A_2384 : vector<16xf32>
        %mul3A_2386 = vector.broadcast %squeeze3A_2382 : f32 to vector<16xf32>
        %mul3A_2387 = arith.mulf %mul3A_2386, %get3A_2364 : vector<16xf32>
        %add3A_2388 = arith.addf %add3A_2314, %mul3A_2387 : vector<16xf32>
        %slice3A_2389 = vector.extract_strided_slice %get3A_88 {offsets = [14], sizes = [1], strides = [1]} : vector<16xf32> to vector<1xf32>
        %squeeze3A_2390 = vector.extract %slice3A_2389[0] : f32 from vector<1xf32>
        %mul3A_2391 = vector.broadcast %squeeze3A_2390 : f32 to vector<16xf32>
        %mul3A_2392 = arith.mulf %mul3A_2391, %get3A_2359 : vector<16xf32>
        %add3A_2393 = arith.addf %add3A_2319, %mul3A_2392 : vector<16xf32>
        %mul3A_2394 = vector.broadcast %squeeze3A_2390 : f32 to vector<16xf32>
        %mul3A_2395 = arith.mulf %mul3A_2394, %get3A_2364 : vector<16xf32>
        %add3A_2396 = arith.addf %add3A_2322, %mul3A_2395 : vector<16xf32>
        %slice3A_2397 = vector.extract_strided_slice %get3A_100 {offsets = [14], sizes = [1], strides = [1]} : vector<16xf32> to vector<1xf32>
        %squeeze3A_2398 = vector.extract %slice3A_2397[0] : f32 from vector<1xf32>
        %mul3A_2399 = vector.broadcast %squeeze3A_2398 : f32 to vector<16xf32>
        %mul3A_2400 = arith.mulf %mul3A_2399, %get3A_2359 : vector<16xf32>
        %add3A_2401 = arith.addf %add3A_2327, %mul3A_2400 : vector<16xf32>
        %mul3A_2402 = vector.broadcast %squeeze3A_2398 : f32 to vector<16xf32>
        %mul3A_2403 = arith.mulf %mul3A_2402, %get3A_2364 : vector<16xf32>
        %add3A_2404 = arith.addf %add3A_2330, %mul3A_2403 : vector<16xf32>
        %slice3A_2405 = vector.extract_strided_slice %get3A_112 {offsets = [14], sizes = [1], strides = [1]} : vector<16xf32> to vector<1xf32>
        %squeeze3A_2406 = vector.extract %slice3A_2405[0] : f32 from vector<1xf32>
        %mul3A_2407 = vector.broadcast %squeeze3A_2406 : f32 to vector<16xf32>
        %mul3A_2408 = arith.mulf %mul3A_2407, %get3A_2359 : vector<16xf32>
        %add3A_2409 = arith.addf %add3A_2335, %mul3A_2408 : vector<16xf32>
        %mul3A_2410 = vector.broadcast %squeeze3A_2406 : f32 to vector<16xf32>
        %mul3A_2411 = arith.mulf %mul3A_2410, %get3A_2364 : vector<16xf32>
        %add3A_2412 = arith.addf %add3A_2338, %mul3A_2411 : vector<16xf32>
        %slice3A_2413 = vector.extract_strided_slice %get3A_124 {offsets = [14], sizes = [1], strides = [1]} : vector<16xf32> to vector<1xf32>
        %squeeze3A_2414 = vector.extract %slice3A_2413[0] : f32 from vector<1xf32>
        %mul3A_2415 = vector.broadcast %squeeze3A_2414 : f32 to vector<16xf32>
        %mul3A_2416 = arith.mulf %mul3A_2415, %get3A_2359 : vector<16xf32>
        %add3A_2417 = arith.addf %add3A_2343, %mul3A_2416 : vector<16xf32>
        %mul3A_2418 = vector.broadcast %squeeze3A_2414 : f32 to vector<16xf32>
        %mul3A_2419 = arith.mulf %mul3A_2418, %get3A_2364 : vector<16xf32>
        %add3A_2420 = arith.addf %add3A_2346, %mul3A_2419 : vector<16xf32>
        %slice3A_2421 = vector.extract_strided_slice %get3A_136 {offsets = [14], sizes = [1], strides = [1]} : vector<16xf32> to vector<1xf32>
        %squeeze3A_2422 = vector.extract %slice3A_2421[0] : f32 from vector<1xf32>
        %mul3A_2423 = vector.broadcast %squeeze3A_2422 : f32 to vector<16xf32>
        %mul3A_2424 = arith.mulf %mul3A_2423, %get3A_2359 : vector<16xf32>
        %add3A_2425 = arith.addf %add3A_2351, %mul3A_2424 : vector<16xf32>
        %mul3A_2426 = vector.broadcast %squeeze3A_2422 : f32 to vector<16xf32>
        %mul3A_2427 = arith.mulf %mul3A_2426, %get3A_2364 : vector<16xf32>
        %add3A_2428 = arith.addf %add3A_2354, %mul3A_2427 : vector<16xf32>
        %get3A_2429 = arith.constant 31 : i32
        %get3A_2430 = arith.index_cast %get3A_2429 : i32 to index
        %get3A_2431 = arith.constant 0 : index
        %get3A_2432 = tpu.vector_load %arg10[%get3A_2430, %get3A_2431] {strides = array<i32>} : memref<32x32xf32, #tpu.memory_space<vmem>>, vector<1x16xf32>,
        %get3A_2433 = vector.shape_cast %get3A_2432 : vector<1x16xf32> to vector<16xf32>
        %get3A_2434 = arith.constant 31 : i32
        %get3A_2435 = arith.index_cast %get3A_2434 : i32 to index
        %get3A_2436 = arith.constant 16 : index
        %get3A_2437 = tpu.vector_load %arg10[%get3A_2435, %get3A_2436] {strides = array<i32>} : memref<32x32xf32, #tpu.memory_space<vmem>>, vector<1x16xf32>,
        %get3A_2438 = vector.shape_cast %get3A_2437 : vector<1x16xf32> to vector<16xf32>
        %slice3A_2439 = vector.extract_strided_slice %get3A_52 {offsets = [15], sizes = [1], strides = [1]} : vector<16xf32> to vector<1xf32>
        %squeeze3A_2440 = vector.extract %slice3A_2439[0] : f32 from vector<1xf32>
        %mul3A_2441 = vector.broadcast %squeeze3A_2440 : f32 to vector<16xf32>
        %mul3A_2442 = arith.mulf %mul3A_2441, %get3A_2433 : vector<16xf32>
        %add3A_2443 = arith.addf %add3A_2369, %mul3A_2442 : vector<16xf32>
        %mul3A_2444 = vector.broadcast %squeeze3A_2440 : f32 to vector<16xf32>
        %mul3A_2445 = arith.mulf %mul3A_2444, %get3A_2438 : vector<16xf32>
        %add3A_2446 = arith.addf %add3A_2372, %mul3A_2445 : vector<16xf32>
        %slice3A_2447 = vector.extract_strided_slice %get3A_64 {offsets = [15], sizes = [1], strides = [1]} : vector<16xf32> to vector<1xf32>
        %squeeze3A_2448 = vector.extract %slice3A_2447[0] : f32 from vector<1xf32>
        %mul3A_2449 = vector.broadcast %squeeze3A_2448 : f32 to vector<16xf32>
        %mul3A_2450 = arith.mulf %mul3A_2449, %get3A_2433 : vector<16xf32>
        %add3A_2451 = arith.addf %add3A_2377, %mul3A_2450 : vector<16xf32>
        %mul3A_2452 = vector.broadcast %squeeze3A_2448 : f32 to vector<16xf32>
        %mul3A_2453 = arith.mulf %mul3A_2452, %get3A_2438 : vector<16xf32>
        %add3A_2454 = arith.addf %add3A_2380, %mul3A_2453 : vector<16xf32>
        %slice3A_2455 = vector.extract_strided_slice %get3A_76 {offsets = [15], sizes = [1], strides = [1]} : vector<16xf32> to vector<1xf32>
        %squeeze3A_2456 = vector.extract %slice3A_2455[0] : f32 from vector<1xf32>
        %mul3A_2457 = vector.broadcast %squeeze3A_2456 : f32 to vector<16xf32>
        %mul3A_2458 = arith.mulf %mul3A_2457, %get3A_2433 : vector<16xf32>
        %add3A_2459 = arith.addf %add3A_2385, %mul3A_2458 : vector<16xf32>
        %mul3A_2460 = vector.broadcast %squeeze3A_2456 : f32 to vector<16xf32>
        %mul3A_2461 = arith.mulf %mul3A_2460, %get3A_2438 : vector<16xf32>
        %add3A_2462 = arith.addf %add3A_2388, %mul3A_2461 : vector<16xf32>
        %slice3A_2463 = vector.extract_strided_slice %get3A_88 {offsets = [15], sizes = [1], strides = [1]} : vector<16xf32> to vector<1xf32>
        %squeeze3A_2464 = vector.extract %slice3A_2463[0] : f32 from vector<1xf32>
        %mul3A_2465 = vector.broadcast %squeeze3A_2464 : f32 to vector<16xf32>
        %mul3A_2466 = arith.mulf %mul3A_2465, %get3A_2433 : vector<16xf32>
        %add3A_2467 = arith.addf %add3A_2393, %mul3A_2466 : vector<16xf32>
        %mul3A_2468 = vector.broadcast %squeeze3A_2464 : f32 to vector<16xf32>
        %mul3A_2469 = arith.mulf %mul3A_2468, %get3A_2438 : vector<16xf32>
        %add3A_2470 = arith.addf %add3A_2396, %mul3A_2469 : vector<16xf32>
        %slice3A_2471 = vector.extract_strided_slice %get3A_100 {offsets = [15], sizes = [1], strides = [1]} : vector<16xf32> to vector<1xf32>
        %squeeze3A_2472 = vector.extract %slice3A_2471[0] : f32 from vector<1xf32>
        %mul3A_2473 = vector.broadcast %squeeze3A_2472 : f32 to vector<16xf32>
        %mul3A_2474 = arith.mulf %mul3A_2473, %get3A_2433 : vector<16xf32>
        %add3A_2475 = arith.addf %add3A_2401, %mul3A_2474 : vector<16xf32>
        %mul3A_2476 = vector.broadcast %squeeze3A_2472 : f32 to vector<16xf32>
        %mul3A_2477 = arith.mulf %mul3A_2476, %get3A_2438 : vector<16xf32>
        %add3A_2478 = arith.addf %add3A_2404, %mul3A_2477 : vector<16xf32>
        %slice3A_2479 = vector.extract_strided_slice %get3A_112 {offsets = [15], sizes = [1], strides = [1]} : vector<16xf32> to vector<1xf32>
        %squeeze3A_2480 = vector.extract %slice3A_2479[0] : f32 from vector<1xf32>
        %mul3A_2481 = vector.broadcast %squeeze3A_2480 : f32 to vector<16xf32>
        %mul3A_2482 = arith.mulf %mul3A_2481, %get3A_2433 : vector<16xf32>
        %add3A_2483 = arith.addf %add3A_2409, %mul3A_2482 : vector<16xf32>
        %mul3A_2484 = vector.broadcast %squeeze3A_2480 : f32 to vector<16xf32>
        %mul3A_2485 = arith.mulf %mul3A_2484, %get3A_2438 : vector<16xf32>
        %add3A_2486 = arith.addf %add3A_2412, %mul3A_2485 : vector<16xf32>
        %slice3A_2487 = vector.extract_strided_slice %get3A_124 {offsets = [15], sizes = [1], strides = [1]} : vector<16xf32> to vector<1xf32>
        %squeeze3A_2488 = vector.extract %slice3A_2487[0] : f32 from vector<1xf32>
        %mul3A_2489 = vector.broadcast %squeeze3A_2488 : f32 to vector<16xf32>
        %mul3A_2490 = arith.mulf %mul3A_2489, %get3A_2433 : vector<16xf32>
        %add3A_2491 = arith.addf %add3A_2417, %mul3A_2490 : vector<16xf32>
        %mul3A_2492 = vector.broadcast %squeeze3A_2488 : f32 to vector<16xf32>
        %mul3A_2493 = arith.mulf %mul3A_2492, %get3A_2438 : vector<16xf32>
        %add3A_2494 = arith.addf %add3A_2420, %mul3A_2493 : vector<16xf32>
        %slice3A_2495 = vector.extract_strided_slice %get3A_136 {offsets = [15], sizes = [1], strides = [1]} : vector<16xf32> to vector<1xf32>
        %squeeze3A_2496 = vector.extract %slice3A_2495[0] : f32 from vector<1xf32>
        %mul3A_2497 = vector.broadcast %squeeze3A_2496 : f32 to vector<16xf32>
        %mul3A_2498 = arith.mulf %mul3A_2497, %get3A_2433 : vector<16xf32>
        %add3A_2499 = arith.addf %add3A_2425, %mul3A_2498 : vector<16xf32>
        %mul3A_2500 = vector.broadcast %squeeze3A_2496 : f32 to vector<16xf32>
        %mul3A_2501 = arith.mulf %mul3A_2500, %get3A_2438 : vector<16xf32>
        %add3A_2502 = arith.addf %add3A_2428, %mul3A_2501 : vector<16xf32>
        %add3A_2503 = arith.constant 0 : i32
        %add3A_2504 = arith.addi %mul3A_40, %add3A_2503 : i32
        %swap3A = arith.index_cast %add3A_2504 : i32 to index
        %swap3A_2505 = arith.constant 0 : index
        %swap3A_2506 = tpu.vector_load %arg9[%swap3A, %swap3A_2505] {strides = array<i32>} : memref<128x32xf32, #tpu.memory_space<vmem>>, vector<1x16xf32>,
        %swap3A_2507 = vector.shape_cast %swap3A_2506 : vector<1x16xf32> to vector<16xf32>
        %swap3A_2508 = vector.shape_cast %add3A_2443 : vector<16xf32> to vector<1x16xf32>
        tpu.vector_store %arg9[%swap3A, %swap3A_2505], %swap3A_2508 {strides = array<i32>} : memref<128x32xf32, #tpu.memory_space<vmem>>, vector<1x16xf32>,
        %add3A_2509 = arith.constant 0 : i32
        %add3A_2510 = arith.addi %mul3A_40, %add3A_2509 : i32
        %swap3A_2511 = arith.index_cast %add3A_2510 : i32 to index
        %swap3A_2512 = arith.constant 16 : index
        %swap3A_2513 = tpu.vector_load %arg9[%swap3A_2511, %swap3A_2512] {strides = array<i32>} : memref<128x32xf32, #tpu.memory_space<vmem>>, vector<1x16xf32>,
        %swap3A_2514 = vector.shape_cast %swap3A_2513 : vector<1x16xf32> to vector<16xf32>
        %swap3A_2515 = vector.shape_cast %add3A_2446 : vector<16xf32> to vector<1x16xf32>
        tpu.vector_store %arg9[%swap3A_2511, %swap3A_2512], %swap3A_2515 {strides = array<i32>} : memref<128x32xf32, #tpu.memory_space<vmem>>, vector<1x16xf32>,
        %add3A_2516 = arith.constant 1 : i32
        %add3A_2517 = arith.addi %mul3A_40, %add3A_2516 : i32
        %swap3A_2518 = arith.index_cast %add3A_2517 : i32 to index
        %swap3A_2519 = arith.constant 0 : index
        %swap3A_2520 = tpu.vector_load %arg9[%swap3A_2518, %swap3A_2519] {strides = array<i32>} : memref<128x32xf32, #tpu.memory_space<vmem>>, vector<1x16xf32>,
        %swap3A_2521 = vector.shape_cast %swap3A_2520 : vector<1x16xf32> to vector<16xf32>
        %swap3A_2522 = vector.shape_cast %add3A_2451 : vector<16xf32> to vector<1x16xf32>
        tpu.vector_store %arg9[%swap3A_2518, %swap3A_2519], %swap3A_2522 {strides = array<i32>} : memref<128x32xf32, #tpu.memory_space<vmem>>, vector<1x16xf32>,
        %add3A_2523 = arith.constant 1 : i32
        %add3A_2524 = arith.addi %mul3A_40, %add3A_2523 : i32
        %swap3A_2525 = arith.index_cast %add3A_2524 : i32 to index
        %swap3A_2526 = arith.constant 16 : index
        %swap3A_2527 = tpu.vector_load %arg9[%swap3A_2525, %swap3A_2526] {strides = array<i32>} : memref<128x32xf32, #tpu.memory_space<vmem>>, vector<1x16xf32>,
        %swap3A_2528 = vector.shape_cast %swap3A_2527 : vector<1x16xf32> to vector<16xf32>
        %swap3A_2529 = vector.shape_cast %add3A_2454 : vector<16xf32> to vector<1x16xf32>
        tpu.vector_store %arg9[%swap3A_2525, %swap3A_2526], %swap3A_2529 {strides = array<i32>} : memref<128x32xf32, #tpu.memory_space<vmem>>, vector<1x16xf32>,
        %add3A_2530 = arith.constant 2 : i32
        %add3A_2531 = arith.addi %mul3A_40, %add3A_2530 : i32
        %swap3A_2532 = arith.index_cast %add3A_2531 : i32 to index
        %swap3A_2533 = arith.constant 0 : index
        %swap3A_2534 = tpu.vector_load %arg9[%swap3A_2532, %swap3A_2533] {strides = array<i32>} : memref<128x32xf32, #tpu.memory_space<vmem>>, vector<1x16xf32>,
        %swap3A_2535 = vector.shape_cast %swap3A_2534 : vector<1x16xf32> to vector<16xf32>
        %swap3A_2536 = vector.shape_cast %add3A_2459 : vector<16xf32> to vector<1x16xf32>
        tpu.vector_store %arg9[%swap3A_2532, %swap3A_2533], %swap3A_2536 {strides = array<i32>} : memref<128x32xf32, #tpu.memory_space<vmem>>, vector<1x16xf32>,
        %add3A_2537 = arith.constant 2 : i32
        %add3A_2538 = arith.addi %mul3A_40, %add3A_2537 : i32
        %swap3A_2539 = arith.index_cast %add3A_2538 : i32 to index
        %swap3A_2540 = arith.constant 16 : index
        %swap3A_2541 = tpu.vector_load %arg9[%swap3A_2539, %swap3A_2540] {strides = array<i32>} : memref<128x32xf32, #tpu.memory_space<vmem>>, vector<1x16xf32>,
        %swap3A_2542 = vector.shape_cast %swap3A_2541 : vector<1x16xf32> to vector<16xf32>
        %swap3A_2543 = vector.shape_cast %add3A_2462 : vector<16xf32> to vector<1x16xf32>
        tpu.vector_store %arg9[%swap3A_2539, %swap3A_2540], %swap3A_2543 {strides = array<i32>} : memref<128x32xf32, #tpu.memory_space<vmem>>, vector<1x16xf32>,
        %add3A_2544 = arith.constant 3 : i32
        %add3A_2545 = arith.addi %mul3A_40, %add3A_2544 : i32
        %swap3A_2546 = arith.index_cast %add3A_2545 : i32 to index
        %swap3A_2547 = arith.constant 0 : index
        %swap3A_2548 = tpu.vector_load %arg9[%swap3A_2546, %swap3A_2547] {strides = array<i32>} : memref<128x32xf32, #tpu.memory_space<vmem>>, vector<1x16xf32>,
        %swap3A_2549 = vector.shape_cast %swap3A_2548 : vector<1x16xf32> to vector<16xf32>
        %swap3A_2550 = vector.shape_cast %add3A_2467 : vector<16xf32> to vector<1x16xf32>
        tpu.vector_store %arg9[%swap3A_2546, %swap3A_2547], %swap3A_2550 {strides = array<i32>} : memref<128x32xf32, #tpu.memory_space<vmem>>, vector<1x16xf32>,
        %add3A_2551 = arith.constant 3 : i32
        %add3A_2552 = arith.addi %mul3A_40, %add3A_2551 : i32
        %swap3A_2553 = arith.index_cast %add3A_2552 : i32 to index
        %swap3A_2554 = arith.constant 16 : index
        %swap3A_2555 = tpu.vector_load %arg9[%swap3A_2553, %swap3A_2554] {strides = array<i32>} : memref<128x32xf32, #tpu.memory_space<vmem>>, vector<1x16xf32>,
        %swap3A_2556 = vector.shape_cast %swap3A_2555 : vector<1x16xf32> to vector<16xf32>
        %swap3A_2557 = vector.shape_cast %add3A_2470 : vector<16xf32> to vector<1x16xf32>
        tpu.vector_store %arg9[%swap3A_2553, %swap3A_2554], %swap3A_2557 {strides = array<i32>} : memref<128x32xf32, #tpu.memory_space<vmem>>, vector<1x16xf32>,
        %add3A_2558 = arith.constant 4 : i32
        %add3A_2559 = arith.addi %mul3A_40, %add3A_2558 : i32
        %swap3A_2560 = arith.index_cast %add3A_2559 : i32 to index
        %swap3A_2561 = arith.constant 0 : index
        %swap3A_2562 = tpu.vector_load %arg9[%swap3A_2560, %swap3A_2561] {strides = array<i32>} : memref<128x32xf32, #tpu.memory_space<vmem>>, vector<1x16xf32>,
        %swap3A_2563 = vector.shape_cast %swap3A_2562 : vector<1x16xf32> to vector<16xf32>
        %swap3A_2564 = vector.shape_cast %add3A_2475 : vector<16xf32> to vector<1x16xf32>
        tpu.vector_store %arg9[%swap3A_2560, %swap3A_2561], %swap3A_2564 {strides = array<i32>} : memref<128x32xf32, #tpu.memory_space<vmem>>, vector<1x16xf32>,
        %add3A_2565 = arith.constant 4 : i32
        %add3A_2566 = arith.addi %mul3A_40, %add3A_2565 : i32
        %swap3A_2567 = arith.index_cast %add3A_2566 : i32 to index
        %swap3A_2568 = arith.constant 16 : index
        %swap3A_2569 = tpu.vector_load %arg9[%swap3A_2567, %swap3A_2568] {strides = array<i32>} : memref<128x32xf32, #tpu.memory_space<vmem>>, vector<1x16xf32>,
        %swap3A_2570 = vector.shape_cast %swap3A_2569 : vector<1x16xf32> to vector<16xf32>
        %swap3A_2571 = vector.shape_cast %add3A_2478 : vector<16xf32> to vector<1x16xf32>
        tpu.vector_store %arg9[%swap3A_2567, %swap3A_2568], %swap3A_2571 {strides = array<i32>} : memref<128x32xf32, #tpu.memory_space<vmem>>, vector<1x16xf32>,
        %add3A_2572 = arith.constant 5 : i32
        %add3A_2573 = arith.addi %mul3A_40, %add3A_2572 : i32
        %swap3A_2574 = arith.index_cast %add3A_2573 : i32 to index
        %swap3A_2575 = arith.constant 0 : index
        %swap3A_2576 = tpu.vector_load %arg9[%swap3A_2574, %swap3A_2575] {strides = array<i32>} : memref<128x32xf32, #tpu.memory_space<vmem>>, vector<1x16xf32>,
        %swap3A_2577 = vector.shape_cast %swap3A_2576 : vector<1x16xf32> to vector<16xf32>
        %swap3A_2578 = vector.shape_cast %add3A_2483 : vector<16xf32> to vector<1x16xf32>
        tpu.vector_store %arg9[%swap3A_2574, %swap3A_2575], %swap3A_2578 {strides = array<i32>} : memref<128x32xf32, #tpu.memory_space<vmem>>, vector<1x16xf32>,
        %add3A_2579 = arith.constant 5 : i32
        %add3A_2580 = arith.addi %mul3A_40, %add3A_2579 : i32
        %swap3A_2581 = arith.index_cast %add3A_2580 : i32 to index
        %swap3A_2582 = arith.constant 16 : index
        %swap3A_2583 = tpu.vector_load %arg9[%swap3A_2581, %swap3A_2582] {strides = array<i32>} : memref<128x32xf32, #tpu.memory_space<vmem>>, vector<1x16xf32>,
        %swap3A_2584 = vector.shape_cast %swap3A_2583 : vector<1x16xf32> to vector<16xf32>
        %swap3A_2585 = vector.shape_cast %add3A_2486 : vector<16xf32> to vector<1x16xf32>
        tpu.vector_store %arg9[%swap3A_2581, %swap3A_2582], %swap3A_2585 {strides = array<i32>} : memref<128x32xf32, #tpu.memory_space<vmem>>, vector<1x16xf32>,
        %add3A_2586 = arith.constant 6 : i32
        %add3A_2587 = arith.addi %mul3A_40, %add3A_2586 : i32
        %swap3A_2588 = arith.index_cast %add3A_2587 : i32 to index
        %swap3A_2589 = arith.constant 0 : index
        %swap3A_2590 = tpu.vector_load %arg9[%swap3A_2588, %swap3A_2589] {strides = array<i32>} : memref<128x32xf32, #tpu.memory_space<vmem>>, vector<1x16xf32>,
        %swap3A_2591 = vector.shape_cast %swap3A_2590 : vector<1x16xf32> to vector<16xf32>
        %swap3A_2592 = vector.shape_cast %add3A_2491 : vector<16xf32> to vector<1x16xf32>
        tpu.vector_store %arg9[%swap3A_2588, %swap3A_2589], %swap3A_2592 {strides = array<i32>} : memref<128x32xf32, #tpu.memory_space<vmem>>, vector<1x16xf32>,
        %add3A_2593 = arith.constant 6 : i32
        %add3A_2594 = arith.addi %mul3A_40, %add3A_2593 : i32
        %swap3A_2595 = arith.index_cast %add3A_2594 : i32 to index
        %swap3A_2596 = arith.constant 16 : index
        %swap3A_2597 = tpu.vector_load %arg9[%swap3A_2595, %swap3A_2596] {strides = array<i32>} : memref<128x32xf32, #tpu.memory_space<vmem>>, vector<1x16xf32>,
        %swap3A_2598 = vector.shape_cast %swap3A_2597 : vector<1x16xf32> to vector<16xf32>
        %swap3A_2599 = vector.shape_cast %add3A_2494 : vector<16xf32> to vector<1x16xf32>
        tpu.vector_store %arg9[%swap3A_2595, %swap3A_2596], %swap3A_2599 {strides = array<i32>} : memref<128x32xf32, #tpu.memory_space<vmem>>, vector<1x16xf32>,
        %add3A_2600 = arith.constant 7 : i32
        %add3A_2601 = arith.addi %mul3A_40, %add3A_2600 : i32
        %swap3A_2602 = arith.index_cast %add3A_2601 : i32 to index
        %swap3A_2603 = arith.constant 0 : index
        %swap3A_2604 = tpu.vector_load %arg9[%swap3A_2602, %swap3A_2603] {strides = array<i32>} : memref<128x32xf32, #tpu.memory_space<vmem>>, vector<1x16xf32>,
        %swap3A_2605 = vector.shape_cast %swap3A_2604 : vector<1x16xf32> to vector<16xf32>
        %swap3A_2606 = vector.shape_cast %add3A_2499 : vector<16xf32> to vector<1x16xf32>
        tpu.vector_store %arg9[%swap3A_2602, %swap3A_2603], %swap3A_2606 {strides = array<i32>} : memref<128x32xf32, #tpu.memory_space<vmem>>, vector<1x16xf32>,
        %add3A_2607 = arith.constant 7 : i32
        %add3A_2608 = arith.addi %mul3A_40, %add3A_2607 : i32
        %swap3A_2609 = arith.index_cast %add3A_2608 : i32 to index
        %swap3A_2610 = arith.constant 16 : index
        %swap3A_2611 = tpu.vector_load %arg9[%swap3A_2609, %swap3A_2610] {strides = array<i32>} : memref<128x32xf32, #tpu.memory_space<vmem>>, vector<1x16xf32>,
        %swap3A_2612 = vector.shape_cast %swap3A_2611 : vector<1x16xf32> to vector<16xf32>
        %swap3A_2613 = vector.shape_cast %add3A_2502 : vector<16xf32> to vector<1x16xf32>
        tpu.vector_store %arg9[%swap3A_2609, %swap3A_2610], %swap3A_2613 {strides = array<i32>} : memref<128x32xf32, #tpu.memory_space<vmem>>, vector<1x16xf32>,
        %scan3A_2614 = arith.constant 0 : i32
        scf.yield %scan3A_2614 : i32
      }
      %scan3A_32 = arith.constant 16 : i32
      %add3A_33 = arith.addi %mul3A_2, %scan3A_14 : i32
      %mul3A_34 = arith.constant 128 : i32
      %mul3A_35 = arith.muli %add3A_33, %mul3A_34 : i32
      "tpu.region"() ({
        %run_scoped3A = tpu.sem_alloc : memref<!tpu.dma_semaphore, #tpu.memory_space<semaphore_mem>>
        %dma_start3A_37 = arith.constant 0 : i32
        %dma_start3A_38 = tpu.memref_slice %arg6[%mul3A_35, %dma_start3A_37] : memref<425984x32xf32, #tpu.memory_space<hbm>> -> memref<128x32xf32, #tpu.memory_space<hbm>>
        %dma_start3A_39 = arith.constant 0 : i32
        %dma_start3A_40 = tpu.memref_slice %arg6[%mul3A_35, %dma_start3A_39] : memref<425984x32xf32, #tpu.memory_space<hbm>> -> memref<128x32xf32, #tpu.memory_space<hbm>>
        tpu.enqueue_dma source(%arg9 : memref<128x32xf32, #tpu.memory_space<vmem>>) target(%dma_start3A_40 : memref<128x32xf32, #tpu.memory_space<hbm>>) target_semaphore(%run_scoped3A : memref<!tpu.dma_semaphore, #tpu.memory_space<semaphore_mem>>)
        %dma_wait3A_41 = arith.constant 0 : i32
        %dma_wait3A_42 = tpu.memref_slice %arg6[%mul3A_35, %dma_wait3A_41] : memref<425984x32xf32, #tpu.memory_space<hbm>> -> memref<128x32xf32, #tpu.memory_space<hbm>>
        %dma_wait3A_43 = arith.constant 0 : i32
        %dma_wait3A_44 = tpu.memref_slice %arg6[%mul3A_35, %dma_wait3A_43] : memref<425984x32xf32, #tpu.memory_space<hbm>> -> memref<128x32xf32, #tpu.memory_space<hbm>>
        tpu.wait_dma2 semaphore(%run_scoped3A : memref<!tpu.dma_semaphore, #tpu.memory_space<semaphore_mem>>) src(%arg9 : memref<128x32xf32, #tpu.memory_space<vmem>>) dst(%dma_wait3A_44 : memref<128x32xf32, #tpu.memory_space<hbm>>)
        tpu.yield
      }) : () -> ()
      %scan3A_36 = arith.constant 0 : i32
      scf.yield %scan3A_36 : i32
    }
    %scan3A_13 = arith.constant 104 : i32
    return
  }
}

</mosaic_0001>

<sc_bundles>
// kernel: kernel.3.cloned.1.call-start
scs
__scs_entry_jumppad:
0x0: {  	(pc) =	sbr.rel $0x88, $3  }
0x1: {  	(tag) =	ssettag $0x0;
	lr =	simm.s32 $0x1  }
0x2: {  	[smem:$0x3F9D] =	sst lr;
	_ =	strace $0xD0000000  }
0x3: {  	_ = 	snop  }
0x4: {  	_ = 	snop  }
0x5: {  	_ = 	snop  }
0x6: {  	_ = 	snop  }
0x7: {  	_ = 	snop  }
__scs_overlays_trampoline_lowered:
0x8: {  	[smem:$0x3FAC] =	sst s0  }
0x9: {  	[smem:$0x3FAD] =	sst s1  }
0xa: {  	[smem:$0x3FAE] =	sst s2  }
0xb: {  	[smem:$0x3FAF] =	sst s3  }
0xc: {  	[smem:$0x3FB0] =	sst s4  }
0xd: {  	[smem:$0x3FB1] =	sst s5  }
0xe: {  	[smem:$0x3FB2] =	sst s6  }
0xf: {  	[smem:$0x3FB3] =	sst s7  }
0x10: {  	[smem:$0x3FB4] =	sst s8  }
0x11: {  	[smem:$0x3FB5] =	sst s9;
	s0 =	simm.s32 @!p0 $0x0  }
0x12: {  	s1 =	sld [smem:$0x3F9B];
	s0 =	simm.s32 @p0 $0x1  }
0x13: {  	[smem:$0x3FB6] =	sst s0;
	s0 =	simm.s32 @!p1 $0x0  }
0x14: {  	s2 =	sld [smem:$0x3F9A];
	s0 =	simm.s32 @p1 $0x1  }
0x15: {  	[smem:$0x3FB7] =	sst s0;
	s0 =	simm.s32 @!p2 $0x0  }
0x16: {  	s3 =	sld [smem:$0x3FDB];
	s0 =	simm.s32 @p2 $0x1  }
0x17: {  	s4 =	simm.s32 $0x1BF5;
	[smem:$0x3FB9] =	sst s0  }
0x18: {  	s0 =	sld [smem:$0x3F9C];
	_ =	swait.ge [sflag:s4], $0x0  }
0x19: {  	s7 =	sld [smem:$0x3F9D]  }
0x1a: {  	s8 =	sadd.s32 $0xFFFFE003, lr  }
0x1b: {  	s9 =	sadd.s32 $0xFFFFFEF7, lr;
	s5 =	simm.s32 $0xFFFFFFFF;
	p2 =	slt.u32 s8, $0xFFFFF086  }
0x1c: {  	p1 =	slt.u32 s9, $0xF7A;
	s5 =	simm.s32 @!p2 $0x0  }
0x1d: {  	s5 =	simm.s32 @p1 $0x1;
	p0 =	seq.s32 s7, s2  }
0x1e: {  	s7 =	smul.u32 @!p0 $0xF7A, s2;
	p2 =	seq.s32 @!p0 s5, $0x0  }
0x1f: {  	s9 =	smul.u32 $0xF7A, s1;
	s8 =	simm.s32 @!p0 $0x1BF5;
	p2 =	por !p2, p0  }
0x20: {  	[sflag:s8] =	ssyncset.s32 @!p0 $0xFFFFF086;
	s6 =	sadd.s32 @!p0 s3, s7;
	s7 =	simm.s32 @!p0 $0x108  }
0x21: {  	s3 =	sadd.s32 s3, s9;
	s6 =	sadd.s32 @!p0 $0x88, s6;
	s7 =	simm.s32 @p2 $0x1082  }
0x22: {  	[simem:s7], [sflag:s8] =	dma.local @!p0 [hbm:s6], $0xF7A  }
0x23: {  	s9 =	sor.u32 $0xD0000000, s2;
	s6 =	simm.s32 $0x108;
	_ =	swait.ge @!p0 [sflag:s8], $0x0  }
0x24: {  	s3 =	sadd.s32 $0x88, s3;
	s6 =	simm.s32 @!p1 $0x1082;
	[sflag:s4] =	ssyncset.s32 $0xFFFFF086  }
0x25: {  	[simem:s6], [sflag:s4] =	dma.local [hbm:s3], $0xF7A  }
0x26: {  	[smem:$0x3F9D] =	sst s1;
	(tag) =	ssettag s2;
	_ =	strace s9  }
0x27: {  	s1 =	sld [smem:$0x3FAD]  }
0x28: {  	s2 =	sld [smem:$0x3FAE]  }
0x29: {  	s4 =	sld [smem:$0x3FB0]  }
0x2a: {  	p0 =	seq.s32 s5, $0x0;
	s5 =	sld [smem:$0x3FB1]  }
0x2b: {  	s6 =	sld [smem:$0x3FB2]  }
0x2c: {  	s7 =	sld [smem:$0x3FB3]  }
0x2d: {  	s3 =	simm.s32 $0x108;
	s8 =	sld [smem:$0x3FB4]  }
0x2e: {  	s3 =	simm.s32 @!p0 $0x1082;
	s9 =	sld [smem:$0x3FB5]  }
0x2f: {  	lr =	sadd.s32 s0, s3;
	s0 =	sld [smem:$0x3FAC]  }
0x30: {  	s3 =	sld [smem:$0x3FAF]  }
0x31: {  	[smem:$0x3FB8] =	sst s10  }
0x32: {  	s10 =	sld [smem:$0x3FB6];
	_ =	sdelay $0x3  }
0x33: {  	p0 =	seq.s32 s10, $0x1;
	s10 =	sld [smem:$0x3FB8];
	_ =	sdelay $0x3  }
0x34: {  	[smem:$0x3FB8] =	sst s10  }
0x35: {  	s10 =	sld [smem:$0x3FB7];
	_ =	sdelay $0x3  }
0x36: {  	p1 =	seq.s32 s10, $0x1;
	s10 =	sld [smem:$0x3FB8];
	_ =	sdelay $0x3  }
0x37: {  	[smem:$0x3FB8] =	sst s10  }
0x38: {  	s10 =	sld [smem:$0x3FB9]  }
0x39: {  	_ = 	snop;
	(pc) =	sbr.ind lr, $3  }
0x3a: {  	_ = 	snop  }
0x3b: {  	_ = 	snop  }
0x3c: {  	p2 =	seq.s32 s10, $0x1;
	s10 =	sld [smem:$0x3FB8]  }
0x3d: {  	_ =	shalt  }
0x3e: {  	_ =	shalt  }
0x3f: {  	_ =	shalt  }
0x40: {  	_ =	shalt  }
0x41: {  	_ =	shalt  }
0x42: {  	_ =	shalt  }
0x43: {  	_ =	shalt  }
0x44: {  	_ =	shalt  }
0x45: {  	_ =	shalt  }
0x46: {  	_ =	shalt  }
0x47: {  	_ =	shalt  }
0x48: {  	_ =	shalt  }
0x49: {  	_ =	shalt  }
0x4a: {  	_ =	shalt  }
0x4b: {  	_ =	shalt  }
0x4c: {  	_ =	shalt  }
0x4d: {  	_ =	shalt  }
0x4e: {  	_ =	shalt  }
0x4f: {  	_ =	shalt  }
0x50: {  	_ =	shalt  }
0x51: {  	_ =	shalt  }
0x52: {  	_ =	shalt  }
0x53: {  	_ =	shalt  }
0x54: {  	_ =	shalt  }
0x55: {  	_ =	shalt  }
0x56: {  	_ =	shalt  }
0x57: {  	_ =	shalt  }
0x58: {  	_ =	shalt  }
0x59: {  	_ =	shalt  }
0x5a: {  	_ =	shalt  }
0x5b: {  	_ =	shalt  }
0x5c: {  	_ =	shalt  }
0x5d: {  	_ =	shalt  }
0x5e: {  	_ =	shalt  }
0x5f: {  	_ =	shalt  }
0x60: {  	_ =	shalt  }
0x61: {  	_ =	shalt  }
0x62: {  	_ =	shalt  }
0x63: {  	_ =	shalt  }
0x64: {  	_ =	shalt  }
0x65: {  	_ =	shalt  }
0x66: {  	_ =	shalt  }
0x67: {  	_ =	shalt  }
0x68: {  	_ =	shalt  }
0x69: {  	_ =	shalt  }
0x6a: {  	_ =	shalt  }
0x6b: {  	_ =	shalt  }
0x6c: {  	_ =	shalt  }
0x6d: {  	_ =	shalt  }
0x6e: {  	_ =	shalt  }
0x6f: {  	_ =	shalt  }
0x70: {  	_ =	shalt  }
0x71: {  	_ =	shalt  }
0x72: {  	_ =	shalt  }
0x73: {  	_ =	shalt  }
0x74: {  	_ =	shalt  }
0x75: {  	_ =	shalt  }
0x76: {  	_ =	shalt  }
0x77: {  	_ =	shalt  }
0x78: {  	_ =	shalt  }
0x79: {  	_ =	shalt  }
0x7a: {  	_ =	shalt  }
0x7b: {  	_ =	shalt  }
0x7c: {  	_ =	shalt  }
0x7d: {  	_ =	shalt  }
0x7e: {  	_ =	shalt  }
0x7f: {  	_ =	shalt  }
0x80: {  	_ =	shalt  }
0x81: {  	_ =	shalt  }
0x82: {  	_ =	shalt  }
0x83: {  	_ =	shalt  }
0x84: {  	_ =	shalt  }
0x85: {  	_ =	shalt  }
0x86: {  	_ =	shalt  }
0x87: {  	_ =	shalt  }
.Lfunc_end0:
.L_simem_size_0:
called_computation.1_lowered:
.L_overlay_start_0:
0x88: {  	s2 =	sld [smem:$0x3FD9]  }
0x89: {  	s3 =	sld [smem:$0x3FFE];
	_ =	sdelay $0x1  }
0x8a: {  	s1 =	srdreg.scid  }
0x8b: {  	s0 =	sand.u32 $0x1, s1  }
0x8c: {  	s17 =	sshll.u32 s0, $0xA;
	s2 =	sadd.s32 s3, s2  }
0x8d: {  	s2 =	sadd.s32 s2, s17  }
0x8e: {  	[smem:$0x3FC4] =	sst s2  }
0x8f: {  	_ = 	snop  }
0x90: {  	s2 =	sld [smem:$0x3FC6]  }
0x91: {  	s18 =	sld [smem:$0x3FD0];
	(tm) =	ssettm $0x1  }
0x92: {  	s4 =	sld [smem:$0x3FFB];
	_ =	sdelay $0x3  }
0x93: {  	_ =	strace s4  }
0x94: {  	s4 =	sld [smem:$0x3FFC];
	_ =	sdelay $0x3  }
0x95: {  	_ =	strace s4  }
0x96: {  	s4 =	sld [smem:$0x3FFD];
	_ =	sdelay $0x3  }
0x97: {  	_ =	strace s4  }
0x98: {  	_ =	strace $0x8FFFFFFF  }
0x99: {  	s19 =	sld [smem:$0x3FDB];
	_ =	sdelay $0x1  }
0x9a: {  	s5 =	simm.s32 $_scs_section_size  }
0x9b: {  	s6 =	simm.s32 $_size__tile_overlayer_lowered;
	s7 =	simm.s32 $_tile_overlayer_lowered  }
0x9c: {  	s22 =	simm.s32 $0x1BFF;
	s21 =	sshll.u32 s7, $0x1;
	s4 =	sadd.s32 s5, s19  }
0x9d: {  	s8 =	simm.s32 $0x0;
	s20 =	sshll.u32 s6, $0x1;
	s6 =	sadd.s32 s21, s4  }
0x9e: {  	[timem:s8], [sflag:s22] =	dma.local [hbm:s6], s20  }
0x9f: {  	_ =	swait.ge [sflag:s22], s20  }
0xa0: {  	s5 =	ssub.s32 $0x0, s20;
	[sflag:s22] =	ssyncset.done $0x0  }
0xa1: {  	[sflag:s22] =	ssyncadd.s32 s5;
	_ =	sdelay $0x1  }
0xa2: {  	s23 =	simm.s32 $0x1B8B  }
0xa3: {  	_ =	swait.ge [sflag:s23], $0x1  }
0xa4: {  	[sflag:s23] =	ssyncset.done $0x0  }
0xa5: {  	s25 =	simm.s32 $0x1B8E;
	s24 =	sld [smem:$0x3FFE];
	[sflag:s23] =	ssyncadd.s32 $0xFFFFFFFF  }
0xa6: {  	s26 =	simm.s32 $execute0_lowered;
	[smem:$0x3FD2] =	sst s25  }
0xa7: {  	s6 =	sshll.u32 s26, $0x1;
	_ =	strace $0x80000046;
	[dreg:$0x1] =	wrdreg $0xFFFFFFFF  }
0xa8: {  	s28 =	simm.s32 $_size_execute0_lowered;
	s4 =	sadd.s32 s4, s6;
	[dreg:$0x0] =	wrdreg $0x0  }
0xa9: {  	s6 =	sshll.u32 s28, $0x1;
	[dreg:$0x2] =	wrdreg s4  }
0xaa: {  	[dreg:$0x3] =	wrdreg s6  }
0xab: {  	[dreg:$0x4] =	wrdreg $0xC0  }
0xac: {  	_ =	task [dreg:s8], $0x5FFFF  }
0xad: {  	[dreg:$0x1] =	wrdreg $0xFFFFFFFF  }
0xae: {  	[dreg:$0x0] =	wrdreg $0x60  }
0xaf: {  	[dreg:$0x2] =	wrdreg s24  }
0xb0: {  	[dreg:$0x3] =	wrdreg s2  }
0xb1: {  	[dreg:$0x4] =	wrdreg s18  }
0xb2: {  	[dreg:$0x5] =	wrdreg $0x9  }
0xb3: {  	_ =	task.clear_ibuf [dreg:s8], $0x6FFFF;
	_ =	strace $0x90000046  }
0xb4: {  	s29 =	simm.s32 $0x9;
	_ =	strace $0x80000048  }
0xb5: {  	_ =	swait.ge [sflag:s29], $0x1  }
0xb6: {  	[sflag:s29] =	ssyncadd.s32 $0xFFFFFFFF  }
0xb7: {  	_ =	strace $0x90000048  }
0xb8: {  	_ =	sfence  }
0xb9: {  	s30 =	sld [smem:$0x0];
	_ =	sdelay $0x2  }
0xba: {  	s31 =	sshll.u32 s1, $0xD;
	s1 =	sshrl.u32 s1, $0x2  }
0xbb: {  	s3 =	sand.u32 $0x4000, s31;
	s1 =	sadd.s32 s1, s30  }
0xbc: {  	s0 =	sor.u32 s3, s0;
	s1 =	sshll.u32 s1, $0x11  }
0xbd: {  	s0 =	sor.u32 s1, s0  }
0xbe: {  	s0 =	sadd.s32 $0x8F2B, s0  }
0xbf: {  	[sflag:s0] =	ssyncadd.remote.s32 $0x1  }
0xc0: {  	_ =	sfence.sel $0xFFFF  }
0xc1: {  	[dreg:$0x0] =	wrdreg $0xFFFFFFFF;
	(pc) =	sbr.abs _section_cstart, $3  }
0xc2: {  	[dreg:$0x1] =	wrdreg $0xFFFFFFFF  }
0xc3: {  	_ =	task.clear_ibuf [dreg:s8], $0x2FFFF;
	_ =	strace $0x9FFFFFFF  }
0xc4: {  	(tm) =	ssettm $0x7FFFFFFF  }
0xc5: {  	_ =	shalt  }
tec
execute0_lowered:
.L_overlay_start_1:
0x0: {  	(tag) =	ssettag $0x1  }
0x1: {  	s6 =	rddreg [dreg:$0x0]  }
0x2: {  	s1 =	srdreg.scid;
	s2 =	rddreg [dreg:$0x1]  }
0x3: {  	s0 =	stileid.u32;
	s3 =	rddreg [dreg:$0x2];
	s4 =	simm.s32 $0x0  }
0x4: {  	s11 =	simm.s32 $0x5400;
	s12 =	simm.s32 $0x5800;
	s13 =	simm.s32 $0x80  }
0x5: {  	s14 =	simm.s32 $0x3400;
	s15 =	simm.s32 $0x1;
	s16 =	simm.s32 $0x4400  }
0x6: {  	s5 =	sand.u32 $0x1, s1;
	s31 =	sshll.u32 s0, $0x1;
	s1 =	rddreg [dreg:$0x3]  }
0x7: {  	s17 =	simm.s32 $0x0;
	[smem:$0x7FF] =	sst s4;
	s7 =	sor.u32 s5, s31  }
0x8: {  	_ =	strace $0x80000047;
	s9 =	ssub.s32 $0x2, s5;
	s8 =	smul.u32 $0x680, s7  }
0x9: {  	s5 =	sadd.s32 $0xF43000, s6;
	s10 =	sshrl.u32 s9, $0x1;
	s7 =	smul.u32 $0x68, s7  }
0xa: {  	s9 =	ssub.s32 s9, s10;
	s10 =	simm.s32 $0x2;
	s8 =	sadd.s32 s8, s6  }
0xb: {  	s6 =	sadd.s32 $0xDC00, s6;
	s9 =	smax.u32 s9, $0x1;
	s8 =	sadd.s32 $0xC00, s8  }
.LBB2_1:
0xc: {  	[tilespmem:s4], [sflag:$0x2] =	stream.linear.gather [hbm4b:s8+s4], $0x3400, $0x38;
	[tilespmem:$0x5820] =	vst v63  }
0xd: {  	_ =	swait.ge [sflag:s10], $0x3400  }
0xe: {  	[sflag:s10] =	ssyncset.done $0x0  }
0xf: {  	[sflag:s10] =	ssyncadd.s32 $0xFFFFCC00  }
0x10: {  	[tilespmem:s11], [sflag:$0x2] =	stream.linear.gather [hbm4b:s6+s4], $0x400, $0x38;
	[tilespmem:$0x5820] =	vst v63  }
0x11: {  	_ =	swait.ge [sflag:s10], $0x400  }
0x12: {  	[sflag:s10] =	ssyncset.done $0x0  }
0x13: {  	[sflag:s10] =	ssyncadd.s32 $0xFFFFFC00  }
0x14: {  	[tilespmem:s12], [sflag:$0x2] =	stream.linear.gather [hbm4b:s2+s4], $0x20, $0x38;
	[tilespmem:$0x5820] =	vst v63  }
0x15: {  	_ =	swait.ge [sflag:s10], $0x20  }
0x16: {  	[sflag:s10] =	ssyncset.done $0x0  }
0x17: {  	[sflag:s10] =	ssyncadd.s32 $0xFFFFFFE0  }
0x18: {  	v0 =	vld [tilespmem:$0x5800]  }
0x19: {  	s18 =	simm.s32 $0x0;
	v1 =	vld [tilespmem:$0x5810]  }
.LBB2_2:
0x1a: {  	s19 =	sshll.u32 s18, $0x7  }
0x1b: {  	s19 =	sand.u32 $0x3FFFFF80, s19  }
0x1c: {  	[tilespmem:s14], [sflag:$0x1] =	stream.indirect.gather [hbm4b:s5+s13], $0x20, s19, s13, $0xb8;
	[tilespmem:$0x5820] =	vst v63  }
0x1d: {  	_ =	swait.ge [sflag:s15], $0x1000  }
0x1e: {  	[sflag:s15] =	ssyncset.done $0x0  }
0x1f: {  	s19 =	simm.s32 $0x0;
	[sflag:s15] =	ssyncadd.s32 $0xFFFFF000  }
.LBB2_3:
0x20: {  	s20 =	sshra.s32 s19, $0x2  }
0x21: {  	v9 =	vld [tilespmem:s20+$0x3400]  }
0x22: {  	v8 =	vld [tilespmem:s20+$0x3420]  }
0x23: {  	v7 =	vld [tilespmem:s20+$0x3440]  }
0x24: {  	v6 =	vld [tilespmem:s20+$0x3460]  }
0x25: {  	v3 =	vld [tilespmem:s20+$0x3480];
	_ =	sdelay $0x2  }
0x26: {  	v2 =	vbroadcast v9, $0x0  }
0x27: {  	v4 =	vbroadcast v8, $0x0;
	v14 =	vbroadcast v7, $0x0  }
0x28: {  	v10 =	vld [tilespmem:$0x5400];
	v18 =	vbroadcast v6, $0x0;
	v19 =	vbroadcast v3, $0x0  }
0x29: {  	v11 =	vld [tilespmem:$0x5410];
	v29 =	vbroadcast v9, $0x1;
	v30 =	vbroadcast v8, $0x1  }
0x2a: {  	v31 =	vbroadcast v7, $0x1;
	v32 =	vbroadcast v6, $0x1  }
0x2b: {  	v58 =	vbroadcast v3, $0x1;
	v41 =	vbroadcast v9, $0x2  }
0x2c: {  	v43 =	vbroadcast v8, $0x2;
	v46 =	vbroadcast v7, $0x2  }
0x2d: {  	v25 =	vld [tilespmem:$0x5420];
	v48 =	vbroadcast v6, $0x2;
	v51 =	vbroadcast v3, $0x2  }
0x2e: {  	v27 =	vld [tilespmem:$0x5430];
	v5 =	vmul.f32 v10, v2;
	v12 =	vmul.f32 v11, v2  }
0x2f: {  	v13 =	vmul.f32 v10, v4;
	v16 =	vmul.f32 v11, v4  }
0x30: {  	v17 =	vmul.f32 v10, v14;
	v14 =	vmul.f32 v11, v14  }
0x31: {  	v20 =	vmul.f32 v10, v18;
	v18 =	vmul.f32 v11, v18  }
0x32: {  	v33 =	vld [tilespmem:$0x5440];
	v21 =	vmul.f32 v10, v19;
	v19 =	vmul.f32 v11, v19  }
0x33: {  	v37 =	vld [tilespmem:$0x5450];
	v53 =	vmul.f32 v25, v29;
	v29 =	vmul.f32 v27, v29  }
0x34: {  	v54 =	vmul.f32 v25, v30;
	v30 =	vmul.f32 v27, v30  }
0x35: {  	v55 =	vmul.f32 v25, v31;
	v56 =	vmul.f32 v27, v31  }
0x36: {  	v57 =	vmul.f32 v25, v32;
	v59 =	vmul.f32 v27, v32  }
0x37: {  	v61 =	vmul.f32 v25, v58;
	v42 =	vmul.f32 v33, v41;
	v15 =	vadd.f32 v5, v0  }
0x38: {  	v44 =	vmul.f32 v37, v41;
	v12 =	vadd.f32 v12, v1;
	v13 =	vadd.f32 v13, v0  }
0x39: {  	v45 =	vmul.f32 v33, v43;
	v16 =	vadd.f32 v16, v1;
	v17 =	vadd.f32 v17, v0  }
0x3a: {  	v2 =	vld [tilespmem:s20+$0x34A0];
	v47 =	vmul.f32 v37, v43;
	v14 =	vadd.f32 v14, v1;
	v20 =	vadd.f32 v20, v0  }
0x3b: {  	v4 =	vld [tilespmem:s20+$0x34C0];
	v49 =	vmul.f32 v33, v46;
	v18 =	vadd.f32 v18, v1;
	v21 =	vadd.f32 v21, v0  }
0x3c: {  	v50 =	vmul.f32 v33, v48;
	v19 =	vadd.f32 v19, v1;
	v15 =	vadd.f32 v53, v15  }
0x3d: {  	v52 =	vmul.f32 v37, v48;
	v12 =	vadd.f32 v29, v12;
	v13 =	vadd.f32 v54, v13  }
0x3e: {  	v16 =	vadd.f32 v30, v16;
	v17 =	vadd.f32 v55, v17;
	v30 =	vmul.f32 v27, v58  }
0x3f: {  	v14 =	vadd.f32 v56, v14;
	v53 =	vmul.f32 v33, v51;
	v55 =	vmul.f32 v37, v51  }
0x40: {  	v5 =	vld [tilespmem:s20+$0x34E0];
	v20 =	vadd.f32 v57, v20;
	v22 =	vbroadcast v2, $0x0;
	v24 =	vbroadcast v4, $0x0  }
0x41: {  	v18 =	vadd.f32 v59, v18;
	v60 =	vbroadcast v2, $0x1;
	v63 =	vbroadcast v4, $0x1  }
0x42: {  	v21 =	vadd.f32 v61, v21;
	v54 =	vbroadcast v2, $0x2;
	v56 =	vbroadcast v4, $0x2  }
0x43: {  	v48 =	vbroadcast v4, $0x3;
	v15 =	vadd.f32 v42, v15;
	v42 =	vbroadcast v3, $0x3  }
0x44: {  	v13 =	vadd.f32 v45, v13;
	v45 =	vbroadcast v2, $0x3;
	v23 =	vmul.f32 v10, v22  }
0x45: {  	v19 =	vadd.f32 v30, v19;
	v22 =	vmul.f32 v11, v22;
	v26 =	vbroadcast v5, $0x0  }
0x46: {  	v12 =	vadd.f32 v44, v12;
	v28 =	vmul.f32 v10, v24;
	v24 =	vmul.f32 v11, v24  }
0x47: {  	v16 =	vadd.f32 v47, v16;
	v62 =	vmul.f32 v25, v60;
	v36 =	vmul.f32 v27, v60  }
0x48: {  	v17 =	vadd.f32 v49, v17;
	v38 =	vmul.f32 v25, v63;
	v39 =	vbroadcast v5, $0x1  }
0x49: {  	v20 =	vadd.f32 v50, v20;
	v40 =	vmul.f32 v27, v63;
	v58 =	vmul.f32 v33, v54  }
0x4a: {  	v57 =	vld [tilespmem:$0x5460];
	v18 =	vadd.f32 v52, v18;
	v60 =	vmul.f32 v33, v56;
	v34 =	vbroadcast v5, $0x2  }
0x4b: {  	v59 =	vld [tilespmem:$0x5470];
	v21 =	vadd.f32 v53, v21;
	v61 =	vmul.f32 v37, v56;
	v63 =	vbroadcast v9, $0x3  }
0x4c: {  	v51 =	vbroadcast v5, $0x3;
	v19 =	vadd.f32 v55, v19;
	v55 =	vbroadcast v9, $0x4  }
0x4d: {  	v23 =	vadd.f32 v23, v0;
	v10 =	vmul.f32 v10, v26;
	v11 =	vmul.f32 v11, v26  }
0x4e: {  	v22 =	vadd.f32 v22, v1;
	v25 =	vmul.f32 v25, v39;
	v27 =	vmul.f32 v27, v39  }
0x4f: {  	v28 =	vadd.f32 v28, v0;
	v35 =	vmul.f32 v57, v63;
	v44 =	vmul.f32 v57, v42  }
0x50: {  	v24 =	vadd.f32 v24, v1;
	v47 =	vmul.f32 v57, v45;
	v50 =	vmul.f32 v59, v45  }
0x51: {  	v53 =	vmul.f32 v57, v48;
	v10 =	vadd.f32 v10, v0;
	v11 =	vadd.f32 v11, v1  }
0x52: {  	v56 =	vmul.f32 v59, v51;
	v23 =	vadd.f32 v62, v23;
	v22 =	vadd.f32 v36, v22  }
0x53: {  	v26 =	vadd.f32 v38, v28;
	v28 =	vmul.f32 v37, v46;
	v62 =	vmul.f32 v33, v34  }
0x54: {  	v24 =	vadd.f32 v40, v24;
	v33 =	vmul.f32 v37, v34;
	v34 =	vbroadcast v8, $0x3  }
0x55: {  	v15 =	vadd.f32 v35, v15;
	v40 =	vbroadcast v6, $0x3;
	v46 =	vmul.f32 v59, v42  }
0x56: {  	v21 =	vadd.f32 v44, v21;
	v44 =	vbroadcast v5, $0x4;
	v10 =	vadd.f32 v25, v10  }
0x57: {  	v11 =	vadd.f32 v27, v11;
	v14 =	vadd.f32 v28, v14;
	v28 =	vmul.f32 v37, v54  }
0x58: {  	v23 =	vadd.f32 v58, v23;
	v36 =	vmul.f32 v57, v34;
	v37 =	vbroadcast v7, $0x3  }
0x59: {  	v49 =	vld [tilespmem:$0x5480];
	v26 =	vadd.f32 v60, v26;
	v38 =	vmul.f32 v59, v34;
	v43 =	vmul.f32 v57, v40  }
0x5a: {  	v24 =	vadd.f32 v61, v24;
	v54 =	vmul.f32 v57, v51;
	v58 =	vbroadcast v8, $0x4  }
0x5b: {  	v52 =	vld [tilespmem:$0x5490];
	v19 =	vadd.f32 v46, v19;
	v60 =	vbroadcast v7, $0x4;
	v46 =	vbroadcast v9, $0x5  }
0x5c: {  	v22 =	vadd.f32 v28, v22;
	v10 =	vadd.f32 v62, v10;
	v28 =	vmul.f32 v59, v63  }
0x5d: {  	v11 =	vadd.f32 v33, v11;
	v39 =	vmul.f32 v57, v37;
	v41 =	vmul.f32 v59, v37  }
0x5e: {  	v13 =	vadd.f32 v36, v13;
	v57 =	vmul.f32 v49, v55;
	v61 =	vmul.f32 v49, v58  }
0x5f: {  	v16 =	vadd.f32 v38, v16;
	v62 =	vmul.f32 v49, v60;
	v63 =	vbroadcast v6, $0x4  }
0x60: {  	v20 =	vadd.f32 v43, v20;
	v34 =	vmul.f32 v52, v60;
	v36 =	vbroadcast v3, $0x4  }
0x61: {  	v23 =	vadd.f32 v47, v23;
	v38 =	vbroadcast v2, $0x4;
	v47 =	vmul.f32 v49, v44  }
0x62: {  	v26 =	vadd.f32 v53, v26;
	v53 =	vbroadcast v7, $0x5;
	v33 =	vbroadcast v3, $0x9  }
0x63: {  	v32 =	vld [tilespmem:$0x54A0];
	v12 =	vadd.f32 v28, v12;
	v17 =	vadd.f32 v39, v17;
	v28 =	vmul.f32 v59, v40  }
0x64: {  	v14 =	vadd.f32 v41, v14;
	v22 =	vadd.f32 v50, v22;
	v35 =	vmul.f32 v49, v63  }
0x65: {  	v10 =	vadd.f32 v54, v10;
	v37 =	vmul.f32 v52, v63;
	v39 =	vmul.f32 v49, v36  }
0x66: {  	v11 =	vadd.f32 v56, v11;
	v40 =	vmul.f32 v49, v38;
	v41 =	vbroadcast v4, $0x4  }
0x67: {  	v15 =	vadd.f32 v57, v15;
	v42 =	vmul.f32 v52, v38;
	v50 =	vbroadcast v8, $0x5  }
0x68: {  	v13 =	vadd.f32 v61, v13;
	v56 =	vmul.f32 v32, v53;
	v61 =	vbroadcast v2, $0x5  }
0x69: {  	v63 =	vbroadcast v4, $0x5;
	v18 =	vadd.f32 v28, v18;
	v28 =	vmul.f32 v59, v48  }
0x6a: {  	v59 =	vmul.f32 v52, v55;
	v17 =	vadd.f32 v62, v17;
	v14 =	vadd.f32 v34, v14  }
0x6b: {  	v20 =	vadd.f32 v35, v20;
	v21 =	vadd.f32 v39, v21;
	v43 =	vmul.f32 v49, v41  }
0x6c: {  	v23 =	vadd.f32 v40, v23;
	v45 =	vmul.f32 v52, v41;
	v48 =	vmul.f32 v52, v44  }
0x6d: {  	v22 =	vadd.f32 v42, v22;
	v49 =	vmul.f32 v32, v46;
	v55 =	vbroadcast v6, $0x5  }
0x6e: {  	v10 =	vadd.f32 v47, v10;
	v39 =	vmul.f32 v32, v63;
	v40 =	vbroadcast v5, $0x5  }
0x6f: {  	v24 =	vadd.f32 v28, v24;
	v28 =	vmul.f32 v52, v58;
	v18 =	vadd.f32 v37, v18  }
0x70: {  	v25 =	vadd.f32 v43, v26;
	v11 =	vadd.f32 v48, v11;
	v57 =	vmul.f32 v32, v55  }
0x71: {  	v38 =	vld [tilespmem:$0x54D0];
	v58 =	vbroadcast v3, $0x5;
	v16 =	vadd.f32 v28, v16;
	v28 =	vmul.f32 v52, v36  }
0x72: {  	v15 =	vadd.f32 v49, v15;
	v37 =	vmul.f32 v32, v61;
	v42 =	vmul.f32 v32, v40;
	v36 =	vld [tilespmem:$0x54C0]  }
0x73: {  	v43 =	vbroadcast v9, $0x6;
	v48 =	vbroadcast v7, $0x6;
	v19 =	vadd.f32 v28, v19;
	v28 =	vld [tilespmem:$0x54B0]  }
0x74: {  	v17 =	vadd.f32 v56, v17;
	v56 =	vbroadcast v2, $0x6;
	v52 =	vmul.f32 v32, v50  }
0x75: {  	v24 =	vadd.f32 v45, v24;
	v60 =	vmul.f32 v32, v58;
	v45 =	vbroadcast v8, $0x6  }
0x76: {  	v25 =	vadd.f32 v39, v25;
	v39 =	vbroadcast v8, $0x7;
	v32 =	vbroadcast v9, $0xC  }
0x77: {  	v13 =	vadd.f32 v52, v13;
	v49 =	vmul.f32 v38, v45;
	v52 =	vmul.f32 v38, v48  }
0x78: {  	v12 =	vadd.f32 v59, v12;
	v47 =	vmul.f32 v36, v45;
	v51 =	vmul.f32 v28, v46  }
0x79: {  	v21 =	vadd.f32 v60, v21;
	v60 =	vld [tilespmem:$0x54E0];
	v54 =	vmul.f32 v28, v50;
	v29 =	vmul.f32 v28, v53  }
0x7a: {  	v20 =	vadd.f32 v57, v20;
	v59 =	vmul.f32 v28, v55;
	v62 =	vmul.f32 v28, v58  }
0x7b: {  	v23 =	vadd.f32 v37, v23;
	v41 =	vmul.f32 v28, v63;
	v44 =	vmul.f32 v28, v40  }
0x7c: {  	v10 =	vadd.f32 v42, v10;
	v46 =	vmul.f32 v36, v43;
	v50 =	vmul.f32 v36, v48  }
0x7d: {  	v13 =	vadd.f32 v47, v13;
	v53 =	vbroadcast v3, $0x6;
	v58 =	vmul.f32 v36, v56  }
0x7e: {  	v42 =	vmul.f32 v60, v39;
	v12 =	vadd.f32 v51, v12;
	v16 =	vadd.f32 v54, v16  }
0x7f: {  	v47 =	vbroadcast v3, $0x7;
	v14 =	vadd.f32 v29, v14;
	v18 =	vadd.f32 v59, v18  }
0x80: {  	v29 =	vmul.f32 v28, v61;
	v19 =	vadd.f32 v62, v19;
	v51 =	vbroadcast v6, $0x6  }
0x81: {  	v24 =	vadd.f32 v41, v24;
	v55 =	vmul.f32 v36, v53;
	v57 =	vmul.f32 v38, v53  }
0x82: {  	v11 =	vadd.f32 v44, v11;
	v59 =	vbroadcast v4, $0x6;
	v61 =	vmul.f32 v38, v56  }
0x83: {  	v15 =	vadd.f32 v46, v15;
	v62 =	vbroadcast v5, $0x6;
	v41 =	vbroadcast v7, $0x7  }
0x84: {  	v17 =	vadd.f32 v50, v17;
	v44 =	vbroadcast v6, $0x7;
	v50 =	vmul.f32 v60, v47  }
0x85: {  	v22 =	vadd.f32 v29, v22;
	v29 =	vmul.f32 v38, v43;
	v54 =	vmul.f32 v36, v51  }
0x86: {  	v63 =	vld [tilespmem:$0x54F0];
	v23 =	vadd.f32 v58, v23;
	v28 =	vmul.f32 v38, v51;
	v34 =	vmul.f32 v36, v59  }
0x87: {  	v13 =	vadd.f32 v42, v13;
	v35 =	vmul.f32 v36, v62;
	v36 =	vbroadcast v9, $0x7  }
0x88: {  	v16 =	vadd.f32 v49, v16;
	v37 =	vmul.f32 v38, v62;
	v43 =	vmul.f32 v60, v41  }
0x89: {  	v14 =	vadd.f32 v52, v14;
	v46 =	vmul.f32 v60, v44;
	v49 =	vbroadcast v2, $0x7  }
0x8a: {  	v19 =	vadd.f32 v57, v19;
	v52 =	vbroadcast v4, $0x7;
	v57 =	vbroadcast v5, $0x7  }
0x8b: {  	v21 =	vadd.f32 v55, v21;
	v45 =	vmul.f32 v63, v41;
	v48 =	vmul.f32 v63, v44  }
0x8c: {  	v41 =	vbroadcast v3, $0x8;
	v44 =	vbroadcast v2, $0x8;
	v12 =	vadd.f32 v29, v12  }
0x8d: {  	v20 =	vadd.f32 v54, v20;
	v18 =	vadd.f32 v28, v18;
	v28 =	vmul.f32 v38, v59  }
0x8e: {  	v22 =	vadd.f32 v61, v22;
	v25 =	vadd.f32 v34, v25;
	v38 =	vmul.f32 v60, v36  }
0x8f: {  	v53 =	vld [tilespmem:$0x5500];
	v10 =	vadd.f32 v35, v10;
	v40 =	vmul.f32 v63, v36;
	v51 =	vmul.f32 v60, v49  }
0x90: {  	v11 =	vadd.f32 v37, v11;
	v54 =	vmul.f32 v63, v49;
	v56 =	vmul.f32 v60, v52  }
0x91: {  	v17 =	vadd.f32 v43, v17;
	v58 =	vmul.f32 v63, v52;
	v59 =	vbroadcast v9, $0x8  }
0x92: {  	v21 =	vadd.f32 v50, v21;
	v60 =	vmul.f32 v60, v57;
	v61 =	vmul.f32 v63, v57  }
0x93: {  	v36 =	vbroadcast v7, $0x8;
	v14 =	vadd.f32 v45, v14;
	v24 =	vadd.f32 v28, v24  }
0x94: {  	v43 =	vmul.f32 v53, v41;
	v15 =	vadd.f32 v38, v15;
	v12 =	vadd.f32 v40, v12  }
0x95: {  	v55 =	vld [tilespmem:$0x5510];
	v28 =	vmul.f32 v63, v39;
	v20 =	vadd.f32 v46, v20;
	v18 =	vadd.f32 v48, v18  }
0x96: {  	v23 =	vadd.f32 v51, v23;
	v62 =	vmul.f32 v53, v59;
	v38 =	vbroadcast v6, $0x8  }
0x97: {  	v22 =	vadd.f32 v54, v22;
	v39 =	vmul.f32 v53, v36;
	v46 =	vbroadcast v4, $0x8  }
0x98: {  	v25 =	vadd.f32 v56, v25;
	v48 =	vmul.f32 v53, v44;
	v51 =	vbroadcast v5, $0x8  }
0x99: {  	v10 =	vadd.f32 v60, v10;
	v54 =	vbroadcast v9, $0x9;
	v56 =	vbroadcast v8, $0x9  }
0x9a: {  	v11 =	vadd.f32 v61, v11;
	v34 =	vmul.f32 v55, v59;
	v29 =	vmul.f32 v55, v36  }
0x9b: {  	v45 =	vmul.f32 v55, v41;
	v21 =	vadd.f32 v43, v21;
	v59 =	vbroadcast v7, $0x9  }
0x9c: {  	v36 =	vbroadcast v2, $0x9;
	v16 =	vadd.f32 v28, v16;
	v28 =	vmul.f32 v63, v47  }
0x9d: {  	v49 =	vld [tilespmem:$0x5530];
	v24 =	vadd.f32 v58, v24;
	v63 =	vbroadcast v8, $0x8;
	v40 =	vmul.f32 v53, v38  }
0x9e: {  	v15 =	vadd.f32 v62, v15;
	v42 =	vmul.f32 v55, v38;
	v50 =	vmul.f32 v53, v46  }
0x9f: {  	v17 =	vadd.f32 v39, v17;
	v52 =	vmul.f32 v55, v46;
	v62 =	vbroadcast v6, $0x9  }
0xa0: {  	v23 =	vadd.f32 v48, v23;
	v39 =	vbroadcast v4, $0x9;
	v46 =	vbroadcast v9, $0xA  }
0xa1: {  	v12 =	vadd.f32 v34, v12;
	v14 =	vadd.f32 v29, v14;
	v29 =	vmul.f32 v55, v44  }
0xa2: {  	v60 =	vmul.f32 v49, v56;
	v41 =	vmul.f32 v49, v36;
	v19 =	vadd.f32 v28, v19  }
0xa3: {  	v35 =	vmul.f32 v53, v63;
	v37 =	vmul.f32 v55, v63;
	v20 =	vadd.f32 v40, v20  }
0xa4: {  	v43 =	vld [tilespmem:$0x5550];
	v18 =	vadd.f32 v42, v18;
	v53 =	vmul.f32 v53, v51;
	v55 =	vmul.f32 v55, v51  }
0xa5: {  	v47 =	vld [tilespmem:$0x5520];
	v25 =	vadd.f32 v50, v25;
	v63 =	vmul.f32 v49, v59;
	v28 =	vmul.f32 v49, v62  }
0xa6: {  	v24 =	vadd.f32 v52, v24;
	v42 =	vbroadcast v5, $0x9;
	v51 =	vbroadcast v7, $0xA  }
0xa7: {  	v22 =	vadd.f32 v29, v22;
	v29 =	vmul.f32 v49, v54;
	v16 =	vadd.f32 v37, v16  }
0xa8: {  	v18 =	vadd.f32 v28, v18;
	v37 =	vmul.f32 v49, v33;
	v28 =	vmul.f32 v49, v39  }
0xa9: {  	v11 =	vadd.f32 v55, v11;
	v50 =	vmul.f32 v43, v46;
	v55 =	vmul.f32 v43, v51  }
0xaa: {  	v13 =	vadd.f32 v35, v13;
	v57 =	vmul.f32 v47, v54;
	v58 =	vmul.f32 v47, v56  }
0xab: {  	v19 =	vadd.f32 v45, v19;
	v61 =	vmul.f32 v47, v59;
	v34 =	vmul.f32 v47, v62  }
0xac: {  	v10 =	vadd.f32 v53, v10;
	v35 =	vmul.f32 v47, v33;
	v38 =	vmul.f32 v47, v36  }
0xad: {  	v14 =	vadd.f32 v63, v14;
	v44 =	vmul.f32 v47, v39;
	v45 =	vmul.f32 v47, v42  }
0xae: {  	v40 =	vld [tilespmem:$0x5540];
	v12 =	vadd.f32 v29, v12;
	v47 =	vmul.f32 v49, v42;
	v49 =	vbroadcast v8, $0xA  }
0xaf: {  	v22 =	vadd.f32 v41, v22;
	v54 =	vbroadcast v6, $0xA;
	v59 =	vbroadcast v2, $0xA  }
0xb0: {  	v62 =	vbroadcast v4, $0xA;
	v16 =	vadd.f32 v60, v16;
	v19 =	vadd.f32 v37, v19  }
0xb1: {  	v39 =	vbroadcast v9, $0xB;
	v24 =	vadd.f32 v28, v24;
	v14 =	vadd.f32 v55, v14  }
0xb2: {  	v37 =	vbroadcast v5, $0xA;
	v15 =	vadd.f32 v57, v15;
	v13 =	vadd.f32 v58, v13  }
0xb3: {  	v17 =	vadd.f32 v61, v17;
	v20 =	vadd.f32 v34, v20;
	v48 =	vmul.f32 v40, v46  }
0xb4: {  	v21 =	vadd.f32 v35, v21;
	v52 =	vmul.f32 v40, v49;
	v28 =	vmul.f32 v43, v49  }
0xb5: {  	v23 =	vadd.f32 v38, v23;
	v53 =	vmul.f32 v40, v51;
	v56 =	vmul.f32 v40, v54  }
0xb6: {  	v25 =	vadd.f32 v44, v25;
	v57 =	vbroadcast v3, $0xA;
	v58 =	vmul.f32 v43, v54  }
0xb7: {  	v10 =	vadd.f32 v45, v10;
	v61 =	vmul.f32 v40, v59;
	v35 =	vmul.f32 v43, v59  }
0xb8: {  	v11 =	vadd.f32 v47, v11;
	v36 =	vmul.f32 v40, v62;
	v38 =	vmul.f32 v43, v62  }
0xb9: {  	v63 =	vld [tilespmem:$0x5560];
	v12 =	vadd.f32 v50, v12;
	v46 =	vbroadcast v7, $0xB;
	v51 =	vbroadcast v3, $0xB  }
0xba: {  	v54 =	vbroadcast v2, $0xB;
	v34 =	vbroadcast v6, $0xD;
	v15 =	vadd.f32 v48, v15  }
0xbb: {  	v41 =	vmul.f32 v43, v37;
	v13 =	vadd.f32 v52, v13;
	v16 =	vadd.f32 v28, v16  }
0xbc: {  	v17 =	vadd.f32 v53, v17;
	v20 =	vadd.f32 v56, v20;
	v60 =	vmul.f32 v40, v57  }
0xbd: {  	v28 =	vmul.f32 v43, v57;
	v18 =	vadd.f32 v58, v18;
	v40 =	vmul.f32 v40, v37  }
0xbe: {  	v23 =	vadd.f32 v61, v23;
	v42 =	vmul.f32 v63, v39;
	v43 =	vbroadcast v8, $0xB  }
0xbf: {  	v22 =	vadd.f32 v35, v22;
	v48 =	vbroadcast v6, $0xB;
	v49 =	vmul.f32 v63, v46  }
0xc0: {  	v59 =	vld [tilespmem:$0x5590];
	v25 =	vadd.f32 v36, v25;
	v53 =	vmul.f32 v63, v51;
	v56 =	vbroadcast v4, $0xB  }
0xc1: {  	v24 =	vadd.f32 v38, v24;
	v58 =	vmul.f32 v63, v54;
	v61 =	vbroadcast v5, $0xB  }
0xc2: {  	v57 =	vld [tilespmem:$0x5580];
	v36 =	vbroadcast v8, $0xC;
	v21 =	vadd.f32 v60, v21;
	v19 =	vadd.f32 v28, v19  }
0xc3: {  	v10 =	vadd.f32 v40, v10;
	v45 =	vmul.f32 v63, v43;
	v50 =	vmul.f32 v63, v48  }
0xc4: {  	v28 =	vld [tilespmem:$0x5570];
	v15 =	vadd.f32 v42, v15;
	v60 =	vmul.f32 v63, v56;
	v63 =	vmul.f32 v63, v61  }
0xc5: {  	v42 =	vbroadcast v6, $0xC;
	v40 =	vmul.f32 v59, v36;
	v20 =	vadd.f32 v50, v20  }
0xc6: {  	v21 =	vadd.f32 v53, v21;
	v50 =	vbroadcast v4, $0xC;
	v53 =	vbroadcast v5, $0xC  }
0xc7: {  	v25 =	vadd.f32 v60, v25;
	v60 =	vbroadcast v8, $0xD;
	v37 =	vmul.f32 v57, v32  }
0xc8: {  	v13 =	vadd.f32 v45, v13;
	v38 =	vmul.f32 v57, v36;
	v45 =	vmul.f32 v57, v42  }
0xc9: {  	v23 =	vadd.f32 v58, v23;
	v58 =	vmul.f32 v59, v53;
	v44 =	vmul.f32 v28, v39  }
0xca: {  	v11 =	vadd.f32 v41, v11;
	v47 =	vmul.f32 v28, v43;
	v29 =	vmul.f32 v28, v46  }
0xcb: {  	v17 =	vadd.f32 v49, v17;
	v52 =	vmul.f32 v28, v48;
	v55 =	vmul.f32 v28, v51  }
0xcc: {  	v10 =	vadd.f32 v63, v10;
	v62 =	vmul.f32 v28, v56;
	v35 =	vmul.f32 v28, v61  }
0xcd: {  	v39 =	vbroadcast v7, $0xC;
	v15 =	vadd.f32 v37, v15;
	v13 =	vadd.f32 v38, v13  }
0xce: {  	v20 =	vadd.f32 v45, v20;
	v56 =	vmul.f32 v57, v53;
	v37 =	vbroadcast v3, $0xD  }
0xcf: {  	v45 =	vbroadcast v5, $0xD;
	v12 =	vadd.f32 v44, v12;
	v16 =	vadd.f32 v47, v16  }
0xd0: {  	v14 =	vadd.f32 v29, v14;
	v18 =	vadd.f32 v52, v18;
	v29 =	vmul.f32 v28, v54  }
0xd1: {  	v19 =	vadd.f32 v55, v19;
	v41 =	vmul.f32 v57, v39;
	v43 =	vmul.f32 v59, v39  }
0xd2: {  	v24 =	vadd.f32 v62, v24;
	v44 =	vbroadcast v3, $0xC;
	v28 =	vmul.f32 v59, v42  }
0xd3: {  	v11 =	vadd.f32 v35, v11;
	v47 =	vbroadcast v2, $0xC;
	v55 =	vmul.f32 v57, v50  }
0xd4: {  	v10 =	vadd.f32 v56, v10;
	v62 =	vbroadcast v7, $0xD;
	v39 =	vbroadcast v2, $0xD  }
0xd5: {  	v51 =	vld [tilespmem:$0x55A0];
	v42 =	vbroadcast v4, $0xD;
	v56 =	vbroadcast v6, $0xE;
	v22 =	vadd.f32 v29, v22  }
0xd6: {  	v29 =	vmul.f32 v59, v32;
	v16 =	vadd.f32 v40, v16;
	v46 =	vmul.f32 v57, v44  }
0xd7: {  	v17 =	vadd.f32 v41, v17;
	v48 =	vmul.f32 v59, v44;
	v49 =	vmul.f32 v57, v47  }
0xd8: {  	v18 =	vadd.f32 v28, v18;
	v52 =	vmul.f32 v59, v47;
	v28 =	vmul.f32 v59, v50  }
0xd9: {  	v14 =	vadd.f32 v43, v14;
	v57 =	vbroadcast v9, $0xD;
	v47 =	vbroadcast v9, $0xE  }
0xda: {  	v25 =	vadd.f32 v55, v25;
	v9 =	vbroadcast v9, $0xF;
	v63 =	vmul.f32 v51, v60  }
0xdb: {  	v54 =	vld [tilespmem:$0x55B0];
	v11 =	vadd.f32 v58, v11;
	v33 =	vmul.f32 v51, v62;
	v36 =	vmul.f32 v51, v34  }
0xdc: {  	v40 =	vmul.f32 v51, v37;
	v41 =	vmul.f32 v51, v39;
	v12 =	vadd.f32 v29, v12  }
0xdd: {  	v44 =	vmul.f32 v51, v42;
	v21 =	vadd.f32 v46, v21;
	v19 =	vadd.f32 v48, v19  }
0xde: {  	v23 =	vadd.f32 v49, v23;
	v59 =	vmul.f32 v51, v57;
	v48 =	vmul.f32 v51, v45  }
0xdf: {  	v22 =	vadd.f32 v52, v22;
	v51 =	vbroadcast v8, $0xE;
	v8 =	vbroadcast v8, $0xF  }
0xe0: {  	v24 =	vadd.f32 v28, v24;
	v61 =	vmul.f32 v54, v57;
	v28 =	vmul.f32 v54, v60  }
0xe1: {  	v13 =	vadd.f32 v63, v13;
	v35 =	vmul.f32 v54, v62;
	v17 =	vadd.f32 v33, v17  }
0xe2: {  	v38 =	vmul.f32 v54, v34;
	v20 =	vadd.f32 v36, v20;
	v43 =	vmul.f32 v54, v39  }
0xe3: {  	v46 =	vmul.f32 v54, v42;
	v25 =	vadd.f32 v44, v25;
	v49 =	vmul.f32 v54, v45  }
0xe4: {  	v62 =	vbroadcast v2, $0xE;
	v36 =	vbroadcast v4, $0xE;
	v15 =	vadd.f32 v59, v15  }
0xe5: {  	v33 =	vld [tilespmem:$0x55C0];
	v4 =	vbroadcast v4, $0xF;
	v21 =	vadd.f32 v40, v21;
	v23 =	vadd.f32 v41, v23  }
0xe6: {  	v10 =	vadd.f32 v48, v10;
	v59 =	vbroadcast v3, $0xE;
	v41 =	vbroadcast v5, $0xE  }
0xe7: {  	v48 =	vbroadcast v6, $0xF;
	v5 =	vbroadcast v5, $0xF;
	v12 =	vadd.f32 v61, v12  }
0xe8: {  	v16 =	vadd.f32 v28, v16;
	v14 =	vadd.f32 v35, v14;
	v28 =	vmul.f32 v54, v37  }
0xe9: {  	v39 =	vld [tilespmem:$0x55F0];
	v18 =	vadd.f32 v38, v18;
	v54 =	vbroadcast v7, $0xE;
	v7 =	vbroadcast v7, $0xF  }
0xea: {  	v11 =	vadd.f32 v49, v11;
	v37 =	vld [tilespmem:$0x55E0];
	v49 =	vbroadcast v3, $0xF;
	v50 =	vmul.f32 v33, v47  }
0xeb: {  	v22 =	vadd.f32 v43, v22;
	v53 =	vmul.f32 v33, v51;
	v57 =	vmul.f32 v33, v54  }
0xec: {  	v6 =	vld [tilespmem:s20+$0x3410];
	v24 =	vadd.f32 v46, v24;
	v58 =	vmul.f32 v33, v56;
	v61 =	vmul.f32 v33, v59  }
0xed: {  	v3 =	vld [tilespmem:s20+$0x3430];
	v19 =	vadd.f32 v28, v19;
	v38 =	vmul.f32 v33, v62;
	v40 =	vmul.f32 v33, v36  }
0xee: {  	v28 =	vld [tilespmem:$0x55D0];
	v43 =	vmul.f32 v33, v41;
	v26 =	vmul.f32 v39, v48;
	v15 =	vadd.f32 v50, v15  }
0xef: {  	v13 =	vadd.f32 v53, v13;
	v45 =	vmul.f32 v37, v9;
	v9 =	vmul.f32 v39, v9  }
0xf0: {  	v17 =	vadd.f32 v57, v17;
	v46 =	vmul.f32 v37, v8;
	v8 =	vmul.f32 v39, v8  }
0xf1: {  	v20 =	vadd.f32 v58, v20;
	v50 =	vmul.f32 v37, v48;
	v57 =	vmul.f32 v37, v5  }
0xf2: {  	v21 =	vadd.f32 v61, v21;
	v58 =	vbroadcast v6, $0x0;
	v61 =	vbroadcast v3, $0x0  }
0xf3: {  	v23 =	vadd.f32 v38, v23;
	v52 =	vmul.f32 v28, v47;
	v55 =	vmul.f32 v28, v51  }
0xf4: {  	v25 =	vadd.f32 v40, v25;
	v29 =	vmul.f32 v28, v54;
	v60 =	vmul.f32 v28, v56  }
0xf5: {  	v10 =	vadd.f32 v43, v10;
	v63 =	vmul.f32 v28, v59;
	v42 =	vmul.f32 v28, v36  }
0xf6: {  	v44 =	vmul.f32 v28, v41;
	v15 =	vadd.f32 v45, v15;
	v13 =	vadd.f32 v46, v13  }
0xf7: {  	v47 =	vmul.f32 v37, v7;
	v7 =	vmul.f32 v39, v7;
	v20 =	vadd.f32 v50, v20  }
0xf8: {  	v51 =	vmul.f32 v37, v49;
	v10 =	vadd.f32 v57, v10;
	v12 =	vadd.f32 v52, v12  }
0xf9: {  	v59 =	vmul.f32 v39, v5;
	v16 =	vadd.f32 v55, v16;
	v14 =	vadd.f32 v29, v14  }
0xfa: {  	v5 =	vld [tilespmem:s20+$0x34D0];
	v18 =	vadd.f32 v60, v18;
	v29 =	vmul.f32 v28, v62;
	v19 =	vadd.f32 v63, v19  }
0xfb: {  	v56 =	vmul.f32 v37, v4;
	v24 =	vadd.f32 v42, v24;
	v11 =	vadd.f32 v44, v11;
	v55 =	vld [tilespmem:$0x5610]  }
0xfc: {  	v17 =	vadd.f32 v47, v17;
	v52 =	vbroadcast v2, $0xF;
	v2 =	vld [tilespmem:s20+$0x3450];
	v22 =	vadd.f32 v29, v22  }
0xfd: {  	v4 =	vmul.f32 v39, v4;
	v47 =	vld [tilespmem:$0x5620];
	v12 =	vadd.f32 v9, v12;
	v16 =	vadd.f32 v8, v16  }
0xfe: {  	v18 =	vadd.f32 v26, v18;
	v8 =	vmul.f32 v39, v49;
	v53 =	vmul.f32 v37, v52;
	v26 =	vld [tilespmem:$0x5600]  }
0xff: {  	v14 =	vadd.f32 v7, v14;
	v54 =	vmul.f32 v39, v52;
	v9 =	vld [tilespmem:s20+$0x3470];
	v46 =	vbroadcast v5, $0x0  }
0x100: {  	v7 =	vld [tilespmem:s20+$0x34B0];
	v23 =	vadd.f32 v53, v23;
	v53 =	vbroadcast v6, $0x1;
	v62 =	vmul.f32 v55, v58  }
0x101: {  	v24 =	vadd.f32 v4, v24;
	v4 =	vld [tilespmem:s20+$0x34F0];
	v63 =	vbroadcast v2, $0x0;
	v28 =	vmul.f32 v55, v61  }
0x102: {  	v49 =	vld [tilespmem:$0x5630];
	v22 =	vadd.f32 v54, v22;
	v52 =	vmul.f32 v55, v46;
	v54 =	vmul.f32 v47, v53  }
0x103: {  	v21 =	vadd.f32 v51, v21;
	v60 =	vmul.f32 v26, v58;
	v36 =	vmul.f32 v26, v61  }
0x104: {  	v19 =	vadd.f32 v8, v19;
	v8 =	vld [tilespmem:s20+$0x3490];
	v37 =	vmul.f32 v26, v63;
	v38 =	vbroadcast v9, $0x0  }
0x105: {  	v25 =	vadd.f32 v56, v25;
	v39 =	vmul.f32 v55, v63;
	v43 =	vbroadcast v7, $0x0  }
0x106: {  	v11 =	vadd.f32 v59, v11;
	v50 =	vmul.f32 v26, v46;
	v51 =	vbroadcast v4, $0x0  }
0x107: {  	v12 =	vadd.f32 v62, v12;
	v56 =	vmul.f32 v49, v53;
	v58 =	vbroadcast v2, $0x1  }
0x108: {  	v16 =	vadd.f32 v28, v16;
	v35 =	vbroadcast v7, $0x1;
	v53 =	vbroadcast v9, $0x2  }
0x109: {  	v24 =	vadd.f32 v52, v24;
	v40 =	vmul.f32 v26, v38;
	v41 =	vbroadcast v8, $0x0  }
0x10a: {  	v15 =	vadd.f32 v60, v15;
	v42 =	vmul.f32 v55, v38;
	v45 =	vmul.f32 v26, v43  }
0x10b: {  	v13 =	vadd.f32 v36, v13;
	v48 =	vmul.f32 v55, v43;
	v27 =	vmul.f32 v55, v51  }
0x10c: {  	v17 =	vadd.f32 v37, v17;
	v60 =	vbroadcast v9, $0x1;
	v61 =	vmul.f32 v47, v58  }
0x10d: {  	v14 =	vadd.f32 v39, v14;
	v28 =	vmul.f32 v49, v58;
	v63 =	vbroadcast v8, $0x1  }
0x10e: {  	v25 =	vadd.f32 v50, v25;
	v37 =	vbroadcast v5, $0x1;
	v39 =	vmul.f32 v47, v35  }
0x10f: {  	v12 =	vadd.f32 v56, v12;
	v50 =	vbroadcast v2, $0x2;
	v58 =	vbroadcast v7, $0x2  }
0x110: {  	v20 =	vadd.f32 v40, v20;
	v44 =	vmul.f32 v26, v41;
	v30 =	vmul.f32 v55, v41  }
0x111: {  	v18 =	vadd.f32 v42, v18;
	v23 =	vadd.f32 v45, v23;
	v26 =	vmul.f32 v26, v51  }
0x112: {  	v22 =	vadd.f32 v48, v22;
	v55 =	vbroadcast v3, $0x1;
	v62 =	vmul.f32 v47, v60  }
0x113: {  	v11 =	vadd.f32 v27, v11;
	v32 =	vmul.f32 v49, v60;
	v34 =	vmul.f32 v47, v63  }
0x114: {  	v14 =	vadd.f32 v28, v14;
	v36 =	vmul.f32 v49, v63;
	v28 =	vmul.f32 v49, v35  }
0x115: {  	v15 =	vadd.f32 v54, v15;
	v41 =	vmul.f32 v47, v37;
	v42 =	vbroadcast v4, $0x1  }
0x116: {  	v17 =	vadd.f32 v61, v17;
	v43 =	vmul.f32 v49, v37;
	v45 =	vbroadcast v6, $0x2  }
0x117: {  	v61 =	vbroadcast v5, $0x2;
	v63 =	vbroadcast v4, $0x2;
	v21 =	vadd.f32 v44, v21  }
0x118: {  	v38 =	vld [tilespmem:$0x5640];
	v19 =	vadd.f32 v30, v19;
	v10 =	vadd.f32 v26, v10;
	v57 =	vmul.f32 v47, v55  }
0x119: {  	v59 =	vmul.f32 v49, v55;
	v20 =	vadd.f32 v62, v20;
	v18 =	vadd.f32 v32, v18  }
0x11a: {  	v23 =	vadd.f32 v39, v23;
	v44 =	vmul.f32 v47, v42;
	v46 =	vmul.f32 v49, v42  }
0x11b: {  	v22 =	vadd.f32 v28, v22;
	v47 =	vbroadcast v3, $0x2;
	v55 =	vbroadcast v8, $0x2  }
0x11c: {  	v29 =	vld [tilespmem:$0x5660];
	v25 =	vadd.f32 v41, v25;
	v39 =	vbroadcast v6, $0x3;
	v42 =	vbroadcast v3, $0x3  }
0x11d: {  	v40 =	vld [tilespmem:$0x5650];
	v24 =	vadd.f32 v43, v24;
	v48 =	vmul.f32 v38, v45;
	v52 =	vmul.f32 v38, v50  }
0x11e: {  	v56 =	vmul.f32 v38, v53;
	v60 =	vmul.f32 v38, v58;
	v13 =	vadd.f32 v57, v13  }
0x11f: {  	v37 =	vmul.f32 v38, v61;
	v16 =	vadd.f32 v59, v16;
	v21 =	vadd.f32 v34, v21  }
0x120: {  	v19 =	vadd.f32 v36, v19;
	v49 =	vmul.f32 v38, v47;
	v57 =	vmul.f32 v38, v55  }
0x121: {  	v10 =	vadd.f32 v44, v10;
	v38 =	vmul.f32 v38, v63;
	v41 =	vmul.f32 v29, v39  }
0x122: {  	v11 =	vadd.f32 v46, v11;
	v44 =	vbroadcast v2, $0x3;
	v28 =	vmul.f32 v40, v45  }
0x123: {  	v15 =	vadd.f32 v48, v15;
	v51 =	vmul.f32 v40, v47;
	v54 =	vmul.f32 v40, v50  }
0x124: {  	v17 =	vadd.f32 v52, v17;
	v59 =	vmul.f32 v40, v55;
	v62 =	vmul.f32 v40, v58  }
0x125: {  	v20 =	vadd.f32 v56, v20;
	v45 =	vmul.f32 v29, v42;
	v47 =	vbroadcast v9, $0x3  }
0x126: {  	v23 =	vadd.f32 v60, v23;
	v50 =	vbroadcast v8, $0x3;
	v52 =	vbroadcast v7, $0x3  }
0x127: {  	v25 =	vadd.f32 v37, v25;
	v55 =	vbroadcast v5, $0x3;
	v60 =	vbroadcast v4, $0x3  }
0x128: {  	v13 =	vadd.f32 v49, v13;
	v21 =	vadd.f32 v57, v21;
	v46 =	vmul.f32 v29, v44  }
0x129: {  	v36 =	vld [tilespmem:$0x5670];
	v12 =	vadd.f32 v28, v12;
	v28 =	vmul.f32 v40, v53;
	v14 =	vadd.f32 v54, v14  }
0x12a: {  	v19 =	vadd.f32 v59, v19;
	v49 =	vmul.f32 v29, v47;
	v53 =	vmul.f32 v29, v50  }
0x12b: {  	v22 =	vadd.f32 v62, v22;
	v54 =	vmul.f32 v29, v52;
	v59 =	vmul.f32 v29, v55  }
0x12c: {  	v15 =	vadd.f32 v41, v15;
	v62 =	vbroadcast v6, $0x4;
	v41 =	vbroadcast v9, $0x4  }
0x12d: {  	v18 =	vadd.f32 v28, v18;
	v28 =	vmul.f32 v40, v61;
	v40 =	vmul.f32 v40, v63  }
0x12e: {  	v10 =	vadd.f32 v38, v10;
	v43 =	vmul.f32 v36, v39;
	v48 =	vmul.f32 v36, v44  }
0x12f: {  	v56 =	vld [tilespmem:$0x5680];
	v16 =	vadd.f32 v51, v16;
	v51 =	vmul.f32 v36, v47;
	v57 =	vmul.f32 v36, v52  }
0x130: {  	v58 =	vld [tilespmem:$0x5690];
	v13 =	vadd.f32 v45, v13;
	v61 =	vmul.f32 v36, v55;
	v63 =	vmul.f32 v29, v60  }
0x131: {  	v17 =	vadd.f32 v46, v17;
	v34 =	vmul.f32 v36, v60;
	v39 =	vbroadcast v2, $0x4  }
0x132: {  	v20 =	vadd.f32 v49, v20;
	v44 =	vbroadcast v8, $0x4;
	v47 =	vbroadcast v7, $0x4  }
0x133: {  	v23 =	vadd.f32 v54, v23;
	v49 =	vbroadcast v5, $0x4;
	v54 =	vbroadcast v4, $0x4  }
0x134: {  	v25 =	vadd.f32 v59, v25;
	v59 =	vbroadcast v3, $0x5;
	v35 =	vmul.f32 v56, v62  }
0x135: {  	v21 =	vadd.f32 v53, v21;
	v37 =	vmul.f32 v58, v62;
	v45 =	vmul.f32 v58, v41  }
0x136: {  	v62 =	vbroadcast v2, $0x5;
	v24 =	vadd.f32 v28, v24;
	v11 =	vadd.f32 v40, v11  }
0x137: {  	v28 =	vmul.f32 v36, v42;
	v12 =	vadd.f32 v43, v12;
	v42 =	vmul.f32 v56, v39  }
0x138: {  	v14 =	vadd.f32 v48, v14;
	v29 =	vmul.f32 v58, v39;
	v43 =	vmul.f32 v56, v41  }
0x139: {  	v18 =	vadd.f32 v51, v18;
	v46 =	vmul.f32 v56, v44;
	v48 =	vmul.f32 v58, v44  }
0x13a: {  	v22 =	vadd.f32 v57, v22;
	v51 =	vmul.f32 v56, v47;
	v53 =	vmul.f32 v56, v49  }
0x13b: {  	v10 =	vadd.f32 v63, v10;
	v55 =	vmul.f32 v58, v49;
	v57 =	vbroadcast v6, $0x5  }
0x13c: {  	v39 =	vbroadcast v7, $0x5;
	v44 =	vbroadcast v4, $0x5;
	v15 =	vadd.f32 v35, v15  }
0x13d: {  	v52 =	vld [tilespmem:$0x56B0];
	v16 =	vadd.f32 v28, v16;
	v28 =	vmul.f32 v36, v50;
	v24 =	vadd.f32 v61, v24  }
0x13e: {  	v36 =	vbroadcast v3, $0x4;
	v11 =	vadd.f32 v34, v11;
	v12 =	vadd.f32 v37, v12  }
0x13f: {  	v17 =	vadd.f32 v42, v17;
	v14 =	vadd.f32 v29, v14;
	v29 =	vmul.f32 v58, v47  }
0x140: {  	v23 =	vadd.f32 v51, v23;
	v34 =	vbroadcast v9, $0x5;
	v42 =	vbroadcast v5, $0x5  }
0x141: {  	v25 =	vadd.f32 v53, v25;
	v51 =	vbroadcast v3, $0x6;
	v53 =	vbroadcast v2, $0x6  }
0x142: {  	v20 =	vadd.f32 v43, v20;
	v63 =	vmul.f32 v52, v59;
	v35 =	vmul.f32 v52, v62  }
0x143: {  	v18 =	vadd.f32 v45, v18;
	v43 =	vmul.f32 v52, v39;
	v49 =	vmul.f32 v52, v44  }
0x144: {  	v21 =	vadd.f32 v46, v21;
	v38 =	vmul.f32 v56, v36;
	v40 =	vmul.f32 v58, v36  }
0x145: {  	v50 =	vld [tilespmem:$0x56A0];
	v19 =	vadd.f32 v28, v19;
	v56 =	vmul.f32 v56, v54;
	v58 =	vmul.f32 v58, v54  }
0x146: {  	v22 =	vadd.f32 v29, v22;
	v36 =	vbroadcast v8, $0x5;
	v28 =	vmul.f32 v52, v34  }
0x147: {  	v29 =	vmul.f32 v52, v57;
	v16 =	vadd.f32 v40, v16;
	v19 =	vadd.f32 v48, v19  }
0x148: {  	v18 =	vadd.f32 v28, v18;
	v40 =	vmul.f32 v52, v36;
	v28 =	vmul.f32 v52, v42  }
0x149: {  	v45 =	vld [tilespmem:$0x56D0];
	v10 =	vadd.f32 v56, v10;
	v48 =	vbroadcast v6, $0x6;
	v56 =	vbroadcast v9, $0x6  }
0x14a: {  	v24 =	vadd.f32 v55, v24;
	v60 =	vmul.f32 v50, v57;
	v61 =	vmul.f32 v50, v59  }
0x14b: {  	v14 =	vadd.f32 v35, v14;
	v32 =	vmul.f32 v50, v62;
	v37 =	vmul.f32 v50, v34  }
0x14c: {  	v13 =	vadd.f32 v38, v13;
	v38 =	vmul.f32 v50, v36;
	v41 =	vmul.f32 v50, v39  }
0x14d: {  	v11 =	vadd.f32 v58, v11;
	v46 =	vmul.f32 v50, v42;
	v47 =	vmul.f32 v50, v44  }
0x14e: {  	v12 =	vadd.f32 v29, v12;
	v57 =	vmul.f32 v45, v53;
	v59 =	vbroadcast v8, $0x6  }
0x14f: {  	v22 =	vadd.f32 v43, v22;
	v36 =	vbroadcast v5, $0x6;
	v42 =	vbroadcast v6, $0x7  }
0x150: {  	v34 =	vbroadcast v3, $0x9;
	v16 =	vadd.f32 v63, v16;
	v19 =	vadd.f32 v40, v19  }
0x151: {  	v24 =	vadd.f32 v28, v24;
	v11 =	vadd.f32 v49, v11;
	v52 =	vmul.f32 v45, v48  }
0x152: {  	v28 =	vmul.f32 v45, v51;
	v40 =	vbroadcast v4, $0x6;
	v15 =	vadd.f32 v60, v15  }
0x153: {  	v29 =	vld [tilespmem:$0x56C0];
	v49 =	vbroadcast v2, $0x7;
	v13 =	vadd.f32 v61, v13;
	v17 =	vadd.f32 v32, v17  }
0x154: {  	v20 =	vadd.f32 v37, v20;
	v23 =	vadd.f32 v41, v23;
	v60 =	vmul.f32 v45, v56  }
0x155: {  	v25 =	vadd.f32 v46, v25;
	v61 =	vbroadcast v7, $0x6;
	v41 =	vmul.f32 v45, v36  }
0x156: {  	v14 =	vadd.f32 v57, v14;
	v46 =	vbroadcast v3, $0x7;
	v57 =	vbroadcast v7, $0x7  }
0x157: {  	v16 =	vadd.f32 v28, v16;
	v28 =	vmul.f32 v45, v59;
	v44 =	vmul.f32 v45, v40  }
0x158: {  	v21 =	vadd.f32 v38, v21;
	v50 =	vmul.f32 v29, v48;
	v54 =	vmul.f32 v29, v51  }
0x159: {  	v10 =	vadd.f32 v47, v10;
	v55 =	vmul.f32 v29, v53;
	v58 =	vmul.f32 v29, v56  }
0x15a: {  	v12 =	vadd.f32 v52, v12;
	v62 =	vmul.f32 v29, v59;
	v63 =	vmul.f32 v29, v61  }
0x15b: {  	v18 =	vadd.f32 v60, v18;
	v38 =	vmul.f32 v45, v61;
	v39 =	vmul.f32 v29, v36  }
0x15c: {  	v37 =	vld [tilespmem:$0x56E0];
	v43 =	vmul.f32 v29, v40;
	v24 =	vadd.f32 v41, v24;
	v51 =	vbroadcast v9, $0x7  }
0x15d: {  	v59 =	vbroadcast v5, $0x7;
	v19 =	vadd.f32 v28, v19;
	v11 =	vadd.f32 v44, v11  }
0x15e: {  	v40 =	vbroadcast v3, $0x8;
	v15 =	vadd.f32 v50, v15;
	v13 =	vadd.f32 v54, v13  }
0x15f: {  	v32 =	vld [tilespmem:$0x5710];
	v17 =	vadd.f32 v55, v17;
	v23 =	vadd.f32 v63, v23;
	v54 =	vbroadcast v8, $0x7  }
0x160: {  	v22 =	vadd.f32 v38, v22;
	v63 =	vbroadcast v4, $0x7;
	v38 =	vbroadcast v6, $0x8  }
0x161: {  	v60 =	vld [tilespmem:$0x5700];
	v10 =	vadd.f32 v43, v10;
	v43 =	vbroadcast v2, $0x8;
	v45 =	vmul.f32 v37, v42  }
0x162: {  	v20 =	vadd.f32 v58, v20;
	v48 =	vmul.f32 v37, v46;
	v52 =	vmul.f32 v37, v49  }
0x163: {  	v28 =	vld [tilespmem:$0x56F0];
	v21 =	vadd.f32 v62, v21;
	v53 =	vmul.f32 v37, v51;
	v61 =	vmul.f32 v37, v57  }
0x164: {  	v25 =	vadd.f32 v39, v25;
	v62 =	vmul.f32 v37, v59;
	v44 =	vmul.f32 v32, v40  }
0x165: {  	v56 =	vmul.f32 v37, v54;
	v37 =	vmul.f32 v37, v63;
	v15 =	vadd.f32 v45, v15  }
0x166: {  	v13 =	vadd.f32 v48, v13;
	v41 =	vmul.f32 v60, v38;
	v45 =	vmul.f32 v60, v43  }
0x167: {  	v23 =	vadd.f32 v61, v23;
	v48 =	vbroadcast v8, $0x8;
	v61 =	vbroadcast v6, $0x9  }
0x168: {  	v17 =	vadd.f32 v52, v17;
	v47 =	vmul.f32 v28, v42;
	v50 =	vmul.f32 v28, v46  }
0x169: {  	v20 =	vadd.f32 v53, v20;
	v29 =	vmul.f32 v28, v49;
	v55 =	vmul.f32 v28, v51  }
0x16a: {  	v25 =	vadd.f32 v62, v25;
	v58 =	vmul.f32 v28, v54;
	v36 =	vmul.f32 v28, v59  }
0x16b: {  	v21 =	vadd.f32 v56, v21;
	v39 =	vmul.f32 v28, v63;
	v42 =	vmul.f32 v60, v40  }
0x16c: {  	v10 =	vadd.f32 v37, v10;
	v46 =	vbroadcast v9, $0x8;
	v51 =	vbroadcast v7, $0x8  }
0x16d: {  	v54 =	vbroadcast v5, $0x8;
	v15 =	vadd.f32 v41, v15;
	v17 =	vadd.f32 v45, v17  }
0x16e: {  	v52 =	vmul.f32 v32, v48;
	v12 =	vadd.f32 v47, v12;
	v16 =	vadd.f32 v50, v16  }
0x16f: {  	v14 =	vadd.f32 v29, v14;
	v29 =	vmul.f32 v28, v57;
	v47 =	vmul.f32 v32, v43  }
0x170: {  	v18 =	vadd.f32 v55, v18;
	v49 =	vmul.f32 v60, v46;
	v28 =	vmul.f32 v32, v46  }
0x171: {  	v19 =	vadd.f32 v58, v19;
	v50 =	vmul.f32 v60, v48;
	v53 =	vmul.f32 v60, v51  }
0x172: {  	v24 =	vadd.f32 v36, v24;
	v56 =	vmul.f32 v32, v51;
	v57 =	vbroadcast v4, $0x8  }
0x173: {  	v11 =	vadd.f32 v39, v11;
	v59 =	vmul.f32 v60, v54;
	v36 =	vbroadcast v2, $0x9  }
0x174: {  	v13 =	vadd.f32 v42, v13;
	v55 =	vld [tilespmem:$0x5720];
	v39 =	vbroadcast v9, $0x9;
	v42 =	vbroadcast v8, $0x9  }
0x175: {  	v58 =	vld [tilespmem:$0x5730];
	v22 =	vadd.f32 v29, v22;
	v29 =	vmul.f32 v32, v38;
	v16 =	vadd.f32 v44, v16  }
0x176: {  	v18 =	vadd.f32 v28, v18;
	v28 =	vmul.f32 v32, v54;
	v60 =	vmul.f32 v60, v57  }
0x177: {  	v14 =	vadd.f32 v47, v14;
	v62 =	vmul.f32 v32, v57;
	v44 =	vbroadcast v7, $0x9  }
0x178: {  	v19 =	vadd.f32 v52, v19;
	v47 =	vbroadcast v5, $0x9;
	v52 =	vbroadcast v4, $0x9  }
0x179: {  	v20 =	vadd.f32 v49, v20;
	v54 =	vbroadcast v6, $0xA;
	v63 =	vmul.f32 v55, v61  }
0x17a: {  	v21 =	vadd.f32 v50, v21;
	v35 =	vmul.f32 v58, v61;
	v37 =	vmul.f32 v55, v34  }
0x17b: {  	v24 =	vadd.f32 v28, v24;
	v28 =	vmul.f32 v58, v34;
	v38 =	vmul.f32 v55, v36  }
0x17c: {  	v48 =	vld [tilespmem:$0x5740];
	v23 =	vadd.f32 v53, v23;
	v40 =	vmul.f32 v58, v36;
	v41 =	vmul.f32 v55, v39  }
0x17d: {  	v25 =	vadd.f32 v59, v25;
	v43 =	vmul.f32 v58, v39;
	v45 =	vmul.f32 v55, v42  }
0x17e: {  	v12 =	vadd.f32 v29, v12;
	v46 =	vmul.f32 v55, v44;
	v49 =	vmul.f32 v58, v44  }
0x17f: {  	v22 =	vadd.f32 v56, v22;
	v51 =	vmul.f32 v55, v47;
	v53 =	vmul.f32 v58, v47  }
0x180: {  	v10 =	vadd.f32 v60, v10;
	v55 =	vmul.f32 v55, v52;
	v56 =	vmul.f32 v58, v52  }
0x181: {  	v11 =	vadd.f32 v62, v11;
	v57 =	vmul.f32 v48, v54;
	v61 =	vbroadcast v2, $0xA  }
0x182: {  	v50 =	vld [tilespmem:$0x5750];
	v44 =	vbroadcast v4, $0xA;
	v15 =	vadd.f32 v63, v15;
	v12 =	vadd.f32 v35, v12  }
0x183: {  	v47 =	vbroadcast v6, $0xB;
	v13 =	vadd.f32 v37, v13;
	v16 =	vadd.f32 v28, v16  }
0x184: {  	v52 =	vbroadcast v2, $0xB;
	v17 =	vadd.f32 v38, v17;
	v14 =	vadd.f32 v40, v14  }
0x185: {  	v20 =	vadd.f32 v41, v20;
	v28 =	vmul.f32 v58, v42;
	v18 =	vadd.f32 v43, v18  }
0x186: {  	v21 =	vadd.f32 v45, v21;
	v23 =	vadd.f32 v46, v23;
	v58 =	vbroadcast v3, $0xA  }
0x187: {  	v22 =	vadd.f32 v49, v22;
	v59 =	vmul.f32 v50, v54;
	v63 =	vbroadcast v9, $0xA  }
0x188: {  	v25 =	vadd.f32 v51, v25;
	v33 =	vmul.f32 v48, v61;
	v29 =	vmul.f32 v50, v61  }
0x189: {  	v24 =	vadd.f32 v53, v24;
	v35 =	vbroadcast v8, $0xA;
	v38 =	vbroadcast v7, $0xA  }
0x18a: {  	v10 =	vadd.f32 v55, v10;
	v40 =	vbroadcast v5, $0xA;
	v46 =	vmul.f32 v48, v44  }
0x18b: {  	v11 =	vadd.f32 v56, v11;
	v49 =	vbroadcast v3, $0xB;
	v55 =	vbroadcast v9, $0xB  }
0x18c: {  	v19 =	vadd.f32 v28, v19;
	v60 =	vmul.f32 v48, v58;
	v62 =	vmul.f32 v50, v58  }
0x18d: {  	v15 =	vadd.f32 v57, v15;
	v34 =	vmul.f32 v48, v63;
	v36 =	vmul.f32 v50, v63  }
0x18e: {  	v12 =	vadd.f32 v59, v12;
	v37 =	vmul.f32 v48, v35;
	v39 =	vmul.f32 v50, v35  }
0x18f: {  	v14 =	vadd.f32 v29, v14;
	v42 =	vmul.f32 v48, v38;
	v29 =	vmul.f32 v50, v38  }
0x190: {  	v17 =	vadd.f32 v33, v17;
	v43 =	vmul.f32 v48, v40;
	v45 =	vmul.f32 v50, v40  }
0x191: {  	v41 =	vld [tilespmem:$0x5760];
	v48 =	vmul.f32 v50, v44;
	v10 =	vadd.f32 v46, v10;
	v57 =	vbroadcast v8, $0xB  }
0x192: {  	v63 =	vbroadcast v5, $0xB;
	v13 =	vadd.f32 v60, v13;
	v16 =	vadd.f32 v62, v16  }
0x193: {  	v38 =	vbroadcast v4, $0xB;
	v20 =	vadd.f32 v34, v20;
	v18 =	vadd.f32 v36, v18  }
0x194: {  	v35 =	vbroadcast v6, $0xD;
	v21 =	vadd.f32 v37, v21;
	v19 =	vadd.f32 v39, v19  }
0x195: {  	v33 =	vld [tilespmem:$0x5770];
	v23 =	vadd.f32 v42, v23;
	v60 =	vbroadcast v7, $0xB;
	v42 =	vbroadcast v6, $0xC  }
0x196: {  	v24 =	vadd.f32 v45, v24;
	v45 =	vbroadcast v3, $0xC;
	v50 =	vmul.f32 v41, v47  }
0x197: {  	v22 =	vadd.f32 v29, v22;
	v51 =	vmul.f32 v41, v49;
	v54 =	vmul.f32 v41, v52  }
0x198: {  	v25 =	vadd.f32 v43, v25;
	v58 =	vmul.f32 v41, v55;
	v59 =	vmul.f32 v41, v57  }
0x199: {  	v11 =	vadd.f32 v48, v11;
	v40 =	vmul.f32 v41, v63;
	v62 =	vmul.f32 v41, v60  }
0x19a: {  	v41 =	vmul.f32 v41, v38;
	v29 =	vmul.f32 v33, v47;
	v15 =	vadd.f32 v50, v15  }
0x19b: {  	v36 =	vld [tilespmem:$0x5780];
	v53 =	vmul.f32 v33, v49;
	v13 =	vadd.f32 v51, v13;
	v56 =	vmul.f32 v33, v52  }
0x19c: {  	v39 =	vld [tilespmem:$0x5790];
	v17 =	vadd.f32 v54, v17;
	v28 =	vmul.f32 v33, v55;
	v61 =	vmul.f32 v33, v57  }
0x19d: {  	v20 =	vadd.f32 v58, v20;
	v37 =	vmul.f32 v33, v60;
	v43 =	vmul.f32 v33, v38  }
0x19e: {  	v21 =	vadd.f32 v59, v21;
	v47 =	vbroadcast v2, $0xC;
	v50 =	vbroadcast v9, $0xC  }
0x19f: {  	v25 =	vadd.f32 v40, v25;
	v55 =	vbroadcast v7, $0xC;
	v58 =	vbroadcast v5, $0xC  }
0x1a0: {  	v18 =	vadd.f32 v28, v18;
	v28 =	vmul.f32 v33, v63;
	v44 =	vmul.f32 v36, v42  }
0x1a1: {  	v23 =	vadd.f32 v62, v23;
	v46 =	vmul.f32 v39, v42;
	v48 =	vmul.f32 v36, v45  }
0x1a2: {  	v10 =	vadd.f32 v41, v10;
	v49 =	vmul.f32 v36, v47;
	v51 =	vmul.f32 v39, v47  }
0x1a3: {  	v16 =	vadd.f32 v53, v16;
	v52 =	vmul.f32 v36, v50;
	v53 =	vbroadcast v8, $0xC  }
0x1a4: {  	v12 =	vadd.f32 v29, v12;
	v54 =	vmul.f32 v39, v50;
	v57 =	vmul.f32 v36, v55  }
0x1a5: {  	v14 =	vadd.f32 v56, v14;
	v60 =	vmul.f32 v39, v55;
	v62 =	vmul.f32 v36, v58  }
0x1a6: {  	v19 =	vadd.f32 v61, v19;
	v63 =	vbroadcast v4, $0xC;
	v34 =	vmul.f32 v39, v58  }
0x1a7: {  	v22 =	vadd.f32 v37, v22;
	v42 =	vbroadcast v2, $0xD;
	v47 =	vbroadcast v8, $0xD  }
0x1a8: {  	v11 =	vadd.f32 v43, v11;
	v50 =	vbroadcast v7, $0xD;
	v55 =	vbroadcast v4, $0xD  }
0x1a9: {  	v58 =	vbroadcast v6, $0xE;
	v6 =	vbroadcast v6, $0xF;
	v24 =	vadd.f32 v28, v24  }
0x1aa: {  	v59 =	vld [tilespmem:$0x57A0];
	v15 =	vadd.f32 v44, v15;
	v28 =	vmul.f32 v39, v45;
	v12 =	vadd.f32 v46, v12  }
0x1ab: {  	v13 =	vadd.f32 v48, v13;
	v56 =	vmul.f32 v36, v53;
	v36 =	vmul.f32 v36, v63  }
0x1ac: {  	v20 =	vadd.f32 v52, v20;
	v37 =	vmul.f32 v39, v63;
	v44 =	vbroadcast v9, $0xD  }
0x1ad: {  	v22 =	vadd.f32 v60, v22;
	v52 =	vbroadcast v5, $0xD;
	v60 =	vbroadcast v3, $0xE  }
0x1ae: {  	v31 =	vld [tilespmem:$0x57C0];
	v17 =	vadd.f32 v49, v17;
	v63 =	vbroadcast v2, $0xE;
	v2 =	vbroadcast v2, $0xF  }
0x1af: {  	v32 =	vld [tilespmem:$0x57D0];
	v18 =	vadd.f32 v54, v18;
	v38 =	vmul.f32 v59, v35;
	v45 =	vmul.f32 v59, v42  }
0x1b0: {  	v23 =	vadd.f32 v57, v23;
	v49 =	vmul.f32 v59, v47;
	v57 =	vmul.f32 v59, v55  }
0x1b1: {  	v16 =	vadd.f32 v28, v16;
	v28 =	vmul.f32 v39, v53;
	v39 =	vbroadcast v3, $0xD  }
0x1b2: {  	v61 =	vld [tilespmem:$0x57B0];
	v25 =	vadd.f32 v62, v25;
	v46 =	vmul.f32 v59, v44;
	v53 =	vmul.f32 v59, v50  }
0x1b3: {  	v24 =	vadd.f32 v34, v24;
	v54 =	vmul.f32 v59, v52;
	v62 =	vmul.f32 v31, v60  }
0x1b4: {  	v10 =	vadd.f32 v36, v10;
	v33 =	vmul.f32 v32, v60;
	v34 =	vmul.f32 v31, v63  }
0x1b5: {  	v11 =	vadd.f32 v37, v11;
	v36 =	vmul.f32 v32, v63;
	v37 =	vbroadcast v8, $0xE  }
0x1b6: {  	v14 =	vadd.f32 v51, v14;
	v3 =	vbroadcast v3, $0xF;
	v8 =	vbroadcast v8, $0xF  }
0x1b7: {  	v21 =	vadd.f32 v56, v21;
	v40 =	vmul.f32 v61, v35;
	v29 =	vmul.f32 v61, v42  }
0x1b8: {  	v15 =	vadd.f32 v38, v15;
	v48 =	vmul.f32 v61, v44;
	v51 =	vmul.f32 v61, v47  }
0x1b9: {  	v17 =	vadd.f32 v45, v17;
	v56 =	vmul.f32 v61, v52;
	v35 =	vbroadcast v9, $0xE  }
0x1ba: {  	v9 =	vbroadcast v9, $0xF;
	v19 =	vadd.f32 v28, v19;
	v41 =	vmul.f32 v59, v39  }
0x1bb: {  	v43 =	vmul.f32 v61, v39;
	v20 =	vadd.f32 v46, v20;
	v21 =	vadd.f32 v49, v21  }
0x1bc: {  	v23 =	vadd.f32 v53, v23;
	v25 =	vadd.f32 v54, v25;
	v59 =	vmul.f32 v61, v55  }
0x1bd: {  	v10 =	vadd.f32 v57, v10;
	v46 =	vbroadcast v5, $0xE;
	v57 =	vbroadcast v4, $0xE  }
0x1be: {  	v5 =	vbroadcast v5, $0xF;
	v4 =	vbroadcast v4, $0xF;
	v12 =	vadd.f32 v40, v12  }
0x1bf: {  	v14 =	vadd.f32 v29, v14;
	v18 =	vadd.f32 v48, v18;
	v29 =	vmul.f32 v61, v50  }
0x1c0: {  	v24 =	vadd.f32 v56, v24;
	v61 =	vmul.f32 v31, v58;
	v38 =	vmul.f32 v31, v35  }
0x1c1: {  	v39 =	vld [tilespmem:$0x57E0];
	v17 =	vadd.f32 v34, v17;
	v28 =	vmul.f32 v32, v35;
	v40 =	vmul.f32 v31, v37  }
0x1c2: {  	v42 =	vld [tilespmem:$0x57F0];
	v13 =	vadd.f32 v41, v13;
	v16 =	vadd.f32 v43, v16;
	v41 =	vbroadcast v7, $0xE  }
0x1c3: {  	v19 =	vadd.f32 v51, v19;
	v43 =	vmul.f32 v32, v37;
	v48 =	vmul.f32 v31, v46  }
0x1c4: {  	v11 =	vadd.f32 v59, v11;
	v52 =	vmul.f32 v32, v46;
	v7 =	vbroadcast v7, $0xF  }
0x1c5: {  	v22 =	vadd.f32 v29, v22;
	v29 =	vmul.f32 v32, v58;
	v15 =	vadd.f32 v61, v15  }
0x1c6: {  	v14 =	vadd.f32 v36, v14;
	v20 =	vadd.f32 v38, v20;
	v47 =	vmul.f32 v39, v6  }
0x1c7: {  	v18 =	vadd.f32 v28, v18;
	v12 =	vadd.f32 v29, v12;
	v6 =	vmul.f32 v42, v6  }
0x1c8: {  	v13 =	vadd.f32 v62, v13;
	v49 =	vmul.f32 v39, v3;
	v15 =	vadd.f32 v47, v15  }
0x1c9: {  	v16 =	vadd.f32 v33, v16;
	v3 =	vmul.f32 v42, v3;
	v6 =	vadd.f32 v6, v12  }
0x1ca: {  	v21 =	vadd.f32 v40, v21;
	v51 =	vmul.f32 v39, v2;
	v50 =	vadd.f32 v49, v13;
	[tilespmem:s20+$0x4400] =	vst v15  }
0x1cb: {  	v19 =	vadd.f32 v43, v19;
	v2 =	vmul.f32 v42, v2;
	v3 =	vadd.f32 v3, v16;
	[tilespmem:s20+$0x4410] =	vst v6  }
0x1cc: {  	v54 =	vmul.f32 v39, v9;
	v9 =	vmul.f32 v42, v9;
	v53 =	vadd.f32 v51, v17;
	[tilespmem:s20+$0x4420] =	vst v50  }
0x1cd: {  	v56 =	vmul.f32 v39, v8;
	v8 =	vmul.f32 v42, v8;
	v2 =	vadd.f32 v2, v14;
	[tilespmem:s20+$0x4430] =	vst v3  }
0x1ce: {  	v44 =	vmul.f32 v31, v41;
	v25 =	vadd.f32 v48, v25;
	v9 =	vadd.f32 v9, v18;
	[tilespmem:s20+$0x4440] =	vst v53  }
0x1cf: {  	v45 =	vmul.f32 v32, v41;
	v55 =	vadd.f32 v52, v24;
	v8 =	vadd.f32 v8, v19;
	[tilespmem:s20+$0x4450] =	vst v2  }
0x1d0: {  	v58 =	vmul.f32 v39, v7;
	v60 =	vmul.f32 v39, v5;
	v3 =	vadd.f32 v54, v20;
	[tilespmem:s20+$0x4470] =	vst v9  }
0x1d1: {  	v7 =	vmul.f32 v42, v7;
	v5 =	vmul.f32 v42, v5;
	v2 =	vadd.f32 v56, v21;
	[tilespmem:s20+$0x4490] =	vst v8  }
0x1d2: {  	v23 =	vadd.f32 v44, v23;
	v62 =	vadd.f32 v60, v25;
	[tilespmem:s20+$0x4460] =	vst v3;
	v3 =	vmul.f32 v31, v57  }
0x1d3: {  	v22 =	vadd.f32 v45, v22;
	v5 =	vadd.f32 v5, v55;
	[tilespmem:s20+$0x4480] =	vst v2;
	v2 =	vmul.f32 v32, v57  }
0x1d4: {  	p0 =	sne.s32 s19, $0x3C00;
	v63 =	vmul.f32 v39, v4;
	v59 =	vadd.f32 v58, v23;
	[tilespmem:s20+$0x44C0] =	vst v62;
	v3 =	vadd.f32 v3, v10  }
.Ltmp0:
0x1d5: {  	v4 =	vmul.f32 v42, v4;
	v61 =	vadd.f32 v7, v22;
	[tilespmem:s20+$0x44D0] =	vst v5;
	v2 =	vadd.f32 v2, v11;
	(pc) =	sbr.rel @p0 .LBB2_3-.Ltmp0, $4  }
0x1d6: {  	[tilespmem:s20+$0x44A0] =	vst v59;
	v3 =	vadd.f32 v63, v3  }
0x1d7: {  	[tilespmem:s20+$0x44B0] =	vst v61;
	v2 =	vadd.f32 v4, v2  }
0x1d8: {  	[tilespmem:s20+$0x44E0] =	vst v3  }
0x1d9: {  	s19 =	sadd.s32 $0x400, s19;
	[tilespmem:s20+$0x44F0] =	vst v2  }
0x1da: {  	s19 =	sadd.s32 s7, s18;
	s18 =	sadd.s32 $0x1, s18  }
0x1db: {  	s19 =	sshll.u32 s19, $0x9;
	p0 =	sne.s32 s18, $0x68  }
.Ltmp1:
0x1dc: {  	s19 =	sadd.s32 s3, s19;
	(pc) =	sbr.rel @p0 .LBB2_2-.Ltmp1, $4  }
0x1dd: {  	[hbm4b:s19+s4] =	stream.linear.scatter [tilespmem:s16], [sflag:$0x2], $0x1000, $0x38;
	[tilespmem:$0x5820] =	vst v63  }
0x1de: {  	_ =	swait.ge [sflag:s10], $0x1000  }
0x1df: {  	[sflag:s10] =	ssyncset.done $0x0  }
0x1e0: {  	[sflag:s10] =	ssyncadd.s32 $0xFFFFF000  }
0x1e1: {  	s17 =	sadd.s32 $0x1, s17  }
0x1e2: {  	p0 =	sne.s32 s17, s9  }
.Ltmp2:
0x1e3: {  	_ = 	snop;
	(pc) =	sbr.rel @p0 .LBB2_1-.Ltmp2, $1  }
0x1e4: {  	_ =	sdelay $0x3  }
0x1e5: {  	_ =	sfence.sel $0x180000  }
0x1e6: {  	[bflag:$0x0] =	sbarrier.arrive $0xFFFF  }
0x1e7: {  	p0 =	sne.s32 s0, $0x0;
	_ =	strace $0x90000047  }
0x1e8: {  	s0 =	sadd.s32 @!p0 $0x100000, s1;
	[bflag:$0x2] =	sbarrier.arrive $0xFFFF  }
0x1e9: {  	[sflag:s0] =	ssyncadd.tile.s32 @!p0 $0x1;
	_ =	shalt  }
.Lfunc_end2:
_tile_overlayer_lowered:
.L_overlay_start_2:
0x1ea: {  	(tag) =	ssettag $0x2  }
0x1eb: {  	s0 =	rddreg [dreg:$0x0];
	s2 =	stileid.u32  }
0x1ec: {  	s1 =	rddreg [dreg:$0x1];
	p0 =	sne.s32 s2, $0x0  }
0x1ed: {  	s3 =	rddreg [dreg:$0x2];
	[bflag:$0x3] =	sbarrier.arrive $0xFFFF;
	s2 =	simm.s32 @!p0 $0x1C02  }
0x1ee: {  	[timem:s3], [sflag:s2] =	dma.local @!p0 [hbm:s0], s1  }
0x1ef: {  	s0 =	simm.s32 @!p0 $0x2  }
0x1f0: {  	_ =	swait.ge @!p0 [sflag:s0], s1  }
0x1f1: {  	s1 =	ssub.s32 @!p0 $0x0, s1;
	[sflag:s0] =	ssyncset.done @!p0 $0x0  }
0x1f2: {  	[sflag:s0] =	ssyncadd.s32 @!p0 s1  }
0x1f3: {  	[bflag:$0x3] =	sbarrier.arrive $0xFFFF  }
0x1f4: {  	_ =	shalt  }

// kernel: sparse-core-data-format-call.cloned.1.call-start
scs
called_computation_lowered:
.L_overlay_start_0:
0x0: {  	s2 =	sld [smem:$0x3FD9]  }
0x1: {  	s3 =	sld [smem:$0x3FFE];
	_ =	sdelay $0x1  }
0x2: {  	s1 =	srdreg.scid  }
0x3: {  	s0 =	sand.u32 $0x1, s1  }
0x4: {  	s18 =	sshll.u32 s0, $0xA;
	s2 =	sadd.s32 s3, s2  }
0x5: {  	s2 =	sadd.s32 s2, s18  }
0x6: {  	[smem:$0x3FC4] =	sst s2  }
0x7: {  	_ = 	snop  }
0x8: {  	s2 =	sld [smem:$0x3FD0];
	(tm) =	ssettm $0x1  }
0x9: {  	s19 =	sld [smem:$0x3FFB];
	_ =	sdelay $0x3  }
0xa: {  	_ =	strace s19  }
0xb: {  	s3 =	sld [smem:$0x3FFC];
	_ =	sdelay $0x3  }
0xc: {  	_ =	strace s3  }
0xd: {  	s3 =	sld [smem:$0x3FFD];
	_ =	sdelay $0x3  }
0xe: {  	_ =	strace s3  }
0xf: {  	_ =	strace $0x8FFFFFFF  }
0x10: {  	s20 =	sld [smem:$0x3FDB];
	_ =	sdelay $0x1  }
0x11: {  	s4 =	simm.s32 $_scs_section_size  }
0x12: {  	s5 =	simm.s32 $_size__tile_overlayer_lowered;
	s6 =	simm.s32 $_tile_overlayer_lowered  }
0x13: {  	s23 =	simm.s32 $0x1BFF;
	s22 =	sshll.u32 s6, $0x1;
	s3 =	sadd.s32 s4, s20  }
0x14: {  	s7 =	simm.s32 $0x0;
	s21 =	sshll.u32 s5, $0x1;
	s5 =	sadd.s32 s22, s3  }
0x15: {  	[timem:s7], [sflag:s23] =	dma.local [hbm:s5], s21  }
0x16: {  	_ =	swait.ge [sflag:s23], s21  }
0x17: {  	s4 =	ssub.s32 $0x0, s21;
	[sflag:s23] =	ssyncset.done $0x0  }
0x18: {  	[sflag:s23] =	ssyncadd.s32 s4;
	_ =	sdelay $0x1  }
0x19: {  	s24 =	simm.s32 $0x1B8B  }
0x1a: {  	_ =	swait.ge [sflag:s24], $0x1  }
0x1b: {  	[sflag:s24] =	ssyncset.done $0x0  }
0x1c: {  	s26 =	simm.s32 $0x1B8E;
	s25 =	sld [smem:$0x3FFE];
	[sflag:s24] =	ssyncadd.s32 $0xFFFFFFFF  }
0x1d: {  	s27 =	simm.s32 $execute0_lowered;
	[smem:$0x3FD2] =	sst s26  }
0x1e: {  	s5 =	sshll.u32 s27, $0x1;
	_ =	strace $0x80000049;
	[dreg:$0x1] =	wrdreg $0xFFFFFFFF  }
0x1f: {  	s28 =	simm.s32 $_size_execute0_lowered;
	s3 =	sadd.s32 s3, s5;
	[dreg:$0x0] =	wrdreg $0x0  }
0x20: {  	s5 =	sshll.u32 s28, $0x1;
	[dreg:$0x2] =	wrdreg s3  }
0x21: {  	[dreg:$0x3] =	wrdreg s5  }
0x22: {  	[dreg:$0x4] =	wrdreg $0xC0  }
0x23: {  	_ =	task [dreg:s7], $0x5FFFF  }
0x24: {  	[dreg:$0x1] =	wrdreg $0xFFFFFFFF  }
0x25: {  	[dreg:$0x0] =	wrdreg $0x60  }
0x26: {  	[dreg:$0x2] =	wrdreg s25  }
0x27: {  	[dreg:$0x3] =	wrdreg s2  }
0x28: {  	[dreg:$0x4] =	wrdreg $0x9  }
0x29: {  	_ =	task.clear_ibuf [dreg:s7], $0x5FFFF;
	_ =	strace $0x90000049  }
0x2a: {  	s29 =	simm.s32 $0x9;
	_ =	strace $0x8000004B  }
0x2b: {  	_ =	swait.ge [sflag:s29], $0x1  }
0x2c: {  	[sflag:s29] =	ssyncadd.s32 $0xFFFFFFFF  }
0x2d: {  	_ =	strace $0x9000004B  }
0x2e: {  	_ =	sfence  }
0x2f: {  	s30 =	sld [smem:$0x0];
	_ =	sdelay $0x2  }
0x30: {  	s31 =	sshll.u32 s1, $0xD;
	s1 =	sshrl.u32 s1, $0x2  }
0x31: {  	s3 =	sand.u32 $0x4000, s31;
	s1 =	sadd.s32 s1, s30  }
0x32: {  	s0 =	sor.u32 s3, s0;
	s1 =	sshll.u32 s1, $0x11  }
0x33: {  	s0 =	sor.u32 s1, s0  }
0x34: {  	s0 =	sadd.s32 $0x8F2B, s0  }
0x35: {  	[sflag:s0] =	ssyncadd.remote.s32 $0x1  }
0x36: {  	_ =	sfence.sel $0xFFFF  }
0x37: {  	[dreg:$0x0] =	wrdreg $0xFFFFFFFF;
	(pc) =	sbr.abs _section_cstart, $3  }
0x38: {  	[dreg:$0x1] =	wrdreg $0xFFFFFFFF  }
0x39: {  	_ =	task.clear_ibuf [dreg:s7], $0x2FFFF;
	_ =	strace $0x9FFFFFFF  }
0x3a: {  	(tm) =	ssettm $0x7FFFFFFF  }
0x3b: {  	_ =	shalt  }
tec
execute0_lowered:
.L_overlay_start_1:
0x0: {  	(tag) =	ssettag $0x1  }
0x1: {  	s0 =	srdreg.scid  }
0x2: {  	s1 =	sshll.u32 s0, $0x4  }
0x3: {  	s0 =	stileid.u32;
	s1 =	sand.u32 $0x10, s1  }
0x4: {  	s1 =	sor.u32 s0, s1  }
0x5: {  	s6 =	rddreg [dreg:$0x0];
	s4 =	simm.s32 $0x1;
	s2 =	sshll.u32 s1, $0x7  }
0x6: {  	s7 =	simm.s32 $0x2;
	s12 =	simm.s32 $0x0;
	s1 =	ssub.s32 $0x4000, s2  }
0x7: {  	s8 =	simm.s32 $0x20000;
	s13 =	simm.s32 $0x0;
	s3 =	sand.u32 $0xF80, s1  }
0x8: {  	s9 =	simm.s32 $0x0;
	s5 =	sshrl.u32 s1, $0xC;
	p0 =	sne.s32 s3, $0x0  }
.Ltmp0:
0x9: {  	s1 =	rddreg [dreg:$0x2];
	s4 =	simm.s32 @!p0 $0x0;
	(pc) =	sbr.rel .LBB1_1-.Ltmp0, $4  }
0xa: {  	s11 =	simm.s32 $0x0;
	s3 =	rddreg [dreg:$0x1];
	s5 =	sadd.s32 s4, s5  }
0xb: {  	_ =	strace $0x8000004A;
	s4 =	simm.s32 $0x1;
	s5 =	smul.u32 $0x1A, s5  }
0xc: {  	s6 =	sadd.s32 $0xC00, s6;
	s10 =	smov.u32 s2;
	[sflag:s4] =	ssyncpa.u1 $0x0  }
0xd: {  	p0 =	por $0x0, $0x0;
	[sflag:s7] =	ssyncpa.u1 $0x0;
	s7 =	sor.u32 $0x1, s5  }
.LBB1_4:
0xe: {  	s16 =	sshll.u32 s13, $0x3;
	s17 =	sand.u32 $0x78, s13  }
0xf: {  	s30 =	sand.u32 $0xF800, s13;
	s12 =	sshll.u32 s12, $0x10;
	s16 =	sand.u32 $0x3C00, s16  }
0x10: {  	s31 =	sand.u32 $0x7, s13;
	s16 =	sor.u32 s17, s16;
	s17 =	sadd.s32 s3, s30  }
0x11: {  	s13 =	sshll.u32 s31, $0x12;
	s16 =	sshrl.u32 s16, $0x3;
	s12 =	sadd.s32 s12, s17  }
0x12: {  	[tilespmem:s15+$0x0 ss:$0x81] =	vst.msk $0xffff, v0;
	s13 =	sor.u32 $0x400, s13;
	s12 =	sadd.s32 s16, s12  }
0x13: {  	[hbm4b:s12+s13] =	stream.strided.scatter [tilespmem:s14], [sflag:$0x2], $0x1000, s8, s13, $0x20;
	[tilespmem:$0x4040] =	vst v63  }
.LBB1_5:
0x14: {  	s14 =	sadd.s32 $0x1, s9  }
0x15: {  	s12 =	sadd.s32 $0x1000, s10;
	s16 =	smov.u32 s10;
	p2 =	sgt.s32 s14, $0x19  }
0x16: {  	s16 =	smov.u32 @p2 s12  }
0x17: {  	s14 =	simm.s32 @p2 $0x0;
	p2 =	sgt.s32 s16, $0x3FFF  }
0x18: {  	s16 =	smov.u32 @p2 s2;
	p2 =	sne.s32 s11, s7  }
.Ltmp1:
0x19: {  	p1 =	slt.u32 s11, $0x2;
	(pc) =	sbr.rel @!p2 .LBB1_6-.Ltmp1, $4  }
0x1a: {  	s15 =	simm.s32 @!p1 $0x2  }
0x1b: {  	s13 =	smov.u32 s10;
	p0 =	por !p0, !p0;
	_ =	swait.ge @!p1 [sflag:s15], $0x1000  }
0x1c: {  	s12 =	smov.u32 s9;
	[sflag:s15] =	ssyncset.done @!p1 $0x0;
	s9 =	smov.u32 s14  }
0x1d: {  	s11 =	sadd.s32 $0x1, s11;
	[sflag:s15] =	ssyncadd.s32 @!p1 $0xFFFFF000;
	s10 =	smov.u32 s16  }
.LBB1_1:
0x1e: {  	p1 =	sge.u32 s11, s5  }
0x1f: {  	s31 =	sadd.s32 $0xFFFFFFFF, s11;
	s14 =	sxor.u32 @!p1 $0xFFFFFFFF, s11  }
0x20: {  	s15 =	sshll.u32 @!p1 s10, $0x9;
	s16 =	sshll.u32 @!p1 s9, $0x4;
	s17 =	simm.s32 @!p1 $0x1000  }
0x21: {  	s14 =	sshll.u32 @!p1 s14, $0xC;
	s16 =	sand.u32 @!p1 $0x1F0, s16;
	s15 =	sadd.s32 @!p1 s6, s15  }
0x22: {  	s14 =	sand.u32 @!p1 $0x1000, s14;
	s15 =	sadd.s32 @!p1 s16, s15;
	s16 =	simm.s32 @!p1 $0x20  }
0x23: {  	[tilespmem:s14], [sflag:$0x1] =	stream.strided.gather @!p1 [hbm4b:s15+s16], $0x1000, s17, s16, $0x38;
	[tilespmem:$0x4040] =	vst v63  }
0x24: {  	p1 =	sge.u32 s31, s5  }
.Ltmp2:
0x25: {  	_ = 	snop;
	(pc) =	sbr.rel @p1 .LBB1_5-.Ltmp2, $1  }
0x26: {  	_ =	sdelay $0x3  }
0x27: {  	s14 =	simm.s32 $0x1  }
0x28: {  	_ =	swait.ge [sflag:s4], $0x1000;
	s14 =	simm.s32 @!p0 $0x0  }
0x29: {  	[sflag:s4] =	ssyncset.done $0x0;
	s15 =	sshll.u32 s14, $0xC  }
0x2a: {  	[sflag:s4] =	ssyncadd.s32 $0xFFFFF000;
	s18 =	sor.u32 $0x10, s15  }
0x2b: {  	s14 =	smul.u32 $0x4080, s14;
	v1 =	vld [tilespmem:s18+$0x0]  }
0x2c: {  	s30 =	sand.u32 $0x1, s11;
	v0 =	vld [tilespmem:s18+$0xFFFFFFF0]  }
0x2d: {  	s15 =	smul.u32 $0x4080, s30;
	s14 =	sshrl.u32 s14, $0x2  }
0x2e: {  	s16 =	sor.u32 $0x2000, s14  }
0x2f: {  	s31 =	sshrl.u32 s15, $0x2;
	s15 =	sadd.s32 $0x0, s16  }
0x30: {  	s17 =	simm.s32 $0x4;
	s18 =	sadd.s32 $0x20, s18;
	s14 =	sor.u32 $0x2000, s31;
	[tilespmem:s15+$0x810 ss:$0x81] =	vst.msk $0xffff, v1  }
.LBB1_3:
0x31: {  	v1 =	vld [tilespmem:s18+$0x0];
	p1 =	sne.s32 s17, $0x1FC;
	[tilespmem:s15+$0x0 ss:$0x81] =	vst.msk $0xffff, v0;
	s15 =	smov.u32 s17;
	s17 =	sadd.s32 $0x4, s17  }
.Ltmp3:
0x32: {  	v0 =	vld [tilespmem:s18+$0xFFFFFFF0];
	(pc) =	sbr.rel @p1 .LBB1_3-.Ltmp3, $4  }
0x33: {  	_ = 	snop  }
0x34: {  	s15 =	sshra.s32 s15, $0x2  }
0x35: {  	s15 =	sadd.s32 s15, s16  }
0x36: {  	s18 =	sadd.s32 $0x20, s18;
	[tilespmem:s15+$0x810 ss:$0x81] =	vst.msk $0xffff, v1  }
.Ltmp4:
0x37: {  	_ = 	snop;
	(pc) =	sbr.rel .LBB1_4-.Ltmp4, $1  }
0x38: {  	_ =	sdelay $0x3  }
.LBB1_6:
0x39: {  	_ =	sfence.sel $0x180000  }
0x3a: {  	s2 =	simm.s32 $0x1;
	[bflag:$0x0] =	sbarrier.arrive $0xFFFF  }
0x3b: {  	s31 =	simm.s32 $0x2;
	[sflag:s2] =	ssyncpa.u1 $0x1  }
0x3c: {  	[sflag:s31] =	ssyncpa.u1 $0x1  }
0x3d: {  	p0 =	sne.s32 s0, $0x0;
	_ =	strace $0x9000004A  }
0x3e: {  	s0 =	sadd.s32 @!p0 $0x100000, s1;
	[bflag:$0x2] =	sbarrier.arrive $0xFFFF  }
0x3f: {  	[sflag:s0] =	ssyncadd.tile.s32 @!p0 $0x1;
	_ =	shalt  }
.Lfunc_end1:
_tile_overlayer_lowered:
.L_overlay_start_2:
0x40: {  	(tag) =	ssettag $0x2  }
0x41: {  	s0 =	rddreg [dreg:$0x0];
	s2 =	stileid.u32  }
0x42: {  	s1 =	rddreg [dreg:$0x1];
	p0 =	sne.s32 s2, $0x0  }
0x43: {  	s3 =	rddreg [dreg:$0x2];
	[bflag:$0x3] =	sbarrier.arrive $0xFFFF;
	s2 =	simm.s32 @!p0 $0x1C01  }
0x44: {  	[timem:s3], [sflag:s2] =	dma.local @!p0 [hbm:s0], s1  }
0x45: {  	s0 =	simm.s32 @!p0 $0x1  }
0x46: {  	_ =	swait.ge @!p0 [sflag:s0], s1  }
0x47: {  	s1 =	ssub.s32 @!p0 $0x0, s1;
	[sflag:s0] =	ssyncset.done @!p0 $0x0  }
0x48: {  	[sflag:s0] =	ssyncadd.s32 @!p0 s1  }
0x49: {  	[bflag:$0x3] =	sbarrier.arrive $0xFFFF  }
0x4a: {  	_ =	shalt  }

</sc_bundles>
